<compile_context>
chip_gen: v7x
topology: tpu7x:2x2x1
jax: 0.10.2.dev20260603
libtpu: 0.0.44.dev20260713+nightly
codegen_flags: <defaults>
</compile_context>

<pallas_src>
import functools

import jax
import jax.numpy as jnp
from jax import lax
from jax.experimental import pallas as pl
from jax.experimental.pallas import tpu as pltpu
from jax.experimental.pallas import tpu_sc as plsc

EMBED_DIM = 64
PAD_DIM = 128


def kernel(heads, relations, tails, entity_embeddings, relation_embeddings):
    B = heads.shape[0]
    E, D = entity_embeddings.shape
    assert D == EMBED_DIM

    info = plsc.get_sparse_core_info()
    NC, NS, L = info.num_cores, info.num_subcores, info.num_lanes
    NW = NC * NS
    assert B % (8 * NW) == 0
    bpw = B // NW
    CH = bpw // 2

    NFULL = E // PAD_DIM
    TAIL = E - NFULL * PAD_DIM
    per_w = NFULL // NW + (1 if NFULL % NW else 0)

    mesh = plsc.VectorSubcoreMesh(core_axis_name="c", subcore_axis_name="s")

    @functools.partial(
        pl.kernel,
        mesh=mesh,
        out_type=jax.ShapeDtypeStruct((E, PAD_DIM), jnp.float32),
        compiler_params=pltpu.CompilerParams(needs_layout_passes=False),
        scratch_types=[
            pltpu.VMEM((D, PAD_DIM), jnp.float32),
            pltpu.VMEM((PAD_DIM, PAD_DIM), jnp.float32),
        ],
    )
    def relayout(entT_hbm, tail_hbm, out_hbm, in_v, tr_v):
        wid = lax.axis_index("s") * NC + lax.axis_index("c")
        lane = lax.iota(jnp.int32, L)
        diag = [((s + lane) & (L - 1)) for s in range(L)]

        def do_block(j):
            col0 = pl.multiple_of(j * PAD_DIM, PAD_DIM)
            pltpu.sync_copy(entT_hbm.at[:, pl.ds(col0, PAD_DIM)], in_v)

            def egroup(g, carry):
                for q in range(D // L):
                    dvec = q * L + lane
                    for s in range(L):
                        evec = g * L + diag[s]
                        val = plsc.load_gather(in_v, [dvec, evec])
                        plsc.store_scatter(tr_v, [evec, dvec], val)
                return carry

            lax.fori_loop(0, PAD_DIM // L, egroup, 0)
            pltpu.sync_copy(tr_v, out_hbm.at[pl.ds(col0, PAD_DIM)])

        def body(i, carry):
            j = wid * per_w + i

            @pl.when(j < NFULL)
            def _():
                do_block(j)

            return carry

        lax.fori_loop(0, per_w, body, 0)

        if TAIL:
            @pl.when(wid == NW - 1)
            def _():
                pltpu.sync_copy(tail_hbm, tr_v.at[pl.ds(0, TAIL)])
                pltpu.sync_copy(tr_v.at[pl.ds(0, TAIL)],
                                out_hbm.at[pl.ds(NFULL * PAD_DIM, TAIL)])

    @functools.partial(
        pl.kernel,
        mesh=mesh,
        out_type=jax.ShapeDtypeStruct((B,), jnp.float32),
        compiler_params=pltpu.CompilerParams(needs_layout_passes=False),
        scratch_types=[
            pltpu.VMEM((bpw,), jnp.int32),
            pltpu.VMEM((bpw,), jnp.int32),
            pltpu.VMEM((bpw,), jnp.int32),
            pltpu.VMEM((CH, PAD_DIM), jnp.float32),
            pltpu.VMEM((CH, PAD_DIM), jnp.float32),
            pltpu.VMEM((CH, PAD_DIM), jnp.float32),
            pltpu.VMEM((bpw,), jnp.float32),
            pltpu.SemaphoreType.DMA,
        ],
    )
    def trans_e(heads_hbm, rel_hbm, tails_hbm, ent_hbm, relemb_hbm, out_hbm,
                hid_v, rid_v, tid_v, h_v, r_v, t_v, o_v, sem):
        wid = lax.axis_index("s") * NC + lax.axis_index("c")
        base = wid * bpw

        pltpu.sync_copy(heads_hbm.at[pl.ds(base, bpw)], hid_v)
        pltpu.sync_copy(rel_hbm.at[pl.ds(base, bpw)], rid_v)
        pltpu.sync_copy(tails_hbm.at[pl.ds(base, bpw)], tid_v)

        lane = lax.iota(jnp.int32, L)
        last_lane = lane == (L - 1)

        for c in range(bpw // CH):
            csl = pl.ds(c * CH, CH)
            ch = pltpu.async_copy(ent_hbm.at[hid_v.at[csl]], h_v, sem)
            cr = pltpu.async_copy(relemb_hbm.at[rid_v.at[csl]], r_v, sem)
            ct = pltpu.async_copy(ent_hbm.at[tid_v.at[csl]], t_v, sem)
            ch.wait()
            cr.wait()
            ct.wait()

            def row(i, carry):
                acc = jnp.zeros((L,), jnp.float32)
                for q in range(D // L):
                    sl = pl.ds(q * L, L)
                    dv = h_v[i, sl] + r_v[i, sl] - t_v[i, sl]
                    acc = acc + dv * dv
                s = plsc.cumsum(acc)
                plsc.store_scatter(
                    o_v, [jnp.full((L,), c * CH + i, jnp.int32)], s,
                    mask=last_lane)
                return carry

            lax.fori_loop(0, CH, row, 0)

        def newton_sqrt(i, carry):
            sl = pl.ds(i * L, L)
            x = o_v[sl]
            xi = plsc.bitcast(x, jnp.int32)
            y = plsc.bitcast((xi >> 1) + jnp.int32(0x1FBD1DF5), jnp.float32)
            y = 0.5 * (y + x / y)
            y = 0.5 * (y + x / y)
            y = 0.5 * (y + x / y)
            o_v[sl] = y
            return carry

        lax.fori_loop(0, bpw // L, newton_sqrt, 0)

        pltpu.sync_copy(o_v, out_hbm.at[pl.ds(base, bpw)])

    tail_pad = jnp.pad(entity_embeddings[NFULL * PAD_DIM:],
                       ((0, 0), (0, PAD_DIM - D)))
    ent_pad = relayout(entity_embeddings.T, tail_pad)
    rel_pad = jnp.pad(relation_embeddings, ((0, 0), (0, PAD_DIM - D)))
    return trans_e(heads, relations, tails, ent_pad, rel_pad)

# --- scband reference (transcript-rebuilt; emitter-appended) ---
"""Pipeline reference for scband-trans-e-43782896615530 (READ-ONLY COPY).

The authoritative reference and input builder live on the scoring server;
editing this copy changes nothing except your own understanding.
"""

import jax, jax.numpy as jnp
import numpy as np

ENTITY_NUM = 1000000
RELATION_NUM = 1000
EMBED_DIM = 64
BATCH = 16384


def _xavier_uniform(key, shape):
    fan_in, fan_out = shape[0], shape[1]
    limit = jnp.sqrt(6.0 / (fan_in + fan_out))
    return jax.random.uniform(key, shape, dtype=jnp.float32, minval=-limit, maxval=limit)


def setup_inputs(seed: int = 0) -> dict:
    key = jax.random.key(seed)
    k1, k2, k3, k4, k5 = jax.random.split(key, 5)
    heads = jax.random.randint(k1, (BATCH,), 0, ENTITY_NUM, dtype=jnp.int64 if jax.config.jax_enable_x64 else jnp.int32).astype(jnp.int32)
    relations = jax.random.randint(k2, (BATCH,), 0, RELATION_NUM).astype(jnp.int32)
    tails = jax.random.randint(k3, (BATCH,), 0, ENTITY_NUM).astype(jnp.int32)
    entity_embeddings = _xavier_uniform(k4, (ENTITY_NUM, EMBED_DIM))
    relation_embeddings = _xavier_uniform(k5, (RELATION_NUM, EMBED_DIM))
    return {
        "heads": heads,
        "relations": relations,
        "tails": tails,
        "entity_embeddings": entity_embeddings,
        "relation_embeddings": relation_embeddings,
    }


def reference(heads, relations, tails, entity_embeddings, relation_embeddings):
    head_embeds = jnp.take(entity_embeddings, heads, axis=0)
    relation_embeds = jnp.take(relation_embeddings, relations, axis=0)
    tail_embeds = jnp.take(entity_embeddings, tails, axis=0)
    diff = head_embeds + relation_embeds - tail_embeds
    score = jnp.linalg.norm(diff, ord=2, axis=1)
    return score

if __name__ == "__main__":
    import jax
    _d = setup_inputs()
    print(jax.jit(kernel)(*tuple(_d.values())))

</pallas_src>

<mosaic_0001>
#map = affine_map<(d0, d1) -> (0, 0)>
module attributes {stable_mosaic.version = 14 : i64} {
  func.func @relayout(%arg0: i32, %arg1: i32, %arg2: memref<64x1000000xf32, #tpu.memory_space<hbm>>, %arg3: memref<64x128xf32, #tpu.memory_space<hbm>>, %arg4: memref<1000000x128xf32, #tpu.memory_space<hbm>>, %arg5: memref<64x128xf32, #tpu.memory_space<vmem>>, %arg6: memref<128x128xf32, #tpu.memory_space<vmem>>) attributes {dimension_semantics = [#tpu.dimension_semantics<core_parallel>, #tpu.dimension_semantics<subcore_parallel>], iteration_bounds = array<i64: 2, 16>, scalar_prefetch = 0 : i64, scratch_operands = 2 : i64, tpu.core_type = #tpu.core_type<sc_vector_subcore>, window_params = [{transform_indices = #map}, {transform_indices = #map}, {transform_indices = #map}]} {
    %mul3A = arith.constant 2 : i32
    %mul3A_0 = arith.muli %arg1, %mul3A : i32
    %add3A = arith.addi %mul3A_0, %arg0 : i32
    %iota3A = tpu.iota {dimensions = array<i32: 0>} : vector<16xi32>
    %add3A_1 = arith.constant 0 : i32
    %add3A_2 = vector.broadcast %add3A_1 : i32 to vector<16xi32>
    %add3A_3 = arith.addi %add3A_2, %iota3A : vector<16xi32>
    %and3A = arith.constant 15 : i32
    %and3A_4 = vector.broadcast %and3A : i32 to vector<16xi32>
    %and3A_5 = arith.andi %add3A_3, %and3A_4 : vector<16xi32>
    %add3A_6 = arith.constant 1 : i32
    %add3A_7 = vector.broadcast %add3A_6 : i32 to vector<16xi32>
    %add3A_8 = arith.addi %add3A_7, %iota3A : vector<16xi32>
    %and3A_9 = arith.constant 15 : i32
    %and3A_10 = vector.broadcast %and3A_9 : i32 to vector<16xi32>
    %and3A_11 = arith.andi %add3A_8, %and3A_10 : vector<16xi32>
    %add3A_12 = arith.constant 2 : i32
    %add3A_13 = vector.broadcast %add3A_12 : i32 to vector<16xi32>
    %add3A_14 = arith.addi %add3A_13, %iota3A : vector<16xi32>
    %and3A_15 = arith.constant 15 : i32
    %and3A_16 = vector.broadcast %and3A_15 : i32 to vector<16xi32>
    %and3A_17 = arith.andi %add3A_14, %and3A_16 : vector<16xi32>
    %add3A_18 = arith.constant 3 : i32
    %add3A_19 = vector.broadcast %add3A_18 : i32 to vector<16xi32>
    %add3A_20 = arith.addi %add3A_19, %iota3A : vector<16xi32>
    %and3A_21 = arith.constant 15 : i32
    %and3A_22 = vector.broadcast %and3A_21 : i32 to vector<16xi32>
    %and3A_23 = arith.andi %add3A_20, %and3A_22 : vector<16xi32>
    %add3A_24 = arith.constant 4 : i32
    %add3A_25 = vector.broadcast %add3A_24 : i32 to vector<16xi32>
    %add3A_26 = arith.addi %add3A_25, %iota3A : vector<16xi32>
    %and3A_27 = arith.constant 15 : i32
    %and3A_28 = vector.broadcast %and3A_27 : i32 to vector<16xi32>
    %and3A_29 = arith.andi %add3A_26, %and3A_28 : vector<16xi32>
    %add3A_30 = arith.constant 5 : i32
    %add3A_31 = vector.broadcast %add3A_30 : i32 to vector<16xi32>
    %add3A_32 = arith.addi %add3A_31, %iota3A : vector<16xi32>
    %and3A_33 = arith.constant 15 : i32
    %and3A_34 = vector.broadcast %and3A_33 : i32 to vector<16xi32>
    %and3A_35 = arith.andi %add3A_32, %and3A_34 : vector<16xi32>
    %add3A_36 = arith.constant 6 : i32
    %add3A_37 = vector.broadcast %add3A_36 : i32 to vector<16xi32>
    %add3A_38 = arith.addi %add3A_37, %iota3A : vector<16xi32>
    %and3A_39 = arith.constant 15 : i32
    %and3A_40 = vector.broadcast %and3A_39 : i32 to vector<16xi32>
    %and3A_41 = arith.andi %add3A_38, %and3A_40 : vector<16xi32>
    %add3A_42 = arith.constant 7 : i32
    %add3A_43 = vector.broadcast %add3A_42 : i32 to vector<16xi32>
    %add3A_44 = arith.addi %add3A_43, %iota3A : vector<16xi32>
    %and3A_45 = arith.constant 15 : i32
    %and3A_46 = vector.broadcast %and3A_45 : i32 to vector<16xi32>
    %and3A_47 = arith.andi %add3A_44, %and3A_46 : vector<16xi32>
    %add3A_48 = arith.constant 8 : i32
    %add3A_49 = vector.broadcast %add3A_48 : i32 to vector<16xi32>
    %add3A_50 = arith.addi %add3A_49, %iota3A : vector<16xi32>
    %and3A_51 = arith.constant 15 : i32
    %and3A_52 = vector.broadcast %and3A_51 : i32 to vector<16xi32>
    %and3A_53 = arith.andi %add3A_50, %and3A_52 : vector<16xi32>
    %add3A_54 = arith.constant 9 : i32
    %add3A_55 = vector.broadcast %add3A_54 : i32 to vector<16xi32>
    %add3A_56 = arith.addi %add3A_55, %iota3A : vector<16xi32>
    %and3A_57 = arith.constant 15 : i32
    %and3A_58 = vector.broadcast %and3A_57 : i32 to vector<16xi32>
    %and3A_59 = arith.andi %add3A_56, %and3A_58 : vector<16xi32>
    %add3A_60 = arith.constant 10 : i32
    %add3A_61 = vector.broadcast %add3A_60 : i32 to vector<16xi32>
    %add3A_62 = arith.addi %add3A_61, %iota3A : vector<16xi32>
    %and3A_63 = arith.constant 15 : i32
    %and3A_64 = vector.broadcast %and3A_63 : i32 to vector<16xi32>
    %and3A_65 = arith.andi %add3A_62, %and3A_64 : vector<16xi32>
    %add3A_66 = arith.constant 11 : i32
    %add3A_67 = vector.broadcast %add3A_66 : i32 to vector<16xi32>
    %add3A_68 = arith.addi %add3A_67, %iota3A : vector<16xi32>
    %and3A_69 = arith.constant 15 : i32
    %and3A_70 = vector.broadcast %and3A_69 : i32 to vector<16xi32>
    %and3A_71 = arith.andi %add3A_68, %and3A_70 : vector<16xi32>
    %add3A_72 = arith.constant 12 : i32
    %add3A_73 = vector.broadcast %add3A_72 : i32 to vector<16xi32>
    %add3A_74 = arith.addi %add3A_73, %iota3A : vector<16xi32>
    %and3A_75 = arith.constant 15 : i32
    %and3A_76 = vector.broadcast %and3A_75 : i32 to vector<16xi32>
    %and3A_77 = arith.andi %add3A_74, %and3A_76 : vector<16xi32>
    %add3A_78 = arith.constant 13 : i32
    %add3A_79 = vector.broadcast %add3A_78 : i32 to vector<16xi32>
    %add3A_80 = arith.addi %add3A_79, %iota3A : vector<16xi32>
    %and3A_81 = arith.constant 15 : i32
    %and3A_82 = vector.broadcast %and3A_81 : i32 to vector<16xi32>
    %and3A_83 = arith.andi %add3A_80, %and3A_82 : vector<16xi32>
    %add3A_84 = arith.constant 14 : i32
    %add3A_85 = vector.broadcast %add3A_84 : i32 to vector<16xi32>
    %add3A_86 = arith.addi %add3A_85, %iota3A : vector<16xi32>
    %and3A_87 = arith.constant 15 : i32
    %and3A_88 = vector.broadcast %and3A_87 : i32 to vector<16xi32>
    %and3A_89 = arith.andi %add3A_86, %and3A_88 : vector<16xi32>
    %add3A_90 = arith.constant 15 : i32
    %add3A_91 = vector.broadcast %add3A_90 : i32 to vector<16xi32>
    %add3A_92 = arith.addi %add3A_91, %iota3A : vector<16xi32>
    %and3A_93 = arith.constant 15 : i32
    %and3A_94 = vector.broadcast %and3A_93 : i32 to vector<16xi32>
    %and3A_95 = arith.andi %add3A_92, %and3A_94 : vector<16xi32>
    %scan3A = arith.constant 0 : i32
    %scan3A_96 = arith.constant 0 : i32
    %scan3A_97 = arith.constant 245 : i32
    %scan3A_98 = arith.addi %scan3A_96, %scan3A_97 : i32
    %scan3A_99 = arith.constant 1 : i32
    scf.for %scan3A_103 = %scan3A_96 to %scan3A_98 step %scan3A_99  : i32 {
      %mul3A_104 = arith.constant 245 : i32
      %mul3A_105 = arith.muli %add3A, %mul3A_104 : i32
      %add3A_106 = arith.addi %mul3A_105, %scan3A_103 : i32
      %lt3A = arith.constant 7812 : i32
      %lt3A_107 = arith.cmpi slt, %add3A_106, %lt3A : i32
      %convert_element_type3A_108 = arith.extui %lt3A_107 : i1 to i32
      %cond3A_109 = arith.constant 0 : i32
      %cond3A_110 = arith.cmpi ne, %convert_element_type3A_108, %cond3A_109 : i32
      scf.if %cond3A_110 {
        %mul3A_111 = arith.constant 128 : i32
        %mul3A_112 = arith.muli %add3A_106, %mul3A_111 : i32
        %multiple_of3A = tpu.assume_multiple %mul3A_112, 128 : i32
        "tpu.region"() ({
          %run_scoped3A = tpu.sem_alloc : memref<!tpu.dma_semaphore, #tpu.memory_space<semaphore_mem>>
          %dma_start3A = arith.constant 0 : i32
          %dma_start3A_119 = tpu.memref_slice %arg2[%dma_start3A, %multiple_of3A] : memref<64x1000000xf32, #tpu.memory_space<hbm>> -> memref<64x128xf32, #tpu.memory_space<hbm>>
          %dma_start3A_120 = arith.constant 0 : i32
          %dma_start3A_121 = tpu.memref_slice %arg2[%dma_start3A_120, %multiple_of3A] : memref<64x1000000xf32, #tpu.memory_space<hbm>> -> memref<64x128xf32, #tpu.memory_space<hbm>>
          tpu.enqueue_dma source(%dma_start3A_121 : memref<64x128xf32, #tpu.memory_space<hbm>>) target(%arg5 : memref<64x128xf32, #tpu.memory_space<vmem>>) target_semaphore(%run_scoped3A : memref<!tpu.dma_semaphore, #tpu.memory_space<semaphore_mem>>)
          %dma_wait3A = arith.constant 0 : i32
          %dma_wait3A_122 = tpu.memref_slice %arg2[%dma_wait3A, %multiple_of3A] : memref<64x1000000xf32, #tpu.memory_space<hbm>> -> memref<64x128xf32, #tpu.memory_space<hbm>>
          %dma_wait3A_123 = arith.constant 0 : i32
          %dma_wait3A_124 = tpu.memref_slice %arg2[%dma_wait3A_123, %multiple_of3A] : memref<64x1000000xf32, #tpu.memory_space<hbm>> -> memref<64x128xf32, #tpu.memory_space<hbm>>
          tpu.wait_dma2 semaphore(%run_scoped3A : memref<!tpu.dma_semaphore, #tpu.memory_space<semaphore_mem>>) src(%dma_wait3A_124 : memref<64x128xf32, #tpu.memory_space<hbm>>) dst(%arg5 : memref<64x128xf32, #tpu.memory_space<vmem>>)
          tpu.yield
        }) : () -> ()
        %scan3A_113 = arith.constant 0 : i32
        %scan3A_114 = arith.constant 0 : i32
        %scan3A_115 = arith.constant 8 : i32
        %scan3A_116 = arith.addi %scan3A_114, %scan3A_115 : i32
        %scan3A_117 = arith.constant 1 : i32
        scf.for %scan3A_119 = %scan3A_114 to %scan3A_116 step %scan3A_117  : i32 {
          %add3A_120 = arith.constant 0 : i32
          %add3A_121 = vector.broadcast %add3A_120 : i32 to vector<16xi32>
          %add3A_122 = arith.addi %add3A_121, %iota3A : vector<16xi32>
          %mul3A_123 = arith.constant 16 : i32
          %mul3A_124 = arith.muli %scan3A_119, %mul3A_123 : i32
          %add3A_125 = vector.broadcast %mul3A_124 : i32 to vector<16xi32>
          %add3A_126 = arith.addi %add3A_125, %and3A_5 : vector<16xi32>
          %gather3A = tpu.vector_load_idx %arg5[%add3A_122, %add3A_126] : memref<64x128xf32, #tpu.memory_space<vmem>>[vector<16xi32>, vector<16xi32>], vector<16xf32>,
          tpu.vector_store_idx %arg6[%add3A_126, %add3A_122], %gather3A : memref<128x128xf32, #tpu.memory_space<vmem>>[vector<16xi32>, vector<16xi32>], vector<16xf32>,
          %mul3A_127 = arith.constant 16 : i32
          %mul3A_128 = arith.muli %scan3A_119, %mul3A_127 : i32
          %add3A_129 = vector.broadcast %mul3A_128 : i32 to vector<16xi32>
          %add3A_130 = arith.addi %add3A_129, %and3A_11 : vector<16xi32>
          %gather3A_131 = tpu.vector_load_idx %arg5[%add3A_122, %add3A_130] : memref<64x128xf32, #tpu.memory_space<vmem>>[vector<16xi32>, vector<16xi32>], vector<16xf32>,
          tpu.vector_store_idx %arg6[%add3A_130, %add3A_122], %gather3A_131 : memref<128x128xf32, #tpu.memory_space<vmem>>[vector<16xi32>, vector<16xi32>], vector<16xf32>,
          %mul3A_132 = arith.constant 16 : i32
          %mul3A_133 = arith.muli %scan3A_119, %mul3A_132 : i32
          %add3A_134 = vector.broadcast %mul3A_133 : i32 to vector<16xi32>
          %add3A_135 = arith.addi %add3A_134, %and3A_17 : vector<16xi32>
          %gather3A_136 = tpu.vector_load_idx %arg5[%add3A_122, %add3A_135] : memref<64x128xf32, #tpu.memory_space<vmem>>[vector<16xi32>, vector<16xi32>], vector<16xf32>,
          tpu.vector_store_idx %arg6[%add3A_135, %add3A_122], %gather3A_136 : memref<128x128xf32, #tpu.memory_space<vmem>>[vector<16xi32>, vector<16xi32>], vector<16xf32>,
          %mul3A_137 = arith.constant 16 : i32
          %mul3A_138 = arith.muli %scan3A_119, %mul3A_137 : i32
          %add3A_139 = vector.broadcast %mul3A_138 : i32 to vector<16xi32>
          %add3A_140 = arith.addi %add3A_139, %and3A_23 : vector<16xi32>
          %gather3A_141 = tpu.vector_load_idx %arg5[%add3A_122, %add3A_140] : memref<64x128xf32, #tpu.memory_space<vmem>>[vector<16xi32>, vector<16xi32>], vector<16xf32>,
          tpu.vector_store_idx %arg6[%add3A_140, %add3A_122], %gather3A_141 : memref<128x128xf32, #tpu.memory_space<vmem>>[vector<16xi32>, vector<16xi32>], vector<16xf32>,
          %mul3A_142 = arith.constant 16 : i32
          %mul3A_143 = arith.muli %scan3A_119, %mul3A_142 : i32
          %add3A_144 = vector.broadcast %mul3A_143 : i32 to vector<16xi32>
          %add3A_145 = arith.addi %add3A_144, %and3A_29 : vector<16xi32>
          %gather3A_146 = tpu.vector_load_idx %arg5[%add3A_122, %add3A_145] : memref<64x128xf32, #tpu.memory_space<vmem>>[vector<16xi32>, vector<16xi32>], vector<16xf32>,
          tpu.vector_store_idx %arg6[%add3A_145, %add3A_122], %gather3A_146 : memref<128x128xf32, #tpu.memory_space<vmem>>[vector<16xi32>, vector<16xi32>], vector<16xf32>,
          %mul3A_147 = arith.constant 16 : i32
          %mul3A_148 = arith.muli %scan3A_119, %mul3A_147 : i32
          %add3A_149 = vector.broadcast %mul3A_148 : i32 to vector<16xi32>
          %add3A_150 = arith.addi %add3A_149, %and3A_35 : vector<16xi32>
          %gather3A_151 = tpu.vector_load_idx %arg5[%add3A_122, %add3A_150] : memref<64x128xf32, #tpu.memory_space<vmem>>[vector<16xi32>, vector<16xi32>], vector<16xf32>,
          tpu.vector_store_idx %arg6[%add3A_150, %add3A_122], %gather3A_151 : memref<128x128xf32, #tpu.memory_space<vmem>>[vector<16xi32>, vector<16xi32>], vector<16xf32>,
          %mul3A_152 = arith.constant 16 : i32
          %mul3A_153 = arith.muli %scan3A_119, %mul3A_152 : i32
          %add3A_154 = vector.broadcast %mul3A_153 : i32 to vector<16xi32>
          %add3A_155 = arith.addi %add3A_154, %and3A_41 : vector<16xi32>
          %gather3A_156 = tpu.vector_load_idx %arg5[%add3A_122, %add3A_155] : memref<64x128xf32, #tpu.memory_space<vmem>>[vector<16xi32>, vector<16xi32>], vector<16xf32>,
          tpu.vector_store_idx %arg6[%add3A_155, %add3A_122], %gather3A_156 : memref<128x128xf32, #tpu.memory_space<vmem>>[vector<16xi32>, vector<16xi32>], vector<16xf32>,
          %mul3A_157 = arith.constant 16 : i32
          %mul3A_158 = arith.muli %scan3A_119, %mul3A_157 : i32
          %add3A_159 = vector.broadcast %mul3A_158 : i32 to vector<16xi32>
          %add3A_160 = arith.addi %add3A_159, %and3A_47 : vector<16xi32>
          %gather3A_161 = tpu.vector_load_idx %arg5[%add3A_122, %add3A_160] : memref<64x128xf32, #tpu.memory_space<vmem>>[vector<16xi32>, vector<16xi32>], vector<16xf32>,
          tpu.vector_store_idx %arg6[%add3A_160, %add3A_122], %gather3A_161 : memref<128x128xf32, #tpu.memory_space<vmem>>[vector<16xi32>, vector<16xi32>], vector<16xf32>,
          %mul3A_162 = arith.constant 16 : i32
          %mul3A_163 = arith.muli %scan3A_119, %mul3A_162 : i32
          %add3A_164 = vector.broadcast %mul3A_163 : i32 to vector<16xi32>
          %add3A_165 = arith.addi %add3A_164, %and3A_53 : vector<16xi32>
          %gather3A_166 = tpu.vector_load_idx %arg5[%add3A_122, %add3A_165] : memref<64x128xf32, #tpu.memory_space<vmem>>[vector<16xi32>, vector<16xi32>], vector<16xf32>,
          tpu.vector_store_idx %arg6[%add3A_165, %add3A_122], %gather3A_166 : memref<128x128xf32, #tpu.memory_space<vmem>>[vector<16xi32>, vector<16xi32>], vector<16xf32>,
          %mul3A_167 = arith.constant 16 : i32
          %mul3A_168 = arith.muli %scan3A_119, %mul3A_167 : i32
          %add3A_169 = vector.broadcast %mul3A_168 : i32 to vector<16xi32>
          %add3A_170 = arith.addi %add3A_169, %and3A_59 : vector<16xi32>
          %gather3A_171 = tpu.vector_load_idx %arg5[%add3A_122, %add3A_170] : memref<64x128xf32, #tpu.memory_space<vmem>>[vector<16xi32>, vector<16xi32>], vector<16xf32>,
          tpu.vector_store_idx %arg6[%add3A_170, %add3A_122], %gather3A_171 : memref<128x128xf32, #tpu.memory_space<vmem>>[vector<16xi32>, vector<16xi32>], vector<16xf32>,
          %mul3A_172 = arith.constant 16 : i32
          %mul3A_173 = arith.muli %scan3A_119, %mul3A_172 : i32
          %add3A_174 = vector.broadcast %mul3A_173 : i32 to vector<16xi32>
          %add3A_175 = arith.addi %add3A_174, %and3A_65 : vector<16xi32>
          %gather3A_176 = tpu.vector_load_idx %arg5[%add3A_122, %add3A_175] : memref<64x128xf32, #tpu.memory_space<vmem>>[vector<16xi32>, vector<16xi32>], vector<16xf32>,
          tpu.vector_store_idx %arg6[%add3A_175, %add3A_122], %gather3A_176 : memref<128x128xf32, #tpu.memory_space<vmem>>[vector<16xi32>, vector<16xi32>], vector<16xf32>,
          %mul3A_177 = arith.constant 16 : i32
          %mul3A_178 = arith.muli %scan3A_119, %mul3A_177 : i32
          %add3A_179 = vector.broadcast %mul3A_178 : i32 to vector<16xi32>
          %add3A_180 = arith.addi %add3A_179, %and3A_71 : vector<16xi32>
          %gather3A_181 = tpu.vector_load_idx %arg5[%add3A_122, %add3A_180] : memref<64x128xf32, #tpu.memory_space<vmem>>[vector<16xi32>, vector<16xi32>], vector<16xf32>,
          tpu.vector_store_idx %arg6[%add3A_180, %add3A_122], %gather3A_181 : memref<128x128xf32, #tpu.memory_space<vmem>>[vector<16xi32>, vector<16xi32>], vector<16xf32>,
          %mul3A_182 = arith.constant 16 : i32
          %mul3A_183 = arith.muli %scan3A_119, %mul3A_182 : i32
          %add3A_184 = vector.broadcast %mul3A_183 : i32 to vector<16xi32>
          %add3A_185 = arith.addi %add3A_184, %and3A_77 : vector<16xi32>
          %gather3A_186 = tpu.vector_load_idx %arg5[%add3A_122, %add3A_185] : memref<64x128xf32, #tpu.memory_space<vmem>>[vector<16xi32>, vector<16xi32>], vector<16xf32>,
          tpu.vector_store_idx %arg6[%add3A_185, %add3A_122], %gather3A_186 : memref<128x128xf32, #tpu.memory_space<vmem>>[vector<16xi32>, vector<16xi32>], vector<16xf32>,
          %mul3A_187 = arith.constant 16 : i32
          %mul3A_188 = arith.muli %scan3A_119, %mul3A_187 : i32
          %add3A_189 = vector.broadcast %mul3A_188 : i32 to vector<16xi32>
          %add3A_190 = arith.addi %add3A_189, %and3A_83 : vector<16xi32>
          %gather3A_191 = tpu.vector_load_idx %arg5[%add3A_122, %add3A_190] : memref<64x128xf32, #tpu.memory_space<vmem>>[vector<16xi32>, vector<16xi32>], vector<16xf32>,
          tpu.vector_store_idx %arg6[%add3A_190, %add3A_122], %gather3A_191 : memref<128x128xf32, #tpu.memory_space<vmem>>[vector<16xi32>, vector<16xi32>], vector<16xf32>,
          %mul3A_192 = arith.constant 16 : i32
          %mul3A_193 = arith.muli %scan3A_119, %mul3A_192 : i32
          %add3A_194 = vector.broadcast %mul3A_193 : i32 to vector<16xi32>
          %add3A_195 = arith.addi %add3A_194, %and3A_89 : vector<16xi32>
          %gather3A_196 = tpu.vector_load_idx %arg5[%add3A_122, %add3A_195] : memref<64x128xf32, #tpu.memory_space<vmem>>[vector<16xi32>, vector<16xi32>], vector<16xf32>,
          tpu.vector_store_idx %arg6[%add3A_195, %add3A_122], %gather3A_196 : memref<128x128xf32, #tpu.memory_space<vmem>>[vector<16xi32>, vector<16xi32>], vector<16xf32>,
          %mul3A_197 = arith.constant 16 : i32
          %mul3A_198 = arith.muli %scan3A_119, %mul3A_197 : i32
          %add3A_199 = vector.broadcast %mul3A_198 : i32 to vector<16xi32>
          %add3A_200 = arith.addi %add3A_199, %and3A_95 : vector<16xi32>
          %gather3A_201 = tpu.vector_load_idx %arg5[%add3A_122, %add3A_200] : memref<64x128xf32, #tpu.memory_space<vmem>>[vector<16xi32>, vector<16xi32>], vector<16xf32>,
          tpu.vector_store_idx %arg6[%add3A_200, %add3A_122], %gather3A_201 : memref<128x128xf32, #tpu.memory_space<vmem>>[vector<16xi32>, vector<16xi32>], vector<16xf32>,
          %add3A_202 = arith.constant 16 : i32
          %add3A_203 = vector.broadcast %add3A_202 : i32 to vector<16xi32>
          %add3A_204 = arith.addi %add3A_203, %iota3A : vector<16xi32>
          %mul3A_205 = arith.constant 16 : i32
          %mul3A_206 = arith.muli %scan3A_119, %mul3A_205 : i32
          %add3A_207 = vector.broadcast %mul3A_206 : i32 to vector<16xi32>
          %add3A_208 = arith.addi %add3A_207, %and3A_5 : vector<16xi32>
          %gather3A_209 = tpu.vector_load_idx %arg5[%add3A_204, %add3A_208] : memref<64x128xf32, #tpu.memory_space<vmem>>[vector<16xi32>, vector<16xi32>], vector<16xf32>,
          tpu.vector_store_idx %arg6[%add3A_208, %add3A_204], %gather3A_209 : memref<128x128xf32, #tpu.memory_space<vmem>>[vector<16xi32>, vector<16xi32>], vector<16xf32>,
          %mul3A_210 = arith.constant 16 : i32
          %mul3A_211 = arith.muli %scan3A_119, %mul3A_210 : i32
          %add3A_212 = vector.broadcast %mul3A_211 : i32 to vector<16xi32>
          %add3A_213 = arith.addi %add3A_212, %and3A_11 : vector<16xi32>
          %gather3A_214 = tpu.vector_load_idx %arg5[%add3A_204, %add3A_213] : memref<64x128xf32, #tpu.memory_space<vmem>>[vector<16xi32>, vector<16xi32>], vector<16xf32>,
          tpu.vector_store_idx %arg6[%add3A_213, %add3A_204], %gather3A_214 : memref<128x128xf32, #tpu.memory_space<vmem>>[vector<16xi32>, vector<16xi32>], vector<16xf32>,
          %mul3A_215 = arith.constant 16 : i32
          %mul3A_216 = arith.muli %scan3A_119, %mul3A_215 : i32
          %add3A_217 = vector.broadcast %mul3A_216 : i32 to vector<16xi32>
          %add3A_218 = arith.addi %add3A_217, %and3A_17 : vector<16xi32>
          %gather3A_219 = tpu.vector_load_idx %arg5[%add3A_204, %add3A_218] : memref<64x128xf32, #tpu.memory_space<vmem>>[vector<16xi32>, vector<16xi32>], vector<16xf32>,
          tpu.vector_store_idx %arg6[%add3A_218, %add3A_204], %gather3A_219 : memref<128x128xf32, #tpu.memory_space<vmem>>[vector<16xi32>, vector<16xi32>], vector<16xf32>,
          %mul3A_220 = arith.constant 16 : i32
          %mul3A_221 = arith.muli %scan3A_119, %mul3A_220 : i32
          %add3A_222 = vector.broadcast %mul3A_221 : i32 to vector<16xi32>
          %add3A_223 = arith.addi %add3A_222, %and3A_23 : vector<16xi32>
          %gather3A_224 = tpu.vector_load_idx %arg5[%add3A_204, %add3A_223] : memref<64x128xf32, #tpu.memory_space<vmem>>[vector<16xi32>, vector<16xi32>], vector<16xf32>,
          tpu.vector_store_idx %arg6[%add3A_223, %add3A_204], %gather3A_224 : memref<128x128xf32, #tpu.memory_space<vmem>>[vector<16xi32>, vector<16xi32>], vector<16xf32>,
          %mul3A_225 = arith.constant 16 : i32
          %mul3A_226 = arith.muli %scan3A_119, %mul3A_225 : i32
          %add3A_227 = vector.broadcast %mul3A_226 : i32 to vector<16xi32>
          %add3A_228 = arith.addi %add3A_227, %and3A_29 : vector<16xi32>
          %gather3A_229 = tpu.vector_load_idx %arg5[%add3A_204, %add3A_228] : memref<64x128xf32, #tpu.memory_space<vmem>>[vector<16xi32>, vector<16xi32>], vector<16xf32>,
          tpu.vector_store_idx %arg6[%add3A_228, %add3A_204], %gather3A_229 : memref<128x128xf32, #tpu.memory_space<vmem>>[vector<16xi32>, vector<16xi32>], vector<16xf32>,
          %mul3A_230 = arith.constant 16 : i32
          %mul3A_231 = arith.muli %scan3A_119, %mul3A_230 : i32
          %add3A_232 = vector.broadcast %mul3A_231 : i32 to vector<16xi32>
          %add3A_233 = arith.addi %add3A_232, %and3A_35 : vector<16xi32>
          %gather3A_234 = tpu.vector_load_idx %arg5[%add3A_204, %add3A_233] : memref<64x128xf32, #tpu.memory_space<vmem>>[vector<16xi32>, vector<16xi32>], vector<16xf32>,
          tpu.vector_store_idx %arg6[%add3A_233, %add3A_204], %gather3A_234 : memref<128x128xf32, #tpu.memory_space<vmem>>[vector<16xi32>, vector<16xi32>], vector<16xf32>,
          %mul3A_235 = arith.constant 16 : i32
          %mul3A_236 = arith.muli %scan3A_119, %mul3A_235 : i32
          %add3A_237 = vector.broadcast %mul3A_236 : i32 to vector<16xi32>
          %add3A_238 = arith.addi %add3A_237, %and3A_41 : vector<16xi32>
          %gather3A_239 = tpu.vector_load_idx %arg5[%add3A_204, %add3A_238] : memref<64x128xf32, #tpu.memory_space<vmem>>[vector<16xi32>, vector<16xi32>], vector<16xf32>,
          tpu.vector_store_idx %arg6[%add3A_238, %add3A_204], %gather3A_239 : memref<128x128xf32, #tpu.memory_space<vmem>>[vector<16xi32>, vector<16xi32>], vector<16xf32>,
          %mul3A_240 = arith.constant 16 : i32
          %mul3A_241 = arith.muli %scan3A_119, %mul3A_240 : i32
          %add3A_242 = vector.broadcast %mul3A_241 : i32 to vector<16xi32>
          %add3A_243 = arith.addi %add3A_242, %and3A_47 : vector<16xi32>
          %gather3A_244 = tpu.vector_load_idx %arg5[%add3A_204, %add3A_243] : memref<64x128xf32, #tpu.memory_space<vmem>>[vector<16xi32>, vector<16xi32>], vector<16xf32>,
          tpu.vector_store_idx %arg6[%add3A_243, %add3A_204], %gather3A_244 : memref<128x128xf32, #tpu.memory_space<vmem>>[vector<16xi32>, vector<16xi32>], vector<16xf32>,
          %mul3A_245 = arith.constant 16 : i32
          %mul3A_246 = arith.muli %scan3A_119, %mul3A_245 : i32
          %add3A_247 = vector.broadcast %mul3A_246 : i32 to vector<16xi32>
          %add3A_248 = arith.addi %add3A_247, %and3A_53 : vector<16xi32>
          %gather3A_249 = tpu.vector_load_idx %arg5[%add3A_204, %add3A_248] : memref<64x128xf32, #tpu.memory_space<vmem>>[vector<16xi32>, vector<16xi32>], vector<16xf32>,
          tpu.vector_store_idx %arg6[%add3A_248, %add3A_204], %gather3A_249 : memref<128x128xf32, #tpu.memory_space<vmem>>[vector<16xi32>, vector<16xi32>], vector<16xf32>,
          %mul3A_250 = arith.constant 16 : i32
          %mul3A_251 = arith.muli %scan3A_119, %mul3A_250 : i32
          %add3A_252 = vector.broadcast %mul3A_251 : i32 to vector<16xi32>
          %add3A_253 = arith.addi %add3A_252, %and3A_59 : vector<16xi32>
          %gather3A_254 = tpu.vector_load_idx %arg5[%add3A_204, %add3A_253] : memref<64x128xf32, #tpu.memory_space<vmem>>[vector<16xi32>, vector<16xi32>], vector<16xf32>,
          tpu.vector_store_idx %arg6[%add3A_253, %add3A_204], %gather3A_254 : memref<128x128xf32, #tpu.memory_space<vmem>>[vector<16xi32>, vector<16xi32>], vector<16xf32>,
          %mul3A_255 = arith.constant 16 : i32
          %mul3A_256 = arith.muli %scan3A_119, %mul3A_255 : i32
          %add3A_257 = vector.broadcast %mul3A_256 : i32 to vector<16xi32>
          %add3A_258 = arith.addi %add3A_257, %and3A_65 : vector<16xi32>
          %gather3A_259 = tpu.vector_load_idx %arg5[%add3A_204, %add3A_258] : memref<64x128xf32, #tpu.memory_space<vmem>>[vector<16xi32>, vector<16xi32>], vector<16xf32>,
          tpu.vector_store_idx %arg6[%add3A_258, %add3A_204], %gather3A_259 : memref<128x128xf32, #tpu.memory_space<vmem>>[vector<16xi32>, vector<16xi32>], vector<16xf32>,
          %mul3A_260 = arith.constant 16 : i32
          %mul3A_261 = arith.muli %scan3A_119, %mul3A_260 : i32
          %add3A_262 = vector.broadcast %mul3A_261 : i32 to vector<16xi32>
          %add3A_263 = arith.addi %add3A_262, %and3A_71 : vector<16xi32>
          %gather3A_264 = tpu.vector_load_idx %arg5[%add3A_204, %add3A_263] : memref<64x128xf32, #tpu.memory_space<vmem>>[vector<16xi32>, vector<16xi32>], vector<16xf32>,
          tpu.vector_store_idx %arg6[%add3A_263, %add3A_204], %gather3A_264 : memref<128x128xf32, #tpu.memory_space<vmem>>[vector<16xi32>, vector<16xi32>], vector<16xf32>,
          %mul3A_265 = arith.constant 16 : i32
          %mul3A_266 = arith.muli %scan3A_119, %mul3A_265 : i32
          %add3A_267 = vector.broadcast %mul3A_266 : i32 to vector<16xi32>
          %add3A_268 = arith.addi %add3A_267, %and3A_77 : vector<16xi32>
          %gather3A_269 = tpu.vector_load_idx %arg5[%add3A_204, %add3A_268] : memref<64x128xf32, #tpu.memory_space<vmem>>[vector<16xi32>, vector<16xi32>], vector<16xf32>,
          tpu.vector_store_idx %arg6[%add3A_268, %add3A_204], %gather3A_269 : memref<128x128xf32, #tpu.memory_space<vmem>>[vector<16xi32>, vector<16xi32>], vector<16xf32>,
          %mul3A_270 = arith.constant 16 : i32
          %mul3A_271 = arith.muli %scan3A_119, %mul3A_270 : i32
          %add3A_272 = vector.broadcast %mul3A_271 : i32 to vector<16xi32>
          %add3A_273 = arith.addi %add3A_272, %and3A_83 : vector<16xi32>
          %gather3A_274 = tpu.vector_load_idx %arg5[%add3A_204, %add3A_273] : memref<64x128xf32, #tpu.memory_space<vmem>>[vector<16xi32>, vector<16xi32>], vector<16xf32>,
          tpu.vector_store_idx %arg6[%add3A_273, %add3A_204], %gather3A_274 : memref<128x128xf32, #tpu.memory_space<vmem>>[vector<16xi32>, vector<16xi32>], vector<16xf32>,
          %mul3A_275 = arith.constant 16 : i32
          %mul3A_276 = arith.muli %scan3A_119, %mul3A_275 : i32
          %add3A_277 = vector.broadcast %mul3A_276 : i32 to vector<16xi32>
          %add3A_278 = arith.addi %add3A_277, %and3A_89 : vector<16xi32>
          %gather3A_279 = tpu.vector_load_idx %arg5[%add3A_204, %add3A_278] : memref<64x128xf32, #tpu.memory_space<vmem>>[vector<16xi32>, vector<16xi32>], vector<16xf32>,
          tpu.vector_store_idx %arg6[%add3A_278, %add3A_204], %gather3A_279 : memref<128x128xf32, #tpu.memory_space<vmem>>[vector<16xi32>, vector<16xi32>], vector<16xf32>,
          %mul3A_280 = arith.constant 16 : i32
          %mul3A_281 = arith.muli %scan3A_119, %mul3A_280 : i32
          %add3A_282 = vector.broadcast %mul3A_281 : i32 to vector<16xi32>
          %add3A_283 = arith.addi %add3A_282, %and3A_95 : vector<16xi32>
          %gather3A_284 = tpu.vector_load_idx %arg5[%add3A_204, %add3A_283] : memref<64x128xf32, #tpu.memory_space<vmem>>[vector<16xi32>, vector<16xi32>], vector<16xf32>,
          tpu.vector_store_idx %arg6[%add3A_283, %add3A_204], %gather3A_284 : memref<128x128xf32, #tpu.memory_space<vmem>>[vector<16xi32>, vector<16xi32>], vector<16xf32>,
          %add3A_285 = arith.constant 32 : i32
          %add3A_286 = vector.broadcast %add3A_285 : i32 to vector<16xi32>
          %add3A_287 = arith.addi %add3A_286, %iota3A : vector<16xi32>
          %mul3A_288 = arith.constant 16 : i32
          %mul3A_289 = arith.muli %scan3A_119, %mul3A_288 : i32
          %add3A_290 = vector.broadcast %mul3A_289 : i32 to vector<16xi32>
          %add3A_291 = arith.addi %add3A_290, %and3A_5 : vector<16xi32>
          %gather3A_292 = tpu.vector_load_idx %arg5[%add3A_287, %add3A_291] : memref<64x128xf32, #tpu.memory_space<vmem>>[vector<16xi32>, vector<16xi32>], vector<16xf32>,
          tpu.vector_store_idx %arg6[%add3A_291, %add3A_287], %gather3A_292 : memref<128x128xf32, #tpu.memory_space<vmem>>[vector<16xi32>, vector<16xi32>], vector<16xf32>,
          %mul3A_293 = arith.constant 16 : i32
          %mul3A_294 = arith.muli %scan3A_119, %mul3A_293 : i32
          %add3A_295 = vector.broadcast %mul3A_294 : i32 to vector<16xi32>
          %add3A_296 = arith.addi %add3A_295, %and3A_11 : vector<16xi32>
          %gather3A_297 = tpu.vector_load_idx %arg5[%add3A_287, %add3A_296] : memref<64x128xf32, #tpu.memory_space<vmem>>[vector<16xi32>, vector<16xi32>], vector<16xf32>,
          tpu.vector_store_idx %arg6[%add3A_296, %add3A_287], %gather3A_297 : memref<128x128xf32, #tpu.memory_space<vmem>>[vector<16xi32>, vector<16xi32>], vector<16xf32>,
          %mul3A_298 = arith.constant 16 : i32
          %mul3A_299 = arith.muli %scan3A_119, %mul3A_298 : i32
          %add3A_300 = vector.broadcast %mul3A_299 : i32 to vector<16xi32>
          %add3A_301 = arith.addi %add3A_300, %and3A_17 : vector<16xi32>
          %gather3A_302 = tpu.vector_load_idx %arg5[%add3A_287, %add3A_301] : memref<64x128xf32, #tpu.memory_space<vmem>>[vector<16xi32>, vector<16xi32>], vector<16xf32>,
          tpu.vector_store_idx %arg6[%add3A_301, %add3A_287], %gather3A_302 : memref<128x128xf32, #tpu.memory_space<vmem>>[vector<16xi32>, vector<16xi32>], vector<16xf32>,
          %mul3A_303 = arith.constant 16 : i32
          %mul3A_304 = arith.muli %scan3A_119, %mul3A_303 : i32
          %add3A_305 = vector.broadcast %mul3A_304 : i32 to vector<16xi32>
          %add3A_306 = arith.addi %add3A_305, %and3A_23 : vector<16xi32>
          %gather3A_307 = tpu.vector_load_idx %arg5[%add3A_287, %add3A_306] : memref<64x128xf32, #tpu.memory_space<vmem>>[vector<16xi32>, vector<16xi32>], vector<16xf32>,
          tpu.vector_store_idx %arg6[%add3A_306, %add3A_287], %gather3A_307 : memref<128x128xf32, #tpu.memory_space<vmem>>[vector<16xi32>, vector<16xi32>], vector<16xf32>,
          %mul3A_308 = arith.constant 16 : i32
          %mul3A_309 = arith.muli %scan3A_119, %mul3A_308 : i32
          %add3A_310 = vector.broadcast %mul3A_309 : i32 to vector<16xi32>
          %add3A_311 = arith.addi %add3A_310, %and3A_29 : vector<16xi32>
          %gather3A_312 = tpu.vector_load_idx %arg5[%add3A_287, %add3A_311] : memref<64x128xf32, #tpu.memory_space<vmem>>[vector<16xi32>, vector<16xi32>], vector<16xf32>,
          tpu.vector_store_idx %arg6[%add3A_311, %add3A_287], %gather3A_312 : memref<128x128xf32, #tpu.memory_space<vmem>>[vector<16xi32>, vector<16xi32>], vector<16xf32>,
          %mul3A_313 = arith.constant 16 : i32
          %mul3A_314 = arith.muli %scan3A_119, %mul3A_313 : i32
          %add3A_315 = vector.broadcast %mul3A_314 : i32 to vector<16xi32>
          %add3A_316 = arith.addi %add3A_315, %and3A_35 : vector<16xi32>
          %gather3A_317 = tpu.vector_load_idx %arg5[%add3A_287, %add3A_316] : memref<64x128xf32, #tpu.memory_space<vmem>>[vector<16xi32>, vector<16xi32>], vector<16xf32>,
          tpu.vector_store_idx %arg6[%add3A_316, %add3A_287], %gather3A_317 : memref<128x128xf32, #tpu.memory_space<vmem>>[vector<16xi32>, vector<16xi32>], vector<16xf32>,
          %mul3A_318 = arith.constant 16 : i32
          %mul3A_319 = arith.muli %scan3A_119, %mul3A_318 : i32
          %add3A_320 = vector.broadcast %mul3A_319 : i32 to vector<16xi32>
          %add3A_321 = arith.addi %add3A_320, %and3A_41 : vector<16xi32>
          %gather3A_322 = tpu.vector_load_idx %arg5[%add3A_287, %add3A_321] : memref<64x128xf32, #tpu.memory_space<vmem>>[vector<16xi32>, vector<16xi32>], vector<16xf32>,
          tpu.vector_store_idx %arg6[%add3A_321, %add3A_287], %gather3A_322 : memref<128x128xf32, #tpu.memory_space<vmem>>[vector<16xi32>, vector<16xi32>], vector<16xf32>,
          %mul3A_323 = arith.constant 16 : i32
          %mul3A_324 = arith.muli %scan3A_119, %mul3A_323 : i32
          %add3A_325 = vector.broadcast %mul3A_324 : i32 to vector<16xi32>
          %add3A_326 = arith.addi %add3A_325, %and3A_47 : vector<16xi32>
          %gather3A_327 = tpu.vector_load_idx %arg5[%add3A_287, %add3A_326] : memref<64x128xf32, #tpu.memory_space<vmem>>[vector<16xi32>, vector<16xi32>], vector<16xf32>,
          tpu.vector_store_idx %arg6[%add3A_326, %add3A_287], %gather3A_327 : memref<128x128xf32, #tpu.memory_space<vmem>>[vector<16xi32>, vector<16xi32>], vector<16xf32>,
          %mul3A_328 = arith.constant 16 : i32
          %mul3A_329 = arith.muli %scan3A_119, %mul3A_328 : i32
          %add3A_330 = vector.broadcast %mul3A_329 : i32 to vector<16xi32>
          %add3A_331 = arith.addi %add3A_330, %and3A_53 : vector<16xi32>
          %gather3A_332 = tpu.vector_load_idx %arg5[%add3A_287, %add3A_331] : memref<64x128xf32, #tpu.memory_space<vmem>>[vector<16xi32>, vector<16xi32>], vector<16xf32>,
          tpu.vector_store_idx %arg6[%add3A_331, %add3A_287], %gather3A_332 : memref<128x128xf32, #tpu.memory_space<vmem>>[vector<16xi32>, vector<16xi32>], vector<16xf32>,
          %mul3A_333 = arith.constant 16 : i32
          %mul3A_334 = arith.muli %scan3A_119, %mul3A_333 : i32
          %add3A_335 = vector.broadcast %mul3A_334 : i32 to vector<16xi32>
          %add3A_336 = arith.addi %add3A_335, %and3A_59 : vector<16xi32>
          %gather3A_337 = tpu.vector_load_idx %arg5[%add3A_287, %add3A_336] : memref<64x128xf32, #tpu.memory_space<vmem>>[vector<16xi32>, vector<16xi32>], vector<16xf32>,
          tpu.vector_store_idx %arg6[%add3A_336, %add3A_287], %gather3A_337 : memref<128x128xf32, #tpu.memory_space<vmem>>[vector<16xi32>, vector<16xi32>], vector<16xf32>,
          %mul3A_338 = arith.constant 16 : i32
          %mul3A_339 = arith.muli %scan3A_119, %mul3A_338 : i32
          %add3A_340 = vector.broadcast %mul3A_339 : i32 to vector<16xi32>
          %add3A_341 = arith.addi %add3A_340, %and3A_65 : vector<16xi32>
          %gather3A_342 = tpu.vector_load_idx %arg5[%add3A_287, %add3A_341] : memref<64x128xf32, #tpu.memory_space<vmem>>[vector<16xi32>, vector<16xi32>], vector<16xf32>,
          tpu.vector_store_idx %arg6[%add3A_341, %add3A_287], %gather3A_342 : memref<128x128xf32, #tpu.memory_space<vmem>>[vector<16xi32>, vector<16xi32>], vector<16xf32>,
          %mul3A_343 = arith.constant 16 : i32
          %mul3A_344 = arith.muli %scan3A_119, %mul3A_343 : i32
          %add3A_345 = vector.broadcast %mul3A_344 : i32 to vector<16xi32>
          %add3A_346 = arith.addi %add3A_345, %and3A_71 : vector<16xi32>
          %gather3A_347 = tpu.vector_load_idx %arg5[%add3A_287, %add3A_346] : memref<64x128xf32, #tpu.memory_space<vmem>>[vector<16xi32>, vector<16xi32>], vector<16xf32>,
          tpu.vector_store_idx %arg6[%add3A_346, %add3A_287], %gather3A_347 : memref<128x128xf32, #tpu.memory_space<vmem>>[vector<16xi32>, vector<16xi32>], vector<16xf32>,
          %mul3A_348 = arith.constant 16 : i32
          %mul3A_349 = arith.muli %scan3A_119, %mul3A_348 : i32
          %add3A_350 = vector.broadcast %mul3A_349 : i32 to vector<16xi32>
          %add3A_351 = arith.addi %add3A_350, %and3A_77 : vector<16xi32>
          %gather3A_352 = tpu.vector_load_idx %arg5[%add3A_287, %add3A_351] : memref<64x128xf32, #tpu.memory_space<vmem>>[vector<16xi32>, vector<16xi32>], vector<16xf32>,
          tpu.vector_store_idx %arg6[%add3A_351, %add3A_287], %gather3A_352 : memref<128x128xf32, #tpu.memory_space<vmem>>[vector<16xi32>, vector<16xi32>], vector<16xf32>,
          %mul3A_353 = arith.constant 16 : i32
          %mul3A_354 = arith.muli %scan3A_119, %mul3A_353 : i32
          %add3A_355 = vector.broadcast %mul3A_354 : i32 to vector<16xi32>
          %add3A_356 = arith.addi %add3A_355, %and3A_83 : vector<16xi32>
          %gather3A_357 = tpu.vector_load_idx %arg5[%add3A_287, %add3A_356] : memref<64x128xf32, #tpu.memory_space<vmem>>[vector<16xi32>, vector<16xi32>], vector<16xf32>,
          tpu.vector_store_idx %arg6[%add3A_356, %add3A_287], %gather3A_357 : memref<128x128xf32, #tpu.memory_space<vmem>>[vector<16xi32>, vector<16xi32>], vector<16xf32>,
          %mul3A_358 = arith.constant 16 : i32
          %mul3A_359 = arith.muli %scan3A_119, %mul3A_358 : i32
          %add3A_360 = vector.broadcast %mul3A_359 : i32 to vector<16xi32>
          %add3A_361 = arith.addi %add3A_360, %and3A_89 : vector<16xi32>
          %gather3A_362 = tpu.vector_load_idx %arg5[%add3A_287, %add3A_361] : memref<64x128xf32, #tpu.memory_space<vmem>>[vector<16xi32>, vector<16xi32>], vector<16xf32>,
          tpu.vector_store_idx %arg6[%add3A_361, %add3A_287], %gather3A_362 : memref<128x128xf32, #tpu.memory_space<vmem>>[vector<16xi32>, vector<16xi32>], vector<16xf32>,
          %mul3A_363 = arith.constant 16 : i32
          %mul3A_364 = arith.muli %scan3A_119, %mul3A_363 : i32
          %add3A_365 = vector.broadcast %mul3A_364 : i32 to vector<16xi32>
          %add3A_366 = arith.addi %add3A_365, %and3A_95 : vector<16xi32>
          %gather3A_367 = tpu.vector_load_idx %arg5[%add3A_287, %add3A_366] : memref<64x128xf32, #tpu.memory_space<vmem>>[vector<16xi32>, vector<16xi32>], vector<16xf32>,
          tpu.vector_store_idx %arg6[%add3A_366, %add3A_287], %gather3A_367 : memref<128x128xf32, #tpu.memory_space<vmem>>[vector<16xi32>, vector<16xi32>], vector<16xf32>,
          %add3A_368 = arith.constant 48 : i32
          %add3A_369 = vector.broadcast %add3A_368 : i32 to vector<16xi32>
          %add3A_370 = arith.addi %add3A_369, %iota3A : vector<16xi32>
          %mul3A_371 = arith.constant 16 : i32
          %mul3A_372 = arith.muli %scan3A_119, %mul3A_371 : i32
          %add3A_373 = vector.broadcast %mul3A_372 : i32 to vector<16xi32>
          %add3A_374 = arith.addi %add3A_373, %and3A_5 : vector<16xi32>
          %gather3A_375 = tpu.vector_load_idx %arg5[%add3A_370, %add3A_374] : memref<64x128xf32, #tpu.memory_space<vmem>>[vector<16xi32>, vector<16xi32>], vector<16xf32>,
          tpu.vector_store_idx %arg6[%add3A_374, %add3A_370], %gather3A_375 : memref<128x128xf32, #tpu.memory_space<vmem>>[vector<16xi32>, vector<16xi32>], vector<16xf32>,
          %mul3A_376 = arith.constant 16 : i32
          %mul3A_377 = arith.muli %scan3A_119, %mul3A_376 : i32
          %add3A_378 = vector.broadcast %mul3A_377 : i32 to vector<16xi32>
          %add3A_379 = arith.addi %add3A_378, %and3A_11 : vector<16xi32>
          %gather3A_380 = tpu.vector_load_idx %arg5[%add3A_370, %add3A_379] : memref<64x128xf32, #tpu.memory_space<vmem>>[vector<16xi32>, vector<16xi32>], vector<16xf32>,
          tpu.vector_store_idx %arg6[%add3A_379, %add3A_370], %gather3A_380 : memref<128x128xf32, #tpu.memory_space<vmem>>[vector<16xi32>, vector<16xi32>], vector<16xf32>,
          %mul3A_381 = arith.constant 16 : i32
          %mul3A_382 = arith.muli %scan3A_119, %mul3A_381 : i32
          %add3A_383 = vector.broadcast %mul3A_382 : i32 to vector<16xi32>
          %add3A_384 = arith.addi %add3A_383, %and3A_17 : vector<16xi32>
          %gather3A_385 = tpu.vector_load_idx %arg5[%add3A_370, %add3A_384] : memref<64x128xf32, #tpu.memory_space<vmem>>[vector<16xi32>, vector<16xi32>], vector<16xf32>,
          tpu.vector_store_idx %arg6[%add3A_384, %add3A_370], %gather3A_385 : memref<128x128xf32, #tpu.memory_space<vmem>>[vector<16xi32>, vector<16xi32>], vector<16xf32>,
          %mul3A_386 = arith.constant 16 : i32
          %mul3A_387 = arith.muli %scan3A_119, %mul3A_386 : i32
          %add3A_388 = vector.broadcast %mul3A_387 : i32 to vector<16xi32>
          %add3A_389 = arith.addi %add3A_388, %and3A_23 : vector<16xi32>
          %gather3A_390 = tpu.vector_load_idx %arg5[%add3A_370, %add3A_389] : memref<64x128xf32, #tpu.memory_space<vmem>>[vector<16xi32>, vector<16xi32>], vector<16xf32>,
          tpu.vector_store_idx %arg6[%add3A_389, %add3A_370], %gather3A_390 : memref<128x128xf32, #tpu.memory_space<vmem>>[vector<16xi32>, vector<16xi32>], vector<16xf32>,
          %mul3A_391 = arith.constant 16 : i32
          %mul3A_392 = arith.muli %scan3A_119, %mul3A_391 : i32
          %add3A_393 = vector.broadcast %mul3A_392 : i32 to vector<16xi32>
          %add3A_394 = arith.addi %add3A_393, %and3A_29 : vector<16xi32>
          %gather3A_395 = tpu.vector_load_idx %arg5[%add3A_370, %add3A_394] : memref<64x128xf32, #tpu.memory_space<vmem>>[vector<16xi32>, vector<16xi32>], vector<16xf32>,
          tpu.vector_store_idx %arg6[%add3A_394, %add3A_370], %gather3A_395 : memref<128x128xf32, #tpu.memory_space<vmem>>[vector<16xi32>, vector<16xi32>], vector<16xf32>,
          %mul3A_396 = arith.constant 16 : i32
          %mul3A_397 = arith.muli %scan3A_119, %mul3A_396 : i32
          %add3A_398 = vector.broadcast %mul3A_397 : i32 to vector<16xi32>
          %add3A_399 = arith.addi %add3A_398, %and3A_35 : vector<16xi32>
          %gather3A_400 = tpu.vector_load_idx %arg5[%add3A_370, %add3A_399] : memref<64x128xf32, #tpu.memory_space<vmem>>[vector<16xi32>, vector<16xi32>], vector<16xf32>,
          tpu.vector_store_idx %arg6[%add3A_399, %add3A_370], %gather3A_400 : memref<128x128xf32, #tpu.memory_space<vmem>>[vector<16xi32>, vector<16xi32>], vector<16xf32>,
          %mul3A_401 = arith.constant 16 : i32
          %mul3A_402 = arith.muli %scan3A_119, %mul3A_401 : i32
          %add3A_403 = vector.broadcast %mul3A_402 : i32 to vector<16xi32>
          %add3A_404 = arith.addi %add3A_403, %and3A_41 : vector<16xi32>
          %gather3A_405 = tpu.vector_load_idx %arg5[%add3A_370, %add3A_404] : memref<64x128xf32, #tpu.memory_space<vmem>>[vector<16xi32>, vector<16xi32>], vector<16xf32>,
          tpu.vector_store_idx %arg6[%add3A_404, %add3A_370], %gather3A_405 : memref<128x128xf32, #tpu.memory_space<vmem>>[vector<16xi32>, vector<16xi32>], vector<16xf32>,
          %mul3A_406 = arith.constant 16 : i32
          %mul3A_407 = arith.muli %scan3A_119, %mul3A_406 : i32
          %add3A_408 = vector.broadcast %mul3A_407 : i32 to vector<16xi32>
          %add3A_409 = arith.addi %add3A_408, %and3A_47 : vector<16xi32>
          %gather3A_410 = tpu.vector_load_idx %arg5[%add3A_370, %add3A_409] : memref<64x128xf32, #tpu.memory_space<vmem>>[vector<16xi32>, vector<16xi32>], vector<16xf32>,
          tpu.vector_store_idx %arg6[%add3A_409, %add3A_370], %gather3A_410 : memref<128x128xf32, #tpu.memory_space<vmem>>[vector<16xi32>, vector<16xi32>], vector<16xf32>,
          %mul3A_411 = arith.constant 16 : i32
          %mul3A_412 = arith.muli %scan3A_119, %mul3A_411 : i32
          %add3A_413 = vector.broadcast %mul3A_412 : i32 to vector<16xi32>
          %add3A_414 = arith.addi %add3A_413, %and3A_53 : vector<16xi32>
          %gather3A_415 = tpu.vector_load_idx %arg5[%add3A_370, %add3A_414] : memref<64x128xf32, #tpu.memory_space<vmem>>[vector<16xi32>, vector<16xi32>], vector<16xf32>,
          tpu.vector_store_idx %arg6[%add3A_414, %add3A_370], %gather3A_415 : memref<128x128xf32, #tpu.memory_space<vmem>>[vector<16xi32>, vector<16xi32>], vector<16xf32>,
          %mul3A_416 = arith.constant 16 : i32
          %mul3A_417 = arith.muli %scan3A_119, %mul3A_416 : i32
          %add3A_418 = vector.broadcast %mul3A_417 : i32 to vector<16xi32>
          %add3A_419 = arith.addi %add3A_418, %and3A_59 : vector<16xi32>
          %gather3A_420 = tpu.vector_load_idx %arg5[%add3A_370, %add3A_419] : memref<64x128xf32, #tpu.memory_space<vmem>>[vector<16xi32>, vector<16xi32>], vector<16xf32>,
          tpu.vector_store_idx %arg6[%add3A_419, %add3A_370], %gather3A_420 : memref<128x128xf32, #tpu.memory_space<vmem>>[vector<16xi32>, vector<16xi32>], vector<16xf32>,
          %mul3A_421 = arith.constant 16 : i32
          %mul3A_422 = arith.muli %scan3A_119, %mul3A_421 : i32
          %add3A_423 = vector.broadcast %mul3A_422 : i32 to vector<16xi32>
          %add3A_424 = arith.addi %add3A_423, %and3A_65 : vector<16xi32>
          %gather3A_425 = tpu.vector_load_idx %arg5[%add3A_370, %add3A_424] : memref<64x128xf32, #tpu.memory_space<vmem>>[vector<16xi32>, vector<16xi32>], vector<16xf32>,
          tpu.vector_store_idx %arg6[%add3A_424, %add3A_370], %gather3A_425 : memref<128x128xf32, #tpu.memory_space<vmem>>[vector<16xi32>, vector<16xi32>], vector<16xf32>,
          %mul3A_426 = arith.constant 16 : i32
          %mul3A_427 = arith.muli %scan3A_119, %mul3A_426 : i32
          %add3A_428 = vector.broadcast %mul3A_427 : i32 to vector<16xi32>
          %add3A_429 = arith.addi %add3A_428, %and3A_71 : vector<16xi32>
          %gather3A_430 = tpu.vector_load_idx %arg5[%add3A_370, %add3A_429] : memref<64x128xf32, #tpu.memory_space<vmem>>[vector<16xi32>, vector<16xi32>], vector<16xf32>,
          tpu.vector_store_idx %arg6[%add3A_429, %add3A_370], %gather3A_430 : memref<128x128xf32, #tpu.memory_space<vmem>>[vector<16xi32>, vector<16xi32>], vector<16xf32>,
          %mul3A_431 = arith.constant 16 : i32
          %mul3A_432 = arith.muli %scan3A_119, %mul3A_431 : i32
          %add3A_433 = vector.broadcast %mul3A_432 : i32 to vector<16xi32>
          %add3A_434 = arith.addi %add3A_433, %and3A_77 : vector<16xi32>
          %gather3A_435 = tpu.vector_load_idx %arg5[%add3A_370, %add3A_434] : memref<64x128xf32, #tpu.memory_space<vmem>>[vector<16xi32>, vector<16xi32>], vector<16xf32>,
          tpu.vector_store_idx %arg6[%add3A_434, %add3A_370], %gather3A_435 : memref<128x128xf32, #tpu.memory_space<vmem>>[vector<16xi32>, vector<16xi32>], vector<16xf32>,
          %mul3A_436 = arith.constant 16 : i32
          %mul3A_437 = arith.muli %scan3A_119, %mul3A_436 : i32
          %add3A_438 = vector.broadcast %mul3A_437 : i32 to vector<16xi32>
          %add3A_439 = arith.addi %add3A_438, %and3A_83 : vector<16xi32>
          %gather3A_440 = tpu.vector_load_idx %arg5[%add3A_370, %add3A_439] : memref<64x128xf32, #tpu.memory_space<vmem>>[vector<16xi32>, vector<16xi32>], vector<16xf32>,
          tpu.vector_store_idx %arg6[%add3A_439, %add3A_370], %gather3A_440 : memref<128x128xf32, #tpu.memory_space<vmem>>[vector<16xi32>, vector<16xi32>], vector<16xf32>,
          %mul3A_441 = arith.constant 16 : i32
          %mul3A_442 = arith.muli %scan3A_119, %mul3A_441 : i32
          %add3A_443 = vector.broadcast %mul3A_442 : i32 to vector<16xi32>
          %add3A_444 = arith.addi %add3A_443, %and3A_89 : vector<16xi32>
          %gather3A_445 = tpu.vector_load_idx %arg5[%add3A_370, %add3A_444] : memref<64x128xf32, #tpu.memory_space<vmem>>[vector<16xi32>, vector<16xi32>], vector<16xf32>,
          tpu.vector_store_idx %arg6[%add3A_444, %add3A_370], %gather3A_445 : memref<128x128xf32, #tpu.memory_space<vmem>>[vector<16xi32>, vector<16xi32>], vector<16xf32>,
          %mul3A_446 = arith.constant 16 : i32
          %mul3A_447 = arith.muli %scan3A_119, %mul3A_446 : i32
          %add3A_448 = vector.broadcast %mul3A_447 : i32 to vector<16xi32>
          %add3A_449 = arith.addi %add3A_448, %and3A_95 : vector<16xi32>
          %gather3A_450 = tpu.vector_load_idx %arg5[%add3A_370, %add3A_449] : memref<64x128xf32, #tpu.memory_space<vmem>>[vector<16xi32>, vector<16xi32>], vector<16xf32>,
          tpu.vector_store_idx %arg6[%add3A_449, %add3A_370], %gather3A_450 : memref<128x128xf32, #tpu.memory_space<vmem>>[vector<16xi32>, vector<16xi32>], vector<16xf32>,
        }
        %scan3A_118 = arith.constant 8 : i32
        "tpu.region"() ({
          %run_scoped3A = tpu.sem_alloc : memref<!tpu.dma_semaphore, #tpu.memory_space<semaphore_mem>>
          %dma_start3A = arith.constant 0 : i32
          %dma_start3A_119 = tpu.memref_slice %arg4[%multiple_of3A, %dma_start3A] : memref<1000000x128xf32, #tpu.memory_space<hbm>> -> memref<128x128xf32, #tpu.memory_space<hbm>>
          %dma_start3A_120 = arith.constant 0 : i32
          %dma_start3A_121 = tpu.memref_slice %arg4[%multiple_of3A, %dma_start3A_120] : memref<1000000x128xf32, #tpu.memory_space<hbm>> -> memref<128x128xf32, #tpu.memory_space<hbm>>
          tpu.enqueue_dma source(%arg6 : memref<128x128xf32, #tpu.memory_space<vmem>>) target(%dma_start3A_121 : memref<128x128xf32, #tpu.memory_space<hbm>>) target_semaphore(%run_scoped3A : memref<!tpu.dma_semaphore, #tpu.memory_space<semaphore_mem>>)
          %dma_wait3A = arith.constant 0 : i32
          %dma_wait3A_122 = tpu.memref_slice %arg4[%multiple_of3A, %dma_wait3A] : memref<1000000x128xf32, #tpu.memory_space<hbm>> -> memref<128x128xf32, #tpu.memory_space<hbm>>
          %dma_wait3A_123 = arith.constant 0 : i32
          %dma_wait3A_124 = tpu.memref_slice %arg4[%multiple_of3A, %dma_wait3A_123] : memref<1000000x128xf32, #tpu.memory_space<hbm>> -> memref<128x128xf32, #tpu.memory_space<hbm>>
          tpu.wait_dma2 semaphore(%run_scoped3A : memref<!tpu.dma_semaphore, #tpu.memory_space<semaphore_mem>>) src(%arg6 : memref<128x128xf32, #tpu.memory_space<vmem>>) dst(%dma_wait3A_124 : memref<128x128xf32, #tpu.memory_space<hbm>>)
          tpu.yield
        }) : () -> ()
      } else {
      }
    }
    %scan3A_100 = arith.constant 245 : i32
    %eq3A = arith.constant 31 : i32
    %eq3A_101 = arith.cmpi eq, %add3A, %eq3A : i32
    %convert_element_type3A = arith.extui %eq3A_101 : i1 to i32
    %cond3A = arith.constant 0 : i32
    %cond3A_102 = arith.cmpi ne, %convert_element_type3A, %cond3A : i32
    scf.if %cond3A_102 {
      "tpu.region"() ({
        %run_scoped3A = tpu.sem_alloc : memref<!tpu.dma_semaphore, #tpu.memory_space<semaphore_mem>>
        %dma_start3A = arith.constant 0 : i32
        %dma_start3A_103 = arith.constant 0 : i32
        %dma_start3A_104 = tpu.memref_slice %arg6[%dma_start3A, %dma_start3A_103] : memref<128x128xf32, #tpu.memory_space<vmem>> -> memref<64x128xf32, #tpu.memory_space<vmem>>
        %dma_start3A_105 = arith.constant 0 : i32
        %dma_start3A_106 = arith.constant 0 : i32
        %dma_start3A_107 = tpu.memref_slice %arg6[%dma_start3A_105, %dma_start3A_106] : memref<128x128xf32, #tpu.memory_space<vmem>> -> memref<64x128xf32, #tpu.memory_space<vmem>>
        tpu.enqueue_dma source(%arg3 : memref<64x128xf32, #tpu.memory_space<hbm>>) target(%dma_start3A_107 : memref<64x128xf32, #tpu.memory_space<vmem>>) target_semaphore(%run_scoped3A : memref<!tpu.dma_semaphore, #tpu.memory_space<semaphore_mem>>)
        %dma_wait3A = arith.constant 0 : i32
        %dma_wait3A_108 = arith.constant 0 : i32
        %dma_wait3A_109 = tpu.memref_slice %arg6[%dma_wait3A, %dma_wait3A_108] : memref<128x128xf32, #tpu.memory_space<vmem>> -> memref<64x128xf32, #tpu.memory_space<vmem>>
        %dma_wait3A_110 = arith.constant 0 : i32
        %dma_wait3A_111 = arith.constant 0 : i32
        %dma_wait3A_112 = tpu.memref_slice %arg6[%dma_wait3A_110, %dma_wait3A_111] : memref<128x128xf32, #tpu.memory_space<vmem>> -> memref<64x128xf32, #tpu.memory_space<vmem>>
        tpu.wait_dma2 semaphore(%run_scoped3A : memref<!tpu.dma_semaphore, #tpu.memory_space<semaphore_mem>>) src(%arg3 : memref<64x128xf32, #tpu.memory_space<hbm>>) dst(%dma_wait3A_112 : memref<64x128xf32, #tpu.memory_space<vmem>>)
        tpu.yield
      }) : () -> ()
      "tpu.region"() ({
        %run_scoped3A = tpu.sem_alloc : memref<!tpu.dma_semaphore, #tpu.memory_space<semaphore_mem>>
        %dma_start3A = arith.constant 0 : i32
        %dma_start3A_103 = arith.constant 0 : i32
        %dma_start3A_104 = tpu.memref_slice %arg6[%dma_start3A, %dma_start3A_103] : memref<128x128xf32, #tpu.memory_space<vmem>> -> memref<64x128xf32, #tpu.memory_space<vmem>>
        %dma_start3A_105 = arith.constant 999936 : i32
        %dma_start3A_106 = arith.constant 0 : i32
        %dma_start3A_107 = tpu.memref_slice %arg4[%dma_start3A_105, %dma_start3A_106] : memref<1000000x128xf32, #tpu.memory_space<hbm>> -> memref<64x128xf32, #tpu.memory_space<hbm>>
        %dma_start3A_108 = arith.constant 999936 : i32
        %dma_start3A_109 = arith.constant 0 : i32
        %dma_start3A_110 = tpu.memref_slice %arg4[%dma_start3A_108, %dma_start3A_109] : memref<1000000x128xf32, #tpu.memory_space<hbm>> -> memref<64x128xf32, #tpu.memory_space<hbm>>
        %dma_start3A_111 = arith.constant 0 : i32
        %dma_start3A_112 = arith.constant 0 : i32
        %dma_start3A_113 = tpu.memref_slice %arg6[%dma_start3A_111, %dma_start3A_112] : memref<128x128xf32, #tpu.memory_space<vmem>> -> memref<64x128xf32, #tpu.memory_space<vmem>>
        tpu.enqueue_dma source(%dma_start3A_113 : memref<64x128xf32, #tpu.memory_space<vmem>>) target(%dma_start3A_110 : memref<64x128xf32, #tpu.memory_space<hbm>>) target_semaphore(%run_scoped3A : memref<!tpu.dma_semaphore, #tpu.memory_space<semaphore_mem>>)
        %dma_wait3A = arith.constant 0 : i32
        %dma_wait3A_114 = arith.constant 0 : i32
        %dma_wait3A_115 = tpu.memref_slice %arg6[%dma_wait3A, %dma_wait3A_114] : memref<128x128xf32, #tpu.memory_space<vmem>> -> memref<64x128xf32, #tpu.memory_space<vmem>>
        %dma_wait3A_116 = arith.constant 999936 : i32
        %dma_wait3A_117 = arith.constant 0 : i32
        %dma_wait3A_118 = tpu.memref_slice %arg4[%dma_wait3A_116, %dma_wait3A_117] : memref<1000000x128xf32, #tpu.memory_space<hbm>> -> memref<64x128xf32, #tpu.memory_space<hbm>>
        %dma_wait3A_119 = arith.constant 999936 : i32
        %dma_wait3A_120 = arith.constant 0 : i32
        %dma_wait3A_121 = tpu.memref_slice %arg4[%dma_wait3A_119, %dma_wait3A_120] : memref<1000000x128xf32, #tpu.memory_space<hbm>> -> memref<64x128xf32, #tpu.memory_space<hbm>>
        %dma_wait3A_122 = arith.constant 0 : i32
        %dma_wait3A_123 = arith.constant 0 : i32
        %dma_wait3A_124 = tpu.memref_slice %arg6[%dma_wait3A_122, %dma_wait3A_123] : memref<128x128xf32, #tpu.memory_space<vmem>> -> memref<64x128xf32, #tpu.memory_space<vmem>>
        tpu.wait_dma2 semaphore(%run_scoped3A : memref<!tpu.dma_semaphore, #tpu.memory_space<semaphore_mem>>) src(%dma_wait3A_124 : memref<64x128xf32, #tpu.memory_space<vmem>>) dst(%dma_wait3A_121 : memref<64x128xf32, #tpu.memory_space<hbm>>)
        tpu.yield
      }) : () -> ()
    } else {
    }
    return
  }
}

#map = affine_map<(d0, d1) -> (0)>
#map1 = affine_map<(d0, d1) -> (0, 0)>
module attributes {stable_mosaic.version = 14 : i64} {
  func.func @trans_e(%arg0: i32, %arg1: i32, %arg2: memref<16384xi32, #tpu.memory_space<hbm>>, %arg3: memref<16384xi32, #tpu.memory_space<hbm>>, %arg4: memref<16384xi32, #tpu.memory_space<hbm>>, %arg5: memref<1000000x128xf32, #tpu.memory_space<hbm>>, %arg6: memref<1000x128xf32, #tpu.memory_space<hbm>>, %arg7: memref<16384xf32, #tpu.memory_space<hbm>>, %arg8: memref<512xi32, #tpu.memory_space<vmem>>, %arg9: memref<512xi32, #tpu.memory_space<vmem>>, %arg10: memref<512xi32, #tpu.memory_space<vmem>>, %arg11: memref<256x128xf32, #tpu.memory_space<vmem>>, %arg12: memref<256x128xf32, #tpu.memory_space<vmem>>, %arg13: memref<256x128xf32, #tpu.memory_space<vmem>>, %arg14: memref<512xf32, #tpu.memory_space<vmem>>, %arg15: memref<!tpu.dma_semaphore, #tpu.memory_space<semaphore_mem>>) attributes {dimension_semantics = [#tpu.dimension_semantics<core_parallel>, #tpu.dimension_semantics<subcore_parallel>], iteration_bounds = array<i64: 2, 16>, scalar_prefetch = 0 : i64, scratch_operands = 8 : i64, tpu.core_type = #tpu.core_type<sc_vector_subcore>, window_params = [{transform_indices = #map}, {transform_indices = #map}, {transform_indices = #map}, {transform_indices = #map1}, {transform_indices = #map1}, {transform_indices = #map}]} {
    %mul3A = arith.constant 2 : i32
    %mul3A_0 = arith.muli %arg1, %mul3A : i32
    %add3A = arith.addi %mul3A_0, %arg0 : i32
    %mul3A_1 = arith.constant 512 : i32
    %mul3A_2 = arith.muli %add3A, %mul3A_1 : i32
    "tpu.region"() ({
      %run_scoped3A = tpu.sem_alloc : memref<!tpu.dma_semaphore, #tpu.memory_space<semaphore_mem>>
      %dma_start3A_80 = tpu.memref_slice %arg2[%mul3A_2] : memref<16384xi32, #tpu.memory_space<hbm>> -> memref<512xi32, #tpu.memory_space<hbm>>
      %dma_start3A_81 = tpu.memref_slice %arg2[%mul3A_2] : memref<16384xi32, #tpu.memory_space<hbm>> -> memref<512xi32, #tpu.memory_space<hbm>>
      tpu.enqueue_dma source(%dma_start3A_81 : memref<512xi32, #tpu.memory_space<hbm>>) target(%arg8 : memref<512xi32, #tpu.memory_space<vmem>>) target_semaphore(%run_scoped3A : memref<!tpu.dma_semaphore, #tpu.memory_space<semaphore_mem>>)
      %dma_wait3A_82 = tpu.memref_slice %arg2[%mul3A_2] : memref<16384xi32, #tpu.memory_space<hbm>> -> memref<512xi32, #tpu.memory_space<hbm>>
      %dma_wait3A_83 = tpu.memref_slice %arg2[%mul3A_2] : memref<16384xi32, #tpu.memory_space<hbm>> -> memref<512xi32, #tpu.memory_space<hbm>>
      tpu.wait_dma2 semaphore(%run_scoped3A : memref<!tpu.dma_semaphore, #tpu.memory_space<semaphore_mem>>) src(%dma_wait3A_83 : memref<512xi32, #tpu.memory_space<hbm>>) dst(%arg8 : memref<512xi32, #tpu.memory_space<vmem>>)
      tpu.yield
    }) : () -> ()
    "tpu.region"() ({
      %run_scoped3A = tpu.sem_alloc : memref<!tpu.dma_semaphore, #tpu.memory_space<semaphore_mem>>
      %dma_start3A_80 = tpu.memref_slice %arg3[%mul3A_2] : memref<16384xi32, #tpu.memory_space<hbm>> -> memref<512xi32, #tpu.memory_space<hbm>>
      %dma_start3A_81 = tpu.memref_slice %arg3[%mul3A_2] : memref<16384xi32, #tpu.memory_space<hbm>> -> memref<512xi32, #tpu.memory_space<hbm>>
      tpu.enqueue_dma source(%dma_start3A_81 : memref<512xi32, #tpu.memory_space<hbm>>) target(%arg9 : memref<512xi32, #tpu.memory_space<vmem>>) target_semaphore(%run_scoped3A : memref<!tpu.dma_semaphore, #tpu.memory_space<semaphore_mem>>)
      %dma_wait3A_82 = tpu.memref_slice %arg3[%mul3A_2] : memref<16384xi32, #tpu.memory_space<hbm>> -> memref<512xi32, #tpu.memory_space<hbm>>
      %dma_wait3A_83 = tpu.memref_slice %arg3[%mul3A_2] : memref<16384xi32, #tpu.memory_space<hbm>> -> memref<512xi32, #tpu.memory_space<hbm>>
      tpu.wait_dma2 semaphore(%run_scoped3A : memref<!tpu.dma_semaphore, #tpu.memory_space<semaphore_mem>>) src(%dma_wait3A_83 : memref<512xi32, #tpu.memory_space<hbm>>) dst(%arg9 : memref<512xi32, #tpu.memory_space<vmem>>)
      tpu.yield
    }) : () -> ()
    "tpu.region"() ({
      %run_scoped3A = tpu.sem_alloc : memref<!tpu.dma_semaphore, #tpu.memory_space<semaphore_mem>>
      %dma_start3A_80 = tpu.memref_slice %arg4[%mul3A_2] : memref<16384xi32, #tpu.memory_space<hbm>> -> memref<512xi32, #tpu.memory_space<hbm>>
      %dma_start3A_81 = tpu.memref_slice %arg4[%mul3A_2] : memref<16384xi32, #tpu.memory_space<hbm>> -> memref<512xi32, #tpu.memory_space<hbm>>
      tpu.enqueue_dma source(%dma_start3A_81 : memref<512xi32, #tpu.memory_space<hbm>>) target(%arg10 : memref<512xi32, #tpu.memory_space<vmem>>) target_semaphore(%run_scoped3A : memref<!tpu.dma_semaphore, #tpu.memory_space<semaphore_mem>>)
      %dma_wait3A_82 = tpu.memref_slice %arg4[%mul3A_2] : memref<16384xi32, #tpu.memory_space<hbm>> -> memref<512xi32, #tpu.memory_space<hbm>>
      %dma_wait3A_83 = tpu.memref_slice %arg4[%mul3A_2] : memref<16384xi32, #tpu.memory_space<hbm>> -> memref<512xi32, #tpu.memory_space<hbm>>
      tpu.wait_dma2 semaphore(%run_scoped3A : memref<!tpu.dma_semaphore, #tpu.memory_space<semaphore_mem>>) src(%dma_wait3A_83 : memref<512xi32, #tpu.memory_space<hbm>>) dst(%arg10 : memref<512xi32, #tpu.memory_space<vmem>>)
      tpu.yield
    }) : () -> ()
    %iota3A = tpu.iota {dimensions = array<i32: 0>} : vector<16xi32>
    %eq3A = arith.constant 15 : i32
    %eq3A_3 = vector.broadcast %eq3A : i32 to vector<16xi32>
    %eq3A_4 = arith.cmpi eq, %iota3A, %eq3A_3 : vector<16xi32>
    %dma_start3A = arith.constant 0 : i32
    %dma_start3A_5 = tpu.memref_slice %arg8[%dma_start3A] : memref<512xi32, #tpu.memory_space<vmem>> -> memref<256xi32, #tpu.memory_space<vmem>>
    %dma_start3A_6 = arith.constant 0 : i32
    %dma_start3A_7 = arith.constant 0 : i32
    %dma_start3A_8 = tpu.memref_slice %arg5[%dma_start3A_6, %dma_start3A_7] : memref<1000000x128xf32, #tpu.memory_space<hbm>> -> memref<1000000x128xf32, #tpu.memory_space<hbm>>
    tpu.enqueue_indirect_dma source(%dma_start3A_8 : memref<1000000x128xf32, #tpu.memory_space<hbm>>) target(%arg11 : memref<256x128xf32, #tpu.memory_space<vmem>>) offsets(%dma_start3A_5 : memref<256xi32, #tpu.memory_space<vmem>>) semaphore(%arg15 : memref<!tpu.dma_semaphore, #tpu.memory_space<semaphore_mem>>)
    %dma_start3A_9 = arith.constant 0 : i32
    %dma_start3A_10 = tpu.memref_slice %arg9[%dma_start3A_9] : memref<512xi32, #tpu.memory_space<vmem>> -> memref<256xi32, #tpu.memory_space<vmem>>
    %dma_start3A_11 = arith.constant 0 : i32
    %dma_start3A_12 = arith.constant 0 : i32
    %dma_start3A_13 = tpu.memref_slice %arg6[%dma_start3A_11, %dma_start3A_12] : memref<1000x128xf32, #tpu.memory_space<hbm>> -> memref<1000x128xf32, #tpu.memory_space<hbm>>
    tpu.enqueue_indirect_dma source(%dma_start3A_13 : memref<1000x128xf32, #tpu.memory_space<hbm>>) target(%arg12 : memref<256x128xf32, #tpu.memory_space<vmem>>) offsets(%dma_start3A_10 : memref<256xi32, #tpu.memory_space<vmem>>) semaphore(%arg15 : memref<!tpu.dma_semaphore, #tpu.memory_space<semaphore_mem>>)
    %dma_start3A_14 = arith.constant 0 : i32
    %dma_start3A_15 = tpu.memref_slice %arg10[%dma_start3A_14] : memref<512xi32, #tpu.memory_space<vmem>> -> memref<256xi32, #tpu.memory_space<vmem>>
    %dma_start3A_16 = arith.constant 0 : i32
    %dma_start3A_17 = arith.constant 0 : i32
    %dma_start3A_18 = tpu.memref_slice %arg5[%dma_start3A_16, %dma_start3A_17] : memref<1000000x128xf32, #tpu.memory_space<hbm>> -> memref<1000000x128xf32, #tpu.memory_space<hbm>>
    tpu.enqueue_indirect_dma source(%dma_start3A_18 : memref<1000000x128xf32, #tpu.memory_space<hbm>>) target(%arg13 : memref<256x128xf32, #tpu.memory_space<vmem>>) offsets(%dma_start3A_15 : memref<256xi32, #tpu.memory_space<vmem>>) semaphore(%arg15 : memref<!tpu.dma_semaphore, #tpu.memory_space<semaphore_mem>>)
    %dma_wait3A = arith.constant 0 : i32
    %dma_wait3A_19 = tpu.memref_slice %arg8[%dma_wait3A] : memref<512xi32, #tpu.memory_space<vmem>> -> memref<256xi32, #tpu.memory_space<vmem>>
    %dma_wait3A_20 = arith.constant 0 : i32
    %dma_wait3A_21 = arith.constant 0 : i32
    %dma_wait3A_22 = tpu.memref_slice %arg5[%dma_wait3A_20, %dma_wait3A_21] : memref<1000000x128xf32, #tpu.memory_space<hbm>> -> memref<1000000x128xf32, #tpu.memory_space<hbm>>
    tpu.wait_indirect_dma semaphore(%arg15 : memref<!tpu.dma_semaphore, #tpu.memory_space<semaphore_mem>>) src(%dma_wait3A_22 : memref<1000000x128xf32, #tpu.memory_space<hbm>>) dst(%arg11 : memref<256x128xf32, #tpu.memory_space<vmem>>)
    %dma_wait3A_23 = arith.constant 0 : i32
    %dma_wait3A_24 = tpu.memref_slice %arg9[%dma_wait3A_23] : memref<512xi32, #tpu.memory_space<vmem>> -> memref<256xi32, #tpu.memory_space<vmem>>
    %dma_wait3A_25 = arith.constant 0 : i32
    %dma_wait3A_26 = arith.constant 0 : i32
    %dma_wait3A_27 = tpu.memref_slice %arg6[%dma_wait3A_25, %dma_wait3A_26] : memref<1000x128xf32, #tpu.memory_space<hbm>> -> memref<1000x128xf32, #tpu.memory_space<hbm>>
    tpu.wait_indirect_dma semaphore(%arg15 : memref<!tpu.dma_semaphore, #tpu.memory_space<semaphore_mem>>) src(%dma_wait3A_27 : memref<1000x128xf32, #tpu.memory_space<hbm>>) dst(%arg12 : memref<256x128xf32, #tpu.memory_space<vmem>>)
    %dma_wait3A_28 = arith.constant 0 : i32
    %dma_wait3A_29 = tpu.memref_slice %arg10[%dma_wait3A_28] : memref<512xi32, #tpu.memory_space<vmem>> -> memref<256xi32, #tpu.memory_space<vmem>>
    %dma_wait3A_30 = arith.constant 0 : i32
    %dma_wait3A_31 = arith.constant 0 : i32
    %dma_wait3A_32 = tpu.memref_slice %arg5[%dma_wait3A_30, %dma_wait3A_31] : memref<1000000x128xf32, #tpu.memory_space<hbm>> -> memref<1000000x128xf32, #tpu.memory_space<hbm>>
    tpu.wait_indirect_dma semaphore(%arg15 : memref<!tpu.dma_semaphore, #tpu.memory_space<semaphore_mem>>) src(%dma_wait3A_32 : memref<1000000x128xf32, #tpu.memory_space<hbm>>) dst(%arg13 : memref<256x128xf32, #tpu.memory_space<vmem>>)
    %scan3A = arith.constant 0 : i32
    %scan3A_33 = arith.constant 0 : i32
    %scan3A_34 = arith.constant 256 : i32
    %scan3A_35 = arith.addi %scan3A_33, %scan3A_34 : i32
    %scan3A_36 = arith.constant 1 : i32
    scf.for %scan3A_80 = %scan3A_33 to %scan3A_35 step %scan3A_36  : i32 {
      %broadcast_in_dim3A = arith.constant 0.000000e+00 : f32
      %broadcast_in_dim3A_81 = vector.broadcast %broadcast_in_dim3A : f32 to vector<16xf32>
      %get3A = arith.index_cast %scan3A_80 : i32 to index
      %get3A_82 = arith.constant 0 : index
      %get3A_83 = tpu.vector_load %arg11[%get3A, %get3A_82] {strides = array<i32>} : memref<256x128xf32, #tpu.memory_space<vmem>>, vector<16xf32>,
      %get3A_84 = arith.index_cast %scan3A_80 : i32 to index
      %get3A_85 = arith.constant 0 : index
      %get3A_86 = tpu.vector_load %arg12[%get3A_84, %get3A_85] {strides = array<i32>} : memref<256x128xf32, #tpu.memory_space<vmem>>, vector<16xf32>,
      %add3A_87 = arith.addf %get3A_83, %get3A_86 : vector<16xf32>
      %get3A_88 = arith.index_cast %scan3A_80 : i32 to index
      %get3A_89 = arith.constant 0 : index
      %get3A_90 = tpu.vector_load %arg13[%get3A_88, %get3A_89] {strides = array<i32>} : memref<256x128xf32, #tpu.memory_space<vmem>>, vector<16xf32>,
      %sub3A = arith.subf %add3A_87, %get3A_90 : vector<16xf32>
      %mul3A_91 = arith.mulf %sub3A, %sub3A : vector<16xf32>
      %add3A_92 = arith.addf %broadcast_in_dim3A_81, %mul3A_91 : vector<16xf32>
      %get3A_93 = arith.index_cast %scan3A_80 : i32 to index
      %get3A_94 = arith.constant 16 : index
      %get3A_95 = tpu.vector_load %arg11[%get3A_93, %get3A_94] {strides = array<i32>} : memref<256x128xf32, #tpu.memory_space<vmem>>, vector<16xf32>,
      %get3A_96 = arith.index_cast %scan3A_80 : i32 to index
      %get3A_97 = arith.constant 16 : index
      %get3A_98 = tpu.vector_load %arg12[%get3A_96, %get3A_97] {strides = array<i32>} : memref<256x128xf32, #tpu.memory_space<vmem>>, vector<16xf32>,
      %add3A_99 = arith.addf %get3A_95, %get3A_98 : vector<16xf32>
      %get3A_100 = arith.index_cast %scan3A_80 : i32 to index
      %get3A_101 = arith.constant 16 : index
      %get3A_102 = tpu.vector_load %arg13[%get3A_100, %get3A_101] {strides = array<i32>} : memref<256x128xf32, #tpu.memory_space<vmem>>, vector<16xf32>,
      %sub3A_103 = arith.subf %add3A_99, %get3A_102 : vector<16xf32>
      %mul3A_104 = arith.mulf %sub3A_103, %sub3A_103 : vector<16xf32>
      %add3A_105 = arith.addf %add3A_92, %mul3A_104 : vector<16xf32>
      %get3A_106 = arith.index_cast %scan3A_80 : i32 to index
      %get3A_107 = arith.constant 32 : index
      %get3A_108 = tpu.vector_load %arg11[%get3A_106, %get3A_107] {strides = array<i32>} : memref<256x128xf32, #tpu.memory_space<vmem>>, vector<16xf32>,
      %get3A_109 = arith.index_cast %scan3A_80 : i32 to index
      %get3A_110 = arith.constant 32 : index
      %get3A_111 = tpu.vector_load %arg12[%get3A_109, %get3A_110] {strides = array<i32>} : memref<256x128xf32, #tpu.memory_space<vmem>>, vector<16xf32>,
      %add3A_112 = arith.addf %get3A_108, %get3A_111 : vector<16xf32>
      %get3A_113 = arith.index_cast %scan3A_80 : i32 to index
      %get3A_114 = arith.constant 32 : index
      %get3A_115 = tpu.vector_load %arg13[%get3A_113, %get3A_114] {strides = array<i32>} : memref<256x128xf32, #tpu.memory_space<vmem>>, vector<16xf32>,
      %sub3A_116 = arith.subf %add3A_112, %get3A_115 : vector<16xf32>
      %mul3A_117 = arith.mulf %sub3A_116, %sub3A_116 : vector<16xf32>
      %add3A_118 = arith.addf %add3A_105, %mul3A_117 : vector<16xf32>
      %get3A_119 = arith.index_cast %scan3A_80 : i32 to index
      %get3A_120 = arith.constant 48 : index
      %get3A_121 = tpu.vector_load %arg11[%get3A_119, %get3A_120] {strides = array<i32>} : memref<256x128xf32, #tpu.memory_space<vmem>>, vector<16xf32>,
      %get3A_122 = arith.index_cast %scan3A_80 : i32 to index
      %get3A_123 = arith.constant 48 : index
      %get3A_124 = tpu.vector_load %arg12[%get3A_122, %get3A_123] {strides = array<i32>} : memref<256x128xf32, #tpu.memory_space<vmem>>, vector<16xf32>,
      %add3A_125 = arith.addf %get3A_121, %get3A_124 : vector<16xf32>
      %get3A_126 = arith.index_cast %scan3A_80 : i32 to index
      %get3A_127 = arith.constant 48 : index
      %get3A_128 = tpu.vector_load %arg13[%get3A_126, %get3A_127] {strides = array<i32>} : memref<256x128xf32, #tpu.memory_space<vmem>>, vector<16xf32>,
      %sub3A_129 = arith.subf %add3A_125, %get3A_128 : vector<16xf32>
      %mul3A_130 = arith.mulf %sub3A_129, %sub3A_129 : vector<16xf32>
      %add3A_131 = arith.addf %add3A_118, %mul3A_130 : vector<16xf32>
      %broadcast_in_dim3A_132 = arith.constant true
      %broadcast_in_dim3A_133 = vector.broadcast %broadcast_in_dim3A_132 : i1 to vector<16xi1>
      %masked_cumsum3A = tpu.scan <sum>, %add3A_131 masked %broadcast_in_dim3A_133 : vector<16xf32>, vector<16xi1> -> vector<16xf32>
      %add3A_134 = arith.constant 0 : i32
      %add3A_135 = arith.addi %add3A_134, %scan3A_80 : i32
      %broadcast_in_dim3A_136 = vector.broadcast %add3A_135 : i32 to vector<16xi32>
      tpu.vector_store_idx %arg14[%broadcast_in_dim3A_136], %masked_cumsum3A masked %eq3A_4 : memref<512xf32, #tpu.memory_space<vmem>>[vector<16xi32>], vector<16xf32>, vector<16xi1>
    }
    %scan3A_37 = arith.constant 256 : i32
    %dma_start3A_38 = arith.constant 256 : i32
    %dma_start3A_39 = tpu.memref_slice %arg8[%dma_start3A_38] : memref<512xi32, #tpu.memory_space<vmem>> -> memref<256xi32, #tpu.memory_space<vmem>>
    %dma_start3A_40 = arith.constant 0 : i32
    %dma_start3A_41 = arith.constant 0 : i32
    %dma_start3A_42 = tpu.memref_slice %arg5[%dma_start3A_40, %dma_start3A_41] : memref<1000000x128xf32, #tpu.memory_space<hbm>> -> memref<1000000x128xf32, #tpu.memory_space<hbm>>
    tpu.enqueue_indirect_dma source(%dma_start3A_42 : memref<1000000x128xf32, #tpu.memory_space<hbm>>) target(%arg11 : memref<256x128xf32, #tpu.memory_space<vmem>>) offsets(%dma_start3A_39 : memref<256xi32, #tpu.memory_space<vmem>>) semaphore(%arg15 : memref<!tpu.dma_semaphore, #tpu.memory_space<semaphore_mem>>)
    %dma_start3A_43 = arith.constant 256 : i32
    %dma_start3A_44 = tpu.memref_slice %arg9[%dma_start3A_43] : memref<512xi32, #tpu.memory_space<vmem>> -> memref<256xi32, #tpu.memory_space<vmem>>
    %dma_start3A_45 = arith.constant 0 : i32
    %dma_start3A_46 = arith.constant 0 : i32
    %dma_start3A_47 = tpu.memref_slice %arg6[%dma_start3A_45, %dma_start3A_46] : memref<1000x128xf32, #tpu.memory_space<hbm>> -> memref<1000x128xf32, #tpu.memory_space<hbm>>
    tpu.enqueue_indirect_dma source(%dma_start3A_47 : memref<1000x128xf32, #tpu.memory_space<hbm>>) target(%arg12 : memref<256x128xf32, #tpu.memory_space<vmem>>) offsets(%dma_start3A_44 : memref<256xi32, #tpu.memory_space<vmem>>) semaphore(%arg15 : memref<!tpu.dma_semaphore, #tpu.memory_space<semaphore_mem>>)
    %dma_start3A_48 = arith.constant 256 : i32
    %dma_start3A_49 = tpu.memref_slice %arg10[%dma_start3A_48] : memref<512xi32, #tpu.memory_space<vmem>> -> memref<256xi32, #tpu.memory_space<vmem>>
    %dma_start3A_50 = arith.constant 0 : i32
    %dma_start3A_51 = arith.constant 0 : i32
    %dma_start3A_52 = tpu.memref_slice %arg5[%dma_start3A_50, %dma_start3A_51] : memref<1000000x128xf32, #tpu.memory_space<hbm>> -> memref<1000000x128xf32, #tpu.memory_space<hbm>>
    tpu.enqueue_indirect_dma source(%dma_start3A_52 : memref<1000000x128xf32, #tpu.memory_space<hbm>>) target(%arg13 : memref<256x128xf32, #tpu.memory_space<vmem>>) offsets(%dma_start3A_49 : memref<256xi32, #tpu.memory_space<vmem>>) semaphore(%arg15 : memref<!tpu.dma_semaphore, #tpu.memory_space<semaphore_mem>>)
    %dma_wait3A_53 = arith.constant 256 : i32
    %dma_wait3A_54 = tpu.memref_slice %arg8[%dma_wait3A_53] : memref<512xi32, #tpu.memory_space<vmem>> -> memref<256xi32, #tpu.memory_space<vmem>>
    %dma_wait3A_55 = arith.constant 0 : i32
    %dma_wait3A_56 = arith.constant 0 : i32
    %dma_wait3A_57 = tpu.memref_slice %arg5[%dma_wait3A_55, %dma_wait3A_56] : memref<1000000x128xf32, #tpu.memory_space<hbm>> -> memref<1000000x128xf32, #tpu.memory_space<hbm>>
    tpu.wait_indirect_dma semaphore(%arg15 : memref<!tpu.dma_semaphore, #tpu.memory_space<semaphore_mem>>) src(%dma_wait3A_57 : memref<1000000x128xf32, #tpu.memory_space<hbm>>) dst(%arg11 : memref<256x128xf32, #tpu.memory_space<vmem>>)
    %dma_wait3A_58 = arith.constant 256 : i32
    %dma_wait3A_59 = tpu.memref_slice %arg9[%dma_wait3A_58] : memref<512xi32, #tpu.memory_space<vmem>> -> memref<256xi32, #tpu.memory_space<vmem>>
    %dma_wait3A_60 = arith.constant 0 : i32
    %dma_wait3A_61 = arith.constant 0 : i32
    %dma_wait3A_62 = tpu.memref_slice %arg6[%dma_wait3A_60, %dma_wait3A_61] : memref<1000x128xf32, #tpu.memory_space<hbm>> -> memref<1000x128xf32, #tpu.memory_space<hbm>>
    tpu.wait_indirect_dma semaphore(%arg15 : memref<!tpu.dma_semaphore, #tpu.memory_space<semaphore_mem>>) src(%dma_wait3A_62 : memref<1000x128xf32, #tpu.memory_space<hbm>>) dst(%arg12 : memref<256x128xf32, #tpu.memory_space<vmem>>)
    %dma_wait3A_63 = arith.constant 256 : i32
    %dma_wait3A_64 = tpu.memref_slice %arg10[%dma_wait3A_63] : memref<512xi32, #tpu.memory_space<vmem>> -> memref<256xi32, #tpu.memory_space<vmem>>
    %dma_wait3A_65 = arith.constant 0 : i32
    %dma_wait3A_66 = arith.constant 0 : i32
    %dma_wait3A_67 = tpu.memref_slice %arg5[%dma_wait3A_65, %dma_wait3A_66] : memref<1000000x128xf32, #tpu.memory_space<hbm>> -> memref<1000000x128xf32, #tpu.memory_space<hbm>>
    tpu.wait_indirect_dma semaphore(%arg15 : memref<!tpu.dma_semaphore, #tpu.memory_space<semaphore_mem>>) src(%dma_wait3A_67 : memref<1000000x128xf32, #tpu.memory_space<hbm>>) dst(%arg13 : memref<256x128xf32, #tpu.memory_space<vmem>>)
    %scan3A_68 = arith.constant 0 : i32
    %scan3A_69 = arith.constant 0 : i32
    %scan3A_70 = arith.constant 256 : i32
    %scan3A_71 = arith.addi %scan3A_69, %scan3A_70 : i32
    %scan3A_72 = arith.constant 1 : i32
    scf.for %scan3A_80 = %scan3A_69 to %scan3A_71 step %scan3A_72  : i32 {
      %broadcast_in_dim3A = arith.constant 0.000000e+00 : f32
      %broadcast_in_dim3A_81 = vector.broadcast %broadcast_in_dim3A : f32 to vector<16xf32>
      %get3A = arith.index_cast %scan3A_80 : i32 to index
      %get3A_82 = arith.constant 0 : index
      %get3A_83 = tpu.vector_load %arg11[%get3A, %get3A_82] {strides = array<i32>} : memref<256x128xf32, #tpu.memory_space<vmem>>, vector<16xf32>,
      %get3A_84 = arith.index_cast %scan3A_80 : i32 to index
      %get3A_85 = arith.constant 0 : index
      %get3A_86 = tpu.vector_load %arg12[%get3A_84, %get3A_85] {strides = array<i32>} : memref<256x128xf32, #tpu.memory_space<vmem>>, vector<16xf32>,
      %add3A_87 = arith.addf %get3A_83, %get3A_86 : vector<16xf32>
      %get3A_88 = arith.index_cast %scan3A_80 : i32 to index
      %get3A_89 = arith.constant 0 : index
      %get3A_90 = tpu.vector_load %arg13[%get3A_88, %get3A_89] {strides = array<i32>} : memref<256x128xf32, #tpu.memory_space<vmem>>, vector<16xf32>,
      %sub3A = arith.subf %add3A_87, %get3A_90 : vector<16xf32>
      %mul3A_91 = arith.mulf %sub3A, %sub3A : vector<16xf32>
      %add3A_92 = arith.addf %broadcast_in_dim3A_81, %mul3A_91 : vector<16xf32>
      %get3A_93 = arith.index_cast %scan3A_80 : i32 to index
      %get3A_94 = arith.constant 16 : index
      %get3A_95 = tpu.vector_load %arg11[%get3A_93, %get3A_94] {strides = array<i32>} : memref<256x128xf32, #tpu.memory_space<vmem>>, vector<16xf32>,
      %get3A_96 = arith.index_cast %scan3A_80 : i32 to index
      %get3A_97 = arith.constant 16 : index
      %get3A_98 = tpu.vector_load %arg12[%get3A_96, %get3A_97] {strides = array<i32>} : memref<256x128xf32, #tpu.memory_space<vmem>>, vector<16xf32>,
      %add3A_99 = arith.addf %get3A_95, %get3A_98 : vector<16xf32>
      %get3A_100 = arith.index_cast %scan3A_80 : i32 to index
      %get3A_101 = arith.constant 16 : index
      %get3A_102 = tpu.vector_load %arg13[%get3A_100, %get3A_101] {strides = array<i32>} : memref<256x128xf32, #tpu.memory_space<vmem>>, vector<16xf32>,
      %sub3A_103 = arith.subf %add3A_99, %get3A_102 : vector<16xf32>
      %mul3A_104 = arith.mulf %sub3A_103, %sub3A_103 : vector<16xf32>
      %add3A_105 = arith.addf %add3A_92, %mul3A_104 : vector<16xf32>
      %get3A_106 = arith.index_cast %scan3A_80 : i32 to index
      %get3A_107 = arith.constant 32 : index
      %get3A_108 = tpu.vector_load %arg11[%get3A_106, %get3A_107] {strides = array<i32>} : memref<256x128xf32, #tpu.memory_space<vmem>>, vector<16xf32>,
      %get3A_109 = arith.index_cast %scan3A_80 : i32 to index
      %get3A_110 = arith.constant 32 : index
      %get3A_111 = tpu.vector_load %arg12[%get3A_109, %get3A_110] {strides = array<i32>} : memref<256x128xf32, #tpu.memory_space<vmem>>, vector<16xf32>,
      %add3A_112 = arith.addf %get3A_108, %get3A_111 : vector<16xf32>
      %get3A_113 = arith.index_cast %scan3A_80 : i32 to index
      %get3A_114 = arith.constant 32 : index
      %get3A_115 = tpu.vector_load %arg13[%get3A_113, %get3A_114] {strides = array<i32>} : memref<256x128xf32, #tpu.memory_space<vmem>>, vector<16xf32>,
      %sub3A_116 = arith.subf %add3A_112, %get3A_115 : vector<16xf32>
      %mul3A_117 = arith.mulf %sub3A_116, %sub3A_116 : vector<16xf32>
      %add3A_118 = arith.addf %add3A_105, %mul3A_117 : vector<16xf32>
      %get3A_119 = arith.index_cast %scan3A_80 : i32 to index
      %get3A_120 = arith.constant 48 : index
      %get3A_121 = tpu.vector_load %arg11[%get3A_119, %get3A_120] {strides = array<i32>} : memref<256x128xf32, #tpu.memory_space<vmem>>, vector<16xf32>,
      %get3A_122 = arith.index_cast %scan3A_80 : i32 to index
      %get3A_123 = arith.constant 48 : index
      %get3A_124 = tpu.vector_load %arg12[%get3A_122, %get3A_123] {strides = array<i32>} : memref<256x128xf32, #tpu.memory_space<vmem>>, vector<16xf32>,
      %add3A_125 = arith.addf %get3A_121, %get3A_124 : vector<16xf32>
      %get3A_126 = arith.index_cast %scan3A_80 : i32 to index
      %get3A_127 = arith.constant 48 : index
      %get3A_128 = tpu.vector_load %arg13[%get3A_126, %get3A_127] {strides = array<i32>} : memref<256x128xf32, #tpu.memory_space<vmem>>, vector<16xf32>,
      %sub3A_129 = arith.subf %add3A_125, %get3A_128 : vector<16xf32>
      %mul3A_130 = arith.mulf %sub3A_129, %sub3A_129 : vector<16xf32>
      %add3A_131 = arith.addf %add3A_118, %mul3A_130 : vector<16xf32>
      %broadcast_in_dim3A_132 = arith.constant true
      %broadcast_in_dim3A_133 = vector.broadcast %broadcast_in_dim3A_132 : i1 to vector<16xi1>
      %masked_cumsum3A = tpu.scan <sum>, %add3A_131 masked %broadcast_in_dim3A_133 : vector<16xf32>, vector<16xi1> -> vector<16xf32>
      %add3A_134 = arith.constant 256 : i32
      %add3A_135 = arith.addi %add3A_134, %scan3A_80 : i32
      %broadcast_in_dim3A_136 = vector.broadcast %add3A_135 : i32 to vector<16xi32>
      tpu.vector_store_idx %arg14[%broadcast_in_dim3A_136], %masked_cumsum3A masked %eq3A_4 : memref<512xf32, #tpu.memory_space<vmem>>[vector<16xi32>], vector<16xf32>, vector<16xi1>
    }
    %scan3A_73 = arith.constant 256 : i32
    %scan3A_74 = arith.constant 0 : i32
    %scan3A_75 = arith.constant 0 : i32
    %scan3A_76 = arith.constant 32 : i32
    %scan3A_77 = arith.addi %scan3A_75, %scan3A_76 : i32
    %scan3A_78 = arith.constant 1 : i32
    scf.for %scan3A_80 = %scan3A_75 to %scan3A_77 step %scan3A_78  : i32 {
      %mul3A_81 = arith.constant 16 : i32
      %mul3A_82 = arith.muli %scan3A_80, %mul3A_81 : i32
      %get3A = arith.index_cast %mul3A_82 : i32 to index
      %get3A_83 = tpu.vector_load %arg14[%get3A] {strides = array<i32>} : memref<512xf32, #tpu.memory_space<vmem>>, vector<16xf32>,
      %bitcast3A = vector.bitcast %get3A_83 : vector<16xf32> to vector<16xi32>
      %shift_right_arithmetic3A = arith.constant 1 : i32
      %shift_right_arithmetic3A_84 = vector.broadcast %shift_right_arithmetic3A : i32 to vector<16xi32>
      %shift_right_arithmetic3A_85 = arith.shrsi %bitcast3A, %shift_right_arithmetic3A_84 : vector<16xi32>
      %add3A_86 = arith.constant 532487669 : i32
      %add3A_87 = vector.broadcast %add3A_86 : i32 to vector<16xi32>
      %add3A_88 = arith.addi %shift_right_arithmetic3A_85, %add3A_87 : vector<16xi32>
      %bitcast3A_89 = vector.bitcast %add3A_88 : vector<16xi32> to vector<16xf32>
      %div3A = arith.divf %get3A_83, %bitcast3A_89 : vector<16xf32>
      %add3A_90 = arith.addf %bitcast3A_89, %div3A : vector<16xf32>
      %mul3A_91 = arith.constant 5.000000e-01 : f32
      %mul3A_92 = vector.broadcast %mul3A_91 : f32 to vector<16xf32>
      %mul3A_93 = arith.mulf %mul3A_92, %add3A_90 : vector<16xf32>
      %div3A_94 = arith.divf %get3A_83, %mul3A_93 : vector<16xf32>
      %add3A_95 = arith.addf %mul3A_93, %div3A_94 : vector<16xf32>
      %mul3A_96 = arith.constant 5.000000e-01 : f32
      %mul3A_97 = vector.broadcast %mul3A_96 : f32 to vector<16xf32>
      %mul3A_98 = arith.mulf %mul3A_97, %add3A_95 : vector<16xf32>
      %div3A_99 = arith.divf %get3A_83, %mul3A_98 : vector<16xf32>
      %add3A_100 = arith.addf %mul3A_98, %div3A_99 : vector<16xf32>
      %mul3A_101 = arith.constant 5.000000e-01 : f32
      %mul3A_102 = vector.broadcast %mul3A_101 : f32 to vector<16xf32>
      %mul3A_103 = arith.mulf %mul3A_102, %add3A_100 : vector<16xf32>
      %swap3A = arith.index_cast %mul3A_82 : i32 to index
      %swap3A_104 = tpu.vector_load %arg14[%swap3A] {strides = array<i32>} : memref<512xf32, #tpu.memory_space<vmem>>, vector<16xf32>,
      tpu.vector_store %arg14[%swap3A], %mul3A_103 {strides = array<i32>} : memref<512xf32, #tpu.memory_space<vmem>>, vector<16xf32>,
    }
    %scan3A_79 = arith.constant 32 : i32
    "tpu.region"() ({
      %run_scoped3A = tpu.sem_alloc : memref<!tpu.dma_semaphore, #tpu.memory_space<semaphore_mem>>
      %dma_start3A_80 = tpu.memref_slice %arg7[%mul3A_2] : memref<16384xf32, #tpu.memory_space<hbm>> -> memref<512xf32, #tpu.memory_space<hbm>>
      %dma_start3A_81 = tpu.memref_slice %arg7[%mul3A_2] : memref<16384xf32, #tpu.memory_space<hbm>> -> memref<512xf32, #tpu.memory_space<hbm>>
      tpu.enqueue_dma source(%arg14 : memref<512xf32, #tpu.memory_space<vmem>>) target(%dma_start3A_81 : memref<512xf32, #tpu.memory_space<hbm>>) target_semaphore(%run_scoped3A : memref<!tpu.dma_semaphore, #tpu.memory_space<semaphore_mem>>)
      %dma_wait3A_82 = tpu.memref_slice %arg7[%mul3A_2] : memref<16384xf32, #tpu.memory_space<hbm>> -> memref<512xf32, #tpu.memory_space<hbm>>
      %dma_wait3A_83 = tpu.memref_slice %arg7[%mul3A_2] : memref<16384xf32, #tpu.memory_space<hbm>> -> memref<512xf32, #tpu.memory_space<hbm>>
      tpu.wait_dma2 semaphore(%run_scoped3A : memref<!tpu.dma_semaphore, #tpu.memory_space<semaphore_mem>>) src(%arg14 : memref<512xf32, #tpu.memory_space<vmem>>) dst(%dma_wait3A_83 : memref<512xf32, #tpu.memory_space<hbm>>)
      tpu.yield
    }) : () -> ()
    return
  }
}

</mosaic_0001>

<sc_bundles>
// kernel: kernel.4.cloned.1.call-start
scs
__scs_entry_jumppad:
0x0: {  	(pc) =	sbr.rel $0x88, $3  }
0x1: {  	(tag) =	ssettag $0x0;
	lr =	simm.s32 $0x1  }
0x2: {  	[smem:$0x3F9C] =	sst lr;
	_ =	strace $0xD0000000  }
0x3: {  	_ = 	snop  }
0x4: {  	_ = 	snop  }
0x5: {  	_ = 	snop  }
0x6: {  	_ = 	snop  }
0x7: {  	_ = 	snop  }
__scs_overlays_trampoline_lowered:
0x8: {  	[smem:$0x3FAB] =	sst s0  }
0x9: {  	[smem:$0x3FAC] =	sst s1  }
0xa: {  	[smem:$0x3FAD] =	sst s2  }
0xb: {  	[smem:$0x3FAE] =	sst s3  }
0xc: {  	[smem:$0x3FAF] =	sst s4  }
0xd: {  	[smem:$0x3FB0] =	sst s5  }
0xe: {  	[smem:$0x3FB1] =	sst s6  }
0xf: {  	[smem:$0x3FB2] =	sst s7  }
0x10: {  	[smem:$0x3FB3] =	sst s8  }
0x11: {  	[smem:$0x3FB4] =	sst s9;
	s0 =	simm.s32 @!p0 $0x0  }
0x12: {  	s1 =	sld [smem:$0x3F9A];
	s0 =	simm.s32 @p0 $0x1  }
0x13: {  	[smem:$0x3FB5] =	sst s0;
	s0 =	simm.s32 @!p1 $0x0  }
0x14: {  	s2 =	sld [smem:$0x3F99];
	s0 =	simm.s32 @p1 $0x1  }
0x15: {  	[smem:$0x3FB6] =	sst s0;
	s0 =	simm.s32 @!p2 $0x0  }
0x16: {  	s3 =	sld [smem:$0x3FDB];
	s0 =	simm.s32 @p2 $0x1  }
0x17: {  	s4 =	simm.s32 $0x1BF5;
	[smem:$0x3FB8] =	sst s0  }
0x18: {  	s0 =	sld [smem:$0x3F9B];
	_ =	swait.ge [sflag:s4], $0x0  }
0x19: {  	s7 =	sld [smem:$0x3F9C]  }
0x1a: {  	s8 =	sadd.s32 $0xFFFFE003, lr  }
0x1b: {  	s9 =	sadd.s32 $0xFFFFFEF7, lr;
	s5 =	simm.s32 $0xFFFFFFFF;
	p2 =	slt.u32 s8, $0xFFFFF086  }
0x1c: {  	p1 =	slt.u32 s9, $0xF7A;
	s5 =	simm.s32 @!p2 $0x0  }
0x1d: {  	s5 =	simm.s32 @p1 $0x1;
	p0 =	seq.s32 s7, s2  }
0x1e: {  	s7 =	smul.u32 @!p0 $0xF7A, s2;
	p2 =	seq.s32 @!p0 s5, $0x0  }
0x1f: {  	s9 =	smul.u32 $0xF7A, s1;
	s8 =	simm.s32 @!p0 $0x1BF5;
	p2 =	por !p2, p0  }
0x20: {  	[sflag:s8] =	ssyncset.s32 @!p0 $0xFFFFF086;
	s6 =	sadd.s32 @!p0 s3, s7;
	s7 =	simm.s32 @!p0 $0x108  }
0x21: {  	s3 =	sadd.s32 s3, s9;
	s6 =	sadd.s32 @!p0 $0x88, s6;
	s7 =	simm.s32 @p2 $0x1082  }
0x22: {  	[simem:s7], [sflag:s8] =	dma.local @!p0 [hbm:s6], $0xF7A  }
0x23: {  	s9 =	sor.u32 $0xD0000000, s2;
	s6 =	simm.s32 $0x108;
	_ =	swait.ge @!p0 [sflag:s8], $0x0  }
0x24: {  	s3 =	sadd.s32 $0x88, s3;
	s6 =	simm.s32 @!p1 $0x1082;
	[sflag:s4] =	ssyncset.s32 $0xFFFFF086  }
0x25: {  	[simem:s6], [sflag:s4] =	dma.local [hbm:s3], $0xF7A  }
0x26: {  	[smem:$0x3F9C] =	sst s1;
	(tag) =	ssettag s2;
	_ =	strace s9  }
0x27: {  	s1 =	sld [smem:$0x3FAC]  }
0x28: {  	s2 =	sld [smem:$0x3FAD]  }
0x29: {  	s4 =	sld [smem:$0x3FAF]  }
0x2a: {  	p0 =	seq.s32 s5, $0x0;
	s5 =	sld [smem:$0x3FB0]  }
0x2b: {  	s6 =	sld [smem:$0x3FB1]  }
0x2c: {  	s7 =	sld [smem:$0x3FB2]  }
0x2d: {  	s3 =	simm.s32 $0x108;
	s8 =	sld [smem:$0x3FB3]  }
0x2e: {  	s3 =	simm.s32 @!p0 $0x1082;
	s9 =	sld [smem:$0x3FB4]  }
0x2f: {  	lr =	sadd.s32 s0, s3;
	s0 =	sld [smem:$0x3FAB]  }
0x30: {  	s3 =	sld [smem:$0x3FAE]  }
0x31: {  	[smem:$0x3FB7] =	sst s10  }
0x32: {  	s10 =	sld [smem:$0x3FB5];
	_ =	sdelay $0x3  }
0x33: {  	p0 =	seq.s32 s10, $0x1;
	s10 =	sld [smem:$0x3FB7];
	_ =	sdelay $0x3  }
0x34: {  	[smem:$0x3FB7] =	sst s10  }
0x35: {  	s10 =	sld [smem:$0x3FB6];
	_ =	sdelay $0x3  }
0x36: {  	p1 =	seq.s32 s10, $0x1;
	s10 =	sld [smem:$0x3FB7];
	_ =	sdelay $0x3  }
0x37: {  	[smem:$0x3FB7] =	sst s10  }
0x38: {  	s10 =	sld [smem:$0x3FB8]  }
0x39: {  	_ = 	snop;
	(pc) =	sbr.ind lr, $3  }
0x3a: {  	_ = 	snop  }
0x3b: {  	_ = 	snop  }
0x3c: {  	p2 =	seq.s32 s10, $0x1;
	s10 =	sld [smem:$0x3FB7]  }
0x3d: {  	_ =	shalt  }
0x3e: {  	_ =	shalt  }
0x3f: {  	_ =	shalt  }
0x40: {  	_ =	shalt  }
0x41: {  	_ =	shalt  }
0x42: {  	_ =	shalt  }
0x43: {  	_ =	shalt  }
0x44: {  	_ =	shalt  }
0x45: {  	_ =	shalt  }
0x46: {  	_ =	shalt  }
0x47: {  	_ =	shalt  }
0x48: {  	_ =	shalt  }
0x49: {  	_ =	shalt  }
0x4a: {  	_ =	shalt  }
0x4b: {  	_ =	shalt  }
0x4c: {  	_ =	shalt  }
0x4d: {  	_ =	shalt  }
0x4e: {  	_ =	shalt  }
0x4f: {  	_ =	shalt  }
0x50: {  	_ =	shalt  }
0x51: {  	_ =	shalt  }
0x52: {  	_ =	shalt  }
0x53: {  	_ =	shalt  }
0x54: {  	_ =	shalt  }
0x55: {  	_ =	shalt  }
0x56: {  	_ =	shalt  }
0x57: {  	_ =	shalt  }
0x58: {  	_ =	shalt  }
0x59: {  	_ =	shalt  }
0x5a: {  	_ =	shalt  }
0x5b: {  	_ =	shalt  }
0x5c: {  	_ =	shalt  }
0x5d: {  	_ =	shalt  }
0x5e: {  	_ =	shalt  }
0x5f: {  	_ =	shalt  }
0x60: {  	_ =	shalt  }
0x61: {  	_ =	shalt  }
0x62: {  	_ =	shalt  }
0x63: {  	_ =	shalt  }
0x64: {  	_ =	shalt  }
0x65: {  	_ =	shalt  }
0x66: {  	_ =	shalt  }
0x67: {  	_ =	shalt  }
0x68: {  	_ =	shalt  }
0x69: {  	_ =	shalt  }
0x6a: {  	_ =	shalt  }
0x6b: {  	_ =	shalt  }
0x6c: {  	_ =	shalt  }
0x6d: {  	_ =	shalt  }
0x6e: {  	_ =	shalt  }
0x6f: {  	_ =	shalt  }
0x70: {  	_ =	shalt  }
0x71: {  	_ =	shalt  }
0x72: {  	_ =	shalt  }
0x73: {  	_ =	shalt  }
0x74: {  	_ =	shalt  }
0x75: {  	_ =	shalt  }
0x76: {  	_ =	shalt  }
0x77: {  	_ =	shalt  }
0x78: {  	_ =	shalt  }
0x79: {  	_ =	shalt  }
0x7a: {  	_ =	shalt  }
0x7b: {  	_ =	shalt  }
0x7c: {  	_ =	shalt  }
0x7d: {  	_ =	shalt  }
0x7e: {  	_ =	shalt  }
0x7f: {  	_ =	shalt  }
0x80: {  	_ =	shalt  }
0x81: {  	_ =	shalt  }
0x82: {  	_ =	shalt  }
0x83: {  	_ =	shalt  }
0x84: {  	_ =	shalt  }
0x85: {  	_ =	shalt  }
0x86: {  	_ =	shalt  }
0x87: {  	_ =	shalt  }
.Lfunc_end0:
.L_simem_size_0:
called_computation_lowered:
.L_overlay_start_0:
0x88: {  	s2 =	sld [smem:$0x3FD9]  }
0x89: {  	s3 =	sld [smem:$0x3FFE];
	_ =	sdelay $0x1  }
0x8a: {  	s1 =	srdreg.scid  }
0x8b: {  	s0 =	sand.u32 $0x1, s1  }
0x8c: {  	s17 =	sshll.u32 s0, $0xA;
	s2 =	sadd.s32 s3, s2  }
0x8d: {  	s2 =	sadd.s32 s2, s17  }
0x8e: {  	[smem:$0x3FC3] =	sst s2  }
0x8f: {  	_ = 	snop  }
0x90: {  	s2 =	sld [smem:$0x3FC6]  }
0x91: {  	s18 =	sld [smem:$0x3FD0];
	(tm) =	ssettm $0x1  }
0x92: {  	s4 =	sld [smem:$0x3FFB];
	_ =	sdelay $0x3  }
0x93: {  	_ =	strace s4  }
0x94: {  	s4 =	sld [smem:$0x3FFC];
	_ =	sdelay $0x3  }
0x95: {  	_ =	strace s4  }
0x96: {  	s4 =	sld [smem:$0x3FFD];
	_ =	sdelay $0x3  }
0x97: {  	_ =	strace s4  }
0x98: {  	_ =	strace $0x8FFFFFFF  }
0x99: {  	s19 =	sld [smem:$0x3FDB];
	_ =	sdelay $0x1  }
0x9a: {  	s5 =	simm.s32 $_scs_section_size  }
0x9b: {  	s6 =	simm.s32 $_size__tile_overlayer_lowered;
	s7 =	simm.s32 $_tile_overlayer_lowered  }
0x9c: {  	s22 =	simm.s32 $0x1BFF;
	s21 =	sshll.u32 s7, $0x1;
	s4 =	sadd.s32 s5, s19  }
0x9d: {  	s8 =	simm.s32 $0x0;
	s20 =	sshll.u32 s6, $0x1;
	s6 =	sadd.s32 s21, s4  }
0x9e: {  	[timem:s8], [sflag:s22] =	dma.local [hbm:s6], s20  }
0x9f: {  	_ =	swait.ge [sflag:s22], s20  }
0xa0: {  	s5 =	ssub.s32 $0x0, s20;
	[sflag:s22] =	ssyncset.done $0x0  }
0xa1: {  	[sflag:s22] =	ssyncadd.s32 s5;
	_ =	sdelay $0x1  }
0xa2: {  	s23 =	simm.s32 $0x1B8B  }
0xa3: {  	_ =	swait.ge [sflag:s23], $0x1  }
0xa4: {  	[sflag:s23] =	ssyncset.done $0x0  }
0xa5: {  	s25 =	simm.s32 $0x1B8E;
	s24 =	sld [smem:$0x3FFE];
	[sflag:s23] =	ssyncadd.s32 $0xFFFFFFFF  }
0xa6: {  	s26 =	simm.s32 $execute0_lowered;
	[smem:$0x3FD2] =	sst s25  }
0xa7: {  	s6 =	sshll.u32 s26, $0x1;
	_ =	strace $0x80000046;
	[dreg:$0x1] =	wrdreg $0xFFFFFFFF  }
0xa8: {  	s28 =	simm.s32 $_size_execute0_lowered;
	s4 =	sadd.s32 s4, s6;
	[dreg:$0x0] =	wrdreg $0x0  }
0xa9: {  	s6 =	sshll.u32 s28, $0x1;
	[dreg:$0x2] =	wrdreg s4  }
0xaa: {  	[dreg:$0x3] =	wrdreg s6  }
0xab: {  	[dreg:$0x4] =	wrdreg $0xC0  }
0xac: {  	_ =	task [dreg:s8], $0x5FFFF  }
0xad: {  	[dreg:$0x1] =	wrdreg $0xFFFFFFFF  }
0xae: {  	[dreg:$0x0] =	wrdreg $0x60  }
0xaf: {  	[dreg:$0x2] =	wrdreg s2  }
0xb0: {  	[dreg:$0x3] =	wrdreg s18  }
0xb1: {  	[dreg:$0x4] =	wrdreg s24  }
0xb2: {  	[dreg:$0x5] =	wrdreg $0x9  }
0xb3: {  	_ =	task.clear_ibuf [dreg:s8], $0x6FFFF;
	_ =	strace $0x90000046  }
0xb4: {  	s29 =	simm.s32 $0x9;
	_ =	strace $0x80000048  }
0xb5: {  	_ =	swait.ge [sflag:s29], $0x1  }
0xb6: {  	[sflag:s29] =	ssyncadd.s32 $0xFFFFFFFF  }
0xb7: {  	_ =	strace $0x90000048  }
0xb8: {  	_ =	sfence  }
0xb9: {  	s30 =	sld [smem:$0x0];
	_ =	sdelay $0x2  }
0xba: {  	s31 =	sshll.u32 s1, $0xD;
	s1 =	sshrl.u32 s1, $0x2  }
0xbb: {  	s3 =	sand.u32 $0x4000, s31;
	s1 =	sadd.s32 s1, s30  }
0xbc: {  	s0 =	sor.u32 s3, s0;
	s1 =	sshll.u32 s1, $0x11  }
0xbd: {  	s0 =	sor.u32 s1, s0  }
0xbe: {  	s0 =	sadd.s32 $0x8F2B, s0  }
0xbf: {  	[sflag:s0] =	ssyncadd.remote.s32 $0x1  }
0xc0: {  	_ =	sfence.sel $0xFFFF  }
0xc1: {  	[dreg:$0x0] =	wrdreg $0xFFFFFFFF;
	(pc) =	sbr.abs _section_cstart, $3  }
0xc2: {  	[dreg:$0x1] =	wrdreg $0xFFFFFFFF  }
0xc3: {  	_ =	task.clear_ibuf [dreg:s8], $0x2FFFF;
	_ =	strace $0x9FFFFFFF  }
0xc4: {  	(tm) =	ssettm $0x7FFFFFFF  }
0xc5: {  	_ =	shalt  }
tec
execute0_lowered:
.L_overlay_start_1:
0x0: {  	(tag) =	ssettag $0x1  }
0x1: {  	v0 =	vimm.s32 $0x700;
	vm1 =	vcmask $0x300  }
0x2: {  	vm8 =	vcmask $0x704;
	v0 =	vsel vm1, $0x780, v0  }
0x3: {  	vm2 =	vcmask $0xB08;
	v0 =	vsel vm8, $0x0, v0  }
0x4: {  	vm7 =	vcmask $0xF0C;
	v0 =	vsel vm2, $0x80, v0  }
0x5: {  	vm3 =	vcmask $0x1310;
	v0 =	vsel vm7, $0x100, v0  }
0x6: {  	vm5 =	vcmask $0x1714;
	v0 =	vsel vm3, $0x180, v0  }
0x7: {  	vm6 =	vcmask $0x1B18;
	v0 =	vsel vm5, $0x200, v0  }
0x8: {  	vm4 =	vcmask $0x1F1C;
	v0 =	vsel vm6, $0x280, v0  }
0x9: {  	vm0 =	vcmask $0x2320;
	v0 =	vsel vm4, $0x300, v0  }
0xa: {  	v1 =	vimm.s32 $0x680;
	v0 =	vsel vm0, $0x380, v0  }
0xb: {  	v4 =	vimm.s32 $0x500;
	[tilespmem:$0x1F610] =	vst v0;
	v0 =	vsel vm1, $0x700, v1  }
0xc: {  	v7 =	vimm.s32 $0x380;
	[tilespmem:$0x1F530] =	vst v0;
	v0 =	vsel vm1, $0x580, v4  }
0xd: {  	v10 =	vimm.s32 $0x200;
	[tilespmem:$0x1F540] =	vst v0;
	v0 =	vsel vm1, $0x400, v7  }
0xe: {  	[tilespmem:$0x1F550] =	vst v0;
	v0 =	vsel vm1, $0x280, v10  }
0xf: {  	[tilespmem:$0x1F560] =	vst v0;
	v0 =	vimm.s32 $0x1F84  }
0x10: {  	v1 =	vimm.s32 $0x1F85;
	v0 =	vsel vm1, $0x1805, v0  }
0x11: {  	[tilespmem:$0x1F570] =	vst v0;
	v0 =	vsel vm1, $0x1806, v1  }
0x12: {  	[tilespmem:$0x1F580] =	vst v0;
	v0 =	vimm.s32 $0x1F86  }
0x13: {  	v1 =	vimm.s32 $0x1F87;
	v0 =	vsel vm1, $0x1807, v0  }
0x14: {  	v4 =	vimm.s32 $0x1F88;
	[tilespmem:$0x1F590] =	vst v0;
	v0 =	vsel vm1, $0x1808, v1  }
0x15: {  	[tilespmem:$0x1F5A0] =	vst v0;
	v0 =	vsel vm1, $0x1809, v4  }
0x16: {  	[tilespmem:$0x1F5B0] =	vst v0;
	v0 =	vimm.s32 $0x1F89  }
0x17: {  	v1 =	vimm.s32 $0x1F8A;
	v0 =	vsel vm1, $0x180A, v0  }
0x18: {  	v7 =	vimm.s32 $0x1F8B;
	[tilespmem:$0x1F5C0] =	vst v0;
	v0 =	vsel vm1, $0x180B, v1  }
0x19: {  	[tilespmem:$0x1F5D0] =	vst v0;
	v0 =	vsel vm1, $0x180C, v7  }
0x1a: {  	[tilespmem:$0x1F5E0] =	vst v0;
	v0 =	vimm.s32 $0x1F8C  }
0x1b: {  	v1 =	vimm.s32 $0x1F8D;
	v0 =	vsel vm1, $0x180D, v0  }
0x1c: {  	[tilespmem:$0x1F5F0] =	vst v0;
	v0 =	vsel vm1, $0x180E, v1  }
0x1d: {  	[tilespmem:$0x1F600] =	vst v0;
	v0 =	vld [tilespmem:$0x1F530];
	_ =	sdelay $0x4  }
0x1e: {  	v0 =	vsel vm8, $0x780, v0  }
0x1f: {  	[tilespmem:$0x1F620] =	vst v0;
	v0 =	vld [tilespmem:$0x1F540];
	_ =	sdelay $0x2  }
0x20: {  	v2 =	vimm.s32 $0x600;
	v3 =	vimm.s32 $0x580  }
0x21: {  	v2 =	vsel vm1, $0x680, v2;
	v3 =	vsel vm1, $0x600, v3  }
0x22: {  	v1 =	vsel vm8, $0x700, v2;
	v2 =	vsel vm8, $0x680, v3;
	v3 =	vsel vm8, $0x600, v0;
	v0 =	vld [tilespmem:$0x1F550];
	_ =	sdelay $0x2  }
0x23: {  	v5 =	vimm.s32 $0x480;
	v6 =	vimm.s32 $0x400  }
0x24: {  	v5 =	vsel vm1, $0x500, v5;
	v6 =	vsel vm1, $0x480, v6  }
0x25: {  	v4 =	vsel vm8, $0x580, v5;
	v5 =	vsel vm8, $0x500, v6;
	v6 =	vsel vm8, $0x480, v0;
	v0 =	vld [tilespmem:$0x1F560];
	_ =	sdelay $0x2  }
0x26: {  	v8 =	vimm.s32 $0x300;
	v9 =	vimm.s32 $0x280  }
0x27: {  	v8 =	vsel vm1, $0x380, v8;
	v9 =	vsel vm1, $0x300, v9  }
0x28: {  	v7 =	vsel vm8, $0x400, v8;
	v8 =	vsel vm8, $0x380, v9;
	v9 =	vsel vm8, $0x300, v0;
	v0 =	vld [tilespmem:$0x1F570];
	_ =	sdelay $0x4  }
0x29: {  	v0 =	vsel vm8, $0x1886, v0  }
0x2a: {  	[tilespmem:$0x1F630] =	vst v0;
	v0 =	vld [tilespmem:$0x1F580];
	_ =	sdelay $0x4  }
0x2b: {  	v0 =	vsel vm8, $0x1887, v0  }
0x2c: {  	[tilespmem:$0x1F640] =	vst v0;
	v0 =	vld [tilespmem:$0x1F590];
	_ =	sdelay $0x4  }
0x2d: {  	v0 =	vsel vm8, $0x1888, v0  }
0x2e: {  	[tilespmem:$0x1F650] =	vst v0;
	v0 =	vld [tilespmem:$0x1F5A0];
	_ =	sdelay $0x4  }
0x2f: {  	v0 =	vsel vm8, $0x1889, v0  }
0x30: {  	[tilespmem:$0x1F660] =	vst v0;
	v0 =	vld [tilespmem:$0x1F5B0];
	_ =	sdelay $0x4  }
0x31: {  	v0 =	vsel vm8, $0x188A, v0  }
0x32: {  	[tilespmem:$0x1F670] =	vst v0;
	v0 =	vld [tilespmem:$0x1F5C0];
	_ =	sdelay $0x4  }
0x33: {  	v0 =	vsel vm8, $0x188B, v0  }
0x34: {  	[tilespmem:$0x1F680] =	vst v0;
	v0 =	vld [tilespmem:$0x1F5D0];
	_ =	sdelay $0x4  }
0x35: {  	v0 =	vsel vm8, $0x188C, v0  }
0x36: {  	[tilespmem:$0x1F690] =	vst v0;
	v0 =	vld [tilespmem:$0x1F5E0];
	_ =	sdelay $0x4  }
0x37: {  	v0 =	vsel vm8, $0x188D, v0  }
0x38: {  	[tilespmem:$0x1F6A0] =	vst v0;
	v0 =	vld [tilespmem:$0x1F5F0];
	_ =	sdelay $0x4  }
0x39: {  	v0 =	vsel vm8, $0x188E, v0  }
0x3a: {  	[tilespmem:$0x1F6B0] =	vst v0;
	v0 =	vld [tilespmem:$0x1F600];
	_ =	sdelay $0x4  }
0x3b: {  	v0 =	vsel vm8, $0x188F, v0  }
0x3c: {  	[tilespmem:$0x1F6C0] =	vst v0;
	v0 =	vld [tilespmem:$0x1F610];
	_ =	sdelay $0x3  }
0x3d: {  	vm10 =	vcmask $0x2724  }
0x3e: {  	v0 =	vsel vm10, $0x400, v0  }
0x3f: {  	[tilespmem:$0x1F780] =	vst v0;
	v0 =	vld [tilespmem:$0x1F620];
	_ =	sdelay $0x4  }
0x40: {  	v0 =	vsel vm2, $0x0, v0  }
0x41: {  	[tilespmem:$0x1F6D0] =	vst v0;
	v0 =	vld [tilespmem:$0x1F630];
	_ =	sdelay $0x4  }
0x42: {  	v0 =	vsel vm2, $0x1907, v0  }
0x43: {  	[tilespmem:$0x1F6E0] =	vst v0;
	v0 =	vld [tilespmem:$0x1F640];
	_ =	sdelay $0x4  }
0x44: {  	v0 =	vsel vm2, $0x1908, v0  }
0x45: {  	[tilespmem:$0x1F6F0] =	vst v0;
	v0 =	vld [tilespmem:$0x1F650];
	_ =	sdelay $0x4  }
0x46: {  	v0 =	vsel vm2, $0x1909, v0  }
0x47: {  	[tilespmem:$0x1F700] =	vst v0;
	v0 =	vld [tilespmem:$0x1F660];
	_ =	sdelay $0x4  }
0x48: {  	v0 =	vsel vm2, $0x190A, v0  }
0x49: {  	[tilespmem:$0x1F710] =	vst v0;
	v0 =	vld [tilespmem:$0x1F670];
	_ =	sdelay $0x4  }
0x4a: {  	v0 =	vsel vm2, $0x190B, v0  }
0x4b: {  	[tilespmem:$0x1F720] =	vst v0;
	v0 =	vld [tilespmem:$0x1F680];
	_ =	sdelay $0x4  }
0x4c: {  	v0 =	vsel vm2, $0x190C, v0  }
0x4d: {  	[tilespmem:$0x1F730] =	vst v0;
	v0 =	vld [tilespmem:$0x1F690];
	_ =	sdelay $0x4  }
0x4e: {  	v0 =	vsel vm2, $0x190D, v0  }
0x4f: {  	[tilespmem:$0x1F740] =	vst v0;
	v0 =	vld [tilespmem:$0x1F6A0];
	_ =	sdelay $0x4  }
0x50: {  	v0 =	vsel vm2, $0x190E, v0  }
0x51: {  	[tilespmem:$0x1F750] =	vst v0;
	v0 =	vld [tilespmem:$0x1F6B0];
	_ =	sdelay $0x4  }
0x52: {  	v0 =	vsel vm2, $0x190F, v0  }
0x53: {  	[tilespmem:$0x1F760] =	vst v0;
	v0 =	vld [tilespmem:$0x1F6C0]  }
0x54: {  	v11 =	vimm.s32 $0x180;
	v12 =	vimm.s32 $0x100;
	v13 =	vimm.s32 $0x80  }
0x55: {  	v14 =	vimm.s32 $0x0;
	v15 =	vimm.s32 $0x780;
	v16 =	vimm.s32 $0x781  }
0x56: {  	v17 =	vimm.s32 $0x782;
	v18 =	vimm.s32 $0x783;
	v19 =	vimm.s32 $0x784  }
0x57: {  	v20 =	vimm.s32 $0x785;
	v21 =	vimm.s32 $0x786;
	v22 =	vimm.s32 $0x787  }
0x58: {  	v23 =	vimm.s32 $0x788;
	v24 =	vimm.s32 $0x789;
	v0 =	vsel vm2, $0x1900, v0  }
0x59: {  	v25 =	vimm.s32 $0x78A;
	v26 =	vimm.s32 $0x78B;
	v27 =	vimm.s32 $0x78C;
	[tilespmem:$0x1F770] =	vst v0;
	v0 =	vld [tilespmem:$0x1F6D0]  }
0x5a: {  	v28 =	vimm.s32 $0x78D;
	v29 =	vimm.s32 $0x78E;
	v30 =	vimm.s32 $0xF80  }
0x5b: {  	v31 =	vimm.s32 $0xF81;
	v32 =	vimm.s32 $0xF82;
	v33 =	vimm.s32 $0xF83  }
0x5c: {  	v34 =	vimm.s32 $0xF84;
	v35 =	vimm.s32 $0xF85;
	v36 =	vimm.s32 $0xF86  }
0x5d: {  	v37 =	vimm.s32 $0xF87;
	v38 =	vimm.s32 $0xF88;
	v39 =	vimm.s32 $0xF89  }
0x5e: {  	v40 =	vimm.s32 $0xF8A;
	v41 =	vimm.s32 $0xF8B;
	v0 =	vsel vm7, $0x80, v0  }
0x5f: {  	v42 =	vimm.s32 $0xF8C;
	v43 =	vimm.s32 $0xF8D;
	v44 =	vimm.s32 $0xF8E;
	[tilespmem:$0x1F790] =	vst v0;
	v0 =	vld [tilespmem:$0x1F6E0]  }
0x60: {  	v45 =	vimm.s32 $0x1780;
	v46 =	vimm.s32 $0x1781;
	v47 =	vimm.s32 $0x1782  }
0x61: {  	v48 =	vimm.s32 $0x1783;
	v49 =	vimm.s32 $0x1784;
	v50 =	vimm.s32 $0x1785  }
0x62: {  	v51 =	vimm.s32 $0x1786;
	v52 =	vimm.s32 $0x1787;
	v53 =	vimm.s32 $0x1788  }
0x63: {  	v54 =	vimm.s32 $0x1789;
	v55 =	vimm.s32 $0x178A;
	v1 =	vsel vm2, $0x780, v1  }
0x64: {  	v56 =	vimm.s32 $0x178B;
	v1 =	vsel vm7, $0x0, v1;
	v0 =	vsel vm7, $0x1988, v0  }
0x65: {  	v57 =	vimm.s32 $0x178C;
	v58 =	vimm.s32 $0x178D;
	v1 =	vsel vm3, $0x80, v1;
	[tilespmem:$0x1F7A0] =	vst v0;
	v0 =	vld [tilespmem:$0x1F6F0]  }
0x66: {  	v59 =	vimm.s32 $0x178E;
	v60 =	vimm.s32 $0x1F80;
	v61 =	vimm.s32 $0x1F81;
	[tilespmem:$0x1F850] =	vst v1;
	v1 =	vld [tilespmem:$0x1F7A0]  }
0x67: {  	v62 =	vimm.s32 $0x1F82;
	v63 =	vimm.s32 $0x1F83;
	vm11 =	vcmask $0x2B28  }
0x68: {  	vm12 =	vcmask $0x2F2C;
	vm13 =	vcmask $0x3330;
	vm14 =	vcmask $0x3734  }
0x69: {  	vm15 =	vcmask $0x3B38;
	v11 =	vsel vm1, $0x200, v11;
	v2 =	vsel vm2, $0x700, v2  }
0x6a: {  	v12 =	vsel vm1, $0x180, v12;
	v2 =	vsel vm7, $0x780, v2;
	v0 =	vsel vm7, $0x1989, v0  }
0x6b: {  	v13 =	vsel vm1, $0x100, v13;
	v2 =	vsel vm3, $0x0, v2;
	[tilespmem:$0x1F7B0] =	vst v0;
	v0 =	vld [tilespmem:$0x1F700];
	v1 =	vsel vm3, $0x1A09, v1  }
0x6c: {  	v14 =	vsel vm1, $0x80, v14;
	v15 =	vsel vm1, $0x1, v15;
	v2 =	vsel vm5, $0x80, v2;
	[tilespmem:$0x1F860] =	vst v1;
	v1 =	vld [tilespmem:$0x1F7B0]  }
0x6d: {  	v16 =	vsel vm1, $0x2, v16;
	v17 =	vsel vm1, $0x3, v17;
	v18 =	vsel vm1, $0x4, v18;
	[tilespmem:$0x1F910] =	vst v2;
	v2 =	vld [tilespmem:$0x1F860]  }
0x6e: {  	v19 =	vsel vm1, $0x5, v19;
	v20 =	vsel vm1, $0x6, v20;
	v21 =	vsel vm1, $0x7, v21  }
0x6f: {  	v22 =	vsel vm1, $0x8, v22;
	v23 =	vsel vm1, $0x9, v23;
	v24 =	vsel vm1, $0xA, v24  }
0x70: {  	v25 =	vsel vm1, $0xB, v25;
	v26 =	vsel vm1, $0xC, v26;
	v0 =	vsel vm7, $0x198A, v0  }
0x71: {  	v27 =	vsel vm1, $0xD, v27;
	v28 =	vsel vm1, $0xE, v28;
	[tilespmem:$0x1F7C0] =	vst v0;
	v0 =	vld [tilespmem:$0x1F710];
	v1 =	vsel vm3, $0x1A0A, v1  }
0x72: {  	v29 =	vsel vm1, $0xF, v29;
	v30 =	vsel vm1, $0x801, v30;
	[tilespmem:$0x1F870] =	vst v1;
	v1 =	vld [tilespmem:$0x1F7C0];
	v2 =	vsel vm5, $0x1A8A, v2  }
0x73: {  	v31 =	vsel vm1, $0x802, v31;
	v32 =	vsel vm1, $0x803, v32;
	v33 =	vsel vm1, $0x804, v33;
	[tilespmem:$0x1F920] =	vst v2;
	v2 =	vld [tilespmem:$0x1F870]  }
0x74: {  	v34 =	vsel vm1, $0x805, v34;
	v35 =	vsel vm1, $0x806, v35;
	v36 =	vsel vm1, $0x807, v36  }
0x75: {  	v37 =	vsel vm1, $0x808, v37;
	v38 =	vsel vm1, $0x809, v38;
	v39 =	vsel vm1, $0x80A, v39  }
0x76: {  	v40 =	vsel vm1, $0x80B, v40;
	v41 =	vsel vm1, $0x80C, v41;
	v0 =	vsel vm7, $0x198B, v0  }
0x77: {  	v42 =	vsel vm1, $0x80D, v42;
	v43 =	vsel vm1, $0x80E, v43;
	[tilespmem:$0x1F7D0] =	vst v0;
	v0 =	vld [tilespmem:$0x1F720];
	v1 =	vsel vm3, $0x1A0B, v1  }
0x78: {  	v44 =	vsel vm1, $0x80F, v44;
	v45 =	vsel vm1, $0x1001, v45;
	[tilespmem:$0x1F880] =	vst v1;
	v1 =	vld [tilespmem:$0x1F7D0];
	v2 =	vsel vm5, $0x1A8B, v2  }
0x79: {  	v46 =	vsel vm1, $0x1002, v46;
	v47 =	vsel vm1, $0x1003, v47;
	v48 =	vsel vm1, $0x1004, v48;
	[tilespmem:$0x1F930] =	vst v2;
	v2 =	vld [tilespmem:$0x1F880]  }
0x7a: {  	v49 =	vsel vm1, $0x1005, v49;
	v50 =	vsel vm1, $0x1006, v50;
	v51 =	vsel vm1, $0x1007, v51  }
0x7b: {  	v52 =	vsel vm1, $0x1008, v52;
	v53 =	vsel vm1, $0x1009, v53;
	v54 =	vsel vm1, $0x100A, v54  }
0x7c: {  	v55 =	vsel vm1, $0x100B, v55;
	v56 =	vsel vm1, $0x100C, v56;
	v0 =	vsel vm7, $0x198C, v0  }
0x7d: {  	v57 =	vsel vm1, $0x100D, v57;
	v58 =	vsel vm1, $0x100E, v58;
	[tilespmem:$0x1F7E0] =	vst v0;
	v0 =	vld [tilespmem:$0x1F730];
	v1 =	vsel vm3, $0x1A0C, v1  }
0x7e: {  	v59 =	vsel vm1, $0x100F, v59;
	v60 =	vsel vm1, $0x1801, v60;
	[tilespmem:$0x1F890] =	vst v1;
	v1 =	vld [tilespmem:$0x1F7E0];
	v2 =	vsel vm5, $0x1A8C, v2  }
0x7f: {  	v61 =	vsel vm1, $0x1802, v61;
	v62 =	vsel vm1, $0x1803, v62;
	v63 =	vsel vm1, $0x1804, v63;
	[tilespmem:$0x1F940] =	vst v2;
	v2 =	vld [tilespmem:$0x1F890]  }
0x80: {  	v11 =	vsel vm8, $0x280, v11;
	v12 =	vsel vm8, $0x200, v12;
	v13 =	vsel vm8, $0x180, v13  }
0x81: {  	v14 =	vsel vm8, $0x100, v14;
	v15 =	vsel vm8, $0x82, v15;
	v16 =	vsel vm8, $0x83, v16  }
0x82: {  	v17 =	vsel vm8, $0x84, v17;
	v18 =	vsel vm8, $0x85, v18;
	v0 =	vsel vm7, $0x198D, v0  }
0x83: {  	v19 =	vsel vm8, $0x86, v19;
	v20 =	vsel vm8, $0x87, v20;
	[tilespmem:$0x1F7F0] =	vst v0;
	v0 =	vld [tilespmem:$0x1F740];
	v1 =	vsel vm3, $0x1A0D, v1  }
0x84: {  	v21 =	vsel vm8, $0x88, v21;
	v22 =	vsel vm8, $0x89, v22;
	[tilespmem:$0x1F8A0] =	vst v1;
	v1 =	vld [tilespmem:$0x1F7F0];
	v2 =	vsel vm5, $0x1A8D, v2  }
0x85: {  	v23 =	vsel vm8, $0x8A, v23;
	v24 =	vsel vm8, $0x8B, v24;
	v25 =	vsel vm8, $0x8C, v25;
	[tilespmem:$0x1F950] =	vst v2;
	v2 =	vld [tilespmem:$0x1F8A0]  }
0x86: {  	v26 =	vsel vm8, $0x8D, v26;
	v27 =	vsel vm8, $0x8E, v27;
	v28 =	vsel vm8, $0x8F, v28  }
0x87: {  	v29 =	vsel vm8, $0x80, v29;
	v30 =	vsel vm8, $0x882, v30;
	v31 =	vsel vm8, $0x883, v31  }
0x88: {  	v32 =	vsel vm8, $0x884, v32;
	v33 =	vsel vm8, $0x885, v33;
	v0 =	vsel vm7, $0x198E, v0  }
0x89: {  	v34 =	vsel vm8, $0x886, v34;
	v35 =	vsel vm8, $0x887, v35;
	[tilespmem:$0x1F800] =	vst v0;
	v0 =	vld [tilespmem:$0x1F750];
	v1 =	vsel vm3, $0x1A0E, v1  }
0x8a: {  	v36 =	vsel vm8, $0x888, v36;
	v37 =	vsel vm8, $0x889, v37;
	[tilespmem:$0x1F8B0] =	vst v1;
	v1 =	vld [tilespmem:$0x1F800];
	v2 =	vsel vm5, $0x1A8E, v2  }
0x8b: {  	v38 =	vsel vm8, $0x88A, v38;
	v39 =	vsel vm8, $0x88B, v39;
	v40 =	vsel vm8, $0x88C, v40;
	[tilespmem:$0x1F960] =	vst v2;
	v2 =	vld [tilespmem:$0x1F8B0]  }
0x8c: {  	v41 =	vsel vm8, $0x88D, v41;
	v42 =	vsel vm8, $0x88E, v42;
	v43 =	vsel vm8, $0x88F, v43  }
0x8d: {  	v44 =	vsel vm8, $0x880, v44;
	v45 =	vsel vm8, $0x1082, v45;
	v46 =	vsel vm8, $0x1083, v46  }
0x8e: {  	v47 =	vsel vm8, $0x1084, v47;
	v48 =	vsel vm8, $0x1085, v48;
	v0 =	vsel vm7, $0x198F, v0  }
0x8f: {  	v49 =	vsel vm8, $0x1086, v49;
	v50 =	vsel vm8, $0x1087, v50;
	[tilespmem:$0x1F810] =	vst v0;
	v0 =	vld [tilespmem:$0x1F760];
	v1 =	vsel vm3, $0x1A0F, v1  }
0x90: {  	v51 =	vsel vm8, $0x1088, v51;
	v52 =	vsel vm8, $0x1089, v52;
	[tilespmem:$0x1F8C0] =	vst v1;
	v1 =	vld [tilespmem:$0x1F810];
	v2 =	vsel vm5, $0x1A8F, v2  }
0x91: {  	v53 =	vsel vm8, $0x108A, v53;
	v54 =	vsel vm8, $0x108B, v54;
	v55 =	vsel vm8, $0x108C, v55;
	[tilespmem:$0x1F970] =	vst v2;
	v2 =	vld [tilespmem:$0x1F8C0]  }
0x92: {  	v56 =	vsel vm8, $0x108D, v56;
	v57 =	vsel vm8, $0x108E, v57;
	v58 =	vsel vm8, $0x108F, v58  }
0x93: {  	v59 =	vsel vm8, $0x1080, v59;
	v60 =	vsel vm8, $0x1882, v60;
	v61 =	vsel vm8, $0x1883, v61  }
0x94: {  	v62 =	vsel vm8, $0x1884, v62;
	v63 =	vsel vm8, $0x1885, v63;
	v0 =	vsel vm7, $0x1980, v0  }
0x95: {  	v11 =	vsel vm2, $0x300, v11;
	v12 =	vsel vm2, $0x280, v12;
	[tilespmem:$0x1F820] =	vst v0;
	v0 =	vld [tilespmem:$0x1F770];
	v1 =	vsel vm3, $0x1A00, v1  }
0x96: {  	v13 =	vsel vm2, $0x200, v13;
	v14 =	vsel vm2, $0x180, v14;
	[tilespmem:$0x1F8D0] =	vst v1;
	v1 =	vld [tilespmem:$0x1F820];
	v2 =	vsel vm5, $0x1A80, v2  }
0x97: {  	v15 =	vsel vm2, $0x103, v15;
	v16 =	vsel vm2, $0x104, v16;
	v17 =	vsel vm2, $0x105, v17;
	[tilespmem:$0x1F980] =	vst v2;
	v2 =	vld [tilespmem:$0x1F8D0]  }
0x98: {  	v18 =	vsel vm2, $0x106, v18;
	v19 =	vsel vm2, $0x107, v19;
	v20 =	vsel vm2, $0x108, v20  }
0x99: {  	v21 =	vsel vm2, $0x109, v21;
	v22 =	vsel vm2, $0x10A, v22;
	v23 =	vsel vm2, $0x10B, v23  }
0x9a: {  	v24 =	vsel vm2, $0x10C, v24;
	v25 =	vsel vm2, $0x10D, v25;
	v0 =	vsel vm7, $0x1981, v0  }
0x9b: {  	v26 =	vsel vm2, $0x10E, v26;
	v27 =	vsel vm2, $0x10F, v27;
	[tilespmem:$0x1F830] =	vst v0;
	v0 =	vld [tilespmem:$0x1F780];
	v1 =	vsel vm3, $0x1A01, v1  }
0x9c: {  	v28 =	vsel vm2, $0x100, v28;
	v29 =	vsel vm2, $0x101, v29;
	[tilespmem:$0x1F8E0] =	vst v1;
	v1 =	vld [tilespmem:$0x1F830];
	v2 =	vsel vm5, $0x1A81, v2  }
0x9d: {  	v30 =	vsel vm2, $0x903, v30;
	v31 =	vsel vm2, $0x904, v31;
	v32 =	vsel vm2, $0x905, v32;
	[tilespmem:$0x1F990] =	vst v2;
	v2 =	vld [tilespmem:$0x1F8E0]  }
0x9e: {  	v33 =	vsel vm2, $0x906, v33;
	v34 =	vsel vm2, $0x907, v34;
	v35 =	vsel vm2, $0x908, v35  }
0x9f: {  	v36 =	vsel vm2, $0x909, v36;
	v37 =	vsel vm2, $0x90A, v37;
	v38 =	vsel vm2, $0x90B, v38  }
0xa0: {  	v39 =	vsel vm2, $0x90C, v39;
	v40 =	vsel vm2, $0x90D, v40;
	v0 =	vsel vm11, $0x480, v0  }
0xa1: {  	v41 =	vsel vm2, $0x90E, v41;
	v42 =	vsel vm2, $0x90F, v42;
	[tilespmem:$0x1F840] =	vst v0;
	v1 =	vsel vm3, $0x1A02, v1  }
0xa2: {  	v43 =	vsel vm2, $0x900, v43;
	v44 =	vsel vm2, $0x901, v44;
	[tilespmem:$0x1F8F0] =	vst v1;
	v1 =	vld [tilespmem:$0x1F840];
	v2 =	vsel vm5, $0x1A82, v2  }
0xa3: {  	v45 =	vsel vm2, $0x1103, v45;
	v46 =	vsel vm2, $0x1104, v46;
	v47 =	vsel vm2, $0x1105, v47;
	[tilespmem:$0x1F9A0] =	vst v2;
	v2 =	vld [tilespmem:$0x1F8F0]  }
0xa4: {  	v48 =	vsel vm2, $0x1106, v48;
	v49 =	vsel vm2, $0x1107, v49;
	v50 =	vsel vm2, $0x1108, v50  }
0xa5: {  	v51 =	vsel vm2, $0x1109, v51;
	v52 =	vsel vm2, $0x110A, v52;
	v53 =	vsel vm2, $0x110B, v53  }
0xa6: {  	v54 =	vsel vm2, $0x110C, v54;
	v55 =	vsel vm2, $0x110D, v55;
	v56 =	vsel vm2, $0x110E, v56  }
0xa7: {  	v57 =	vsel vm2, $0x110F, v57;
	v58 =	vsel vm2, $0x1100, v58;
	v1 =	vsel vm12, $0x500, v1  }
0xa8: {  	v59 =	vsel vm2, $0x1101, v59;
	v60 =	vsel vm2, $0x1903, v60;
	[tilespmem:$0x1F900] =	vst v1;
	v2 =	vsel vm5, $0x1A83, v2  }
0xa9: {  	v61 =	vsel vm2, $0x1904, v61;
	v62 =	vsel vm2, $0x1905, v62;
	v63 =	vsel vm2, $0x1906, v63;
	[tilespmem:$0x1F9B0] =	vst v2;
	v2 =	vld [tilespmem:$0x1F900]  }
0xaa: {  	v11 =	vsel vm7, $0x380, v11;
	v12 =	vsel vm7, $0x300, v12;
	v13 =	vsel vm7, $0x280, v13  }
0xab: {  	v14 =	vsel vm7, $0x200, v14;
	v15 =	vsel vm7, $0x184, v15;
	v16 =	vsel vm7, $0x185, v16  }
0xac: {  	v17 =	vsel vm7, $0x186, v17;
	v18 =	vsel vm7, $0x187, v18;
	v19 =	vsel vm7, $0x188, v19  }
0xad: {  	v20 =	vsel vm7, $0x189, v20;
	v21 =	vsel vm7, $0x18A, v21;
	v22 =	vsel vm7, $0x18B, v22  }
0xae: {  	v23 =	vsel vm7, $0x18C, v23;
	v24 =	vsel vm7, $0x18D, v24;
	v2 =	vsel vm13, $0x580, v2  }
0xaf: {  	v25 =	vsel vm7, $0x18E, v25;
	v26 =	vsel vm7, $0x18F, v26;
	v27 =	vsel vm7, $0x180, v27;
	[tilespmem:$0x1F9C0] =	vst v2;
	v2 =	vld [tilespmem:$0x1F910]  }
0xb0: {  	v28 =	vsel vm7, $0x181, v28;
	v29 =	vsel vm7, $0x182, v29;
	v30 =	vsel vm7, $0x984, v30  }
0xb1: {  	v31 =	vsel vm7, $0x985, v31;
	v32 =	vsel vm7, $0x986, v32;
	v33 =	vsel vm7, $0x987, v33  }
0xb2: {  	v34 =	vsel vm7, $0x988, v34;
	v35 =	vsel vm7, $0x989, v35;
	v36 =	vsel vm7, $0x98A, v36  }
0xb3: {  	v37 =	vsel vm7, $0x98B, v37;
	v38 =	vsel vm7, $0x98C, v38;
	v39 =	vsel vm7, $0x98D, v39  }
0xb4: {  	v40 =	vsel vm7, $0x98E, v40;
	v41 =	vsel vm7, $0x98F, v41;
	v2 =	vsel vm6, $0x100, v2  }
0xb5: {  	v42 =	vsel vm7, $0x980, v42;
	v43 =	vsel vm7, $0x981, v43;
	v44 =	vsel vm7, $0x982, v44;
	[tilespmem:$0x1F9D0] =	vst v2;
	v2 =	vld [tilespmem:$0x1F920]  }
0xb6: {  	v45 =	vsel vm7, $0x1184, v45;
	v46 =	vsel vm7, $0x1185, v46;
	v47 =	vsel vm7, $0x1186, v47  }
0xb7: {  	v48 =	vsel vm7, $0x1187, v48;
	v49 =	vsel vm7, $0x1188, v49;
	v50 =	vsel vm7, $0x1189, v50  }
0xb8: {  	v51 =	vsel vm7, $0x118A, v51;
	v52 =	vsel vm7, $0x118B, v52;
	v53 =	vsel vm7, $0x118C, v53  }
0xb9: {  	v54 =	vsel vm7, $0x118D, v54;
	v55 =	vsel vm7, $0x118E, v55;
	v56 =	vsel vm7, $0x118F, v56  }
0xba: {  	v57 =	vsel vm7, $0x1180, v57;
	v58 =	vsel vm7, $0x1181, v58;
	v2 =	vsel vm6, $0x1B0B, v2  }
0xbb: {  	v59 =	vsel vm7, $0x1182, v59;
	v60 =	vsel vm7, $0x1984, v60;
	v61 =	vsel vm7, $0x1985, v61;
	[tilespmem:$0x1F9E0] =	vst v2;
	v2 =	vld [tilespmem:$0x1F930]  }
0xbc: {  	v62 =	vsel vm7, $0x1986, v62;
	v63 =	vsel vm7, $0x1987, v63;
	v11 =	vsel vm3, $0x400, v11  }
0xbd: {  	v12 =	vsel vm3, $0x380, v12;
	v13 =	vsel vm3, $0x300, v13;
	v14 =	vsel vm3, $0x280, v14  }
0xbe: {  	v15 =	vsel vm3, $0x205, v15;
	v16 =	vsel vm3, $0x206, v16;
	v17 =	vsel vm3, $0x207, v17  }
0xbf: {  	v18 =	vsel vm3, $0x208, v18;
	v19 =	vsel vm3, $0x209, v19;
	v20 =	vsel vm3, $0x20A, v20  }
0xc0: {  	v21 =	vsel vm3, $0x20B, v21;
	v22 =	vsel vm3, $0x20C, v22;
	v2 =	vsel vm6, $0x1B0C, v2  }
0xc1: {  	v23 =	vsel vm3, $0x20D, v23;
	v24 =	vsel vm3, $0x20E, v24;
	v25 =	vsel vm3, $0x20F, v25;
	[tilespmem:$0x1F9F0] =	vst v2;
	v2 =	vld [tilespmem:$0x1F940]  }
0xc2: {  	v26 =	vsel vm3, $0x200, v26;
	v27 =	vsel vm3, $0x201, v27;
	v28 =	vsel vm3, $0x202, v28  }
0xc3: {  	v29 =	vsel vm3, $0x203, v29;
	v30 =	vsel vm3, $0xA05, v30;
	v31 =	vsel vm3, $0xA06, v31  }
0xc4: {  	v32 =	vsel vm3, $0xA07, v32;
	v33 =	vsel vm3, $0xA08, v33;
	v34 =	vsel vm3, $0xA09, v34  }
0xc5: {  	v35 =	vsel vm3, $0xA0A, v35;
	v36 =	vsel vm3, $0xA0B, v36;
	v37 =	vsel vm3, $0xA0C, v37  }
0xc6: {  	v38 =	vsel vm3, $0xA0D, v38;
	v39 =	vsel vm3, $0xA0E, v39;
	v2 =	vsel vm6, $0x1B0D, v2  }
0xc7: {  	v40 =	vsel vm3, $0xA0F, v40;
	v41 =	vsel vm3, $0xA00, v41;
	v42 =	vsel vm3, $0xA01, v42;
	[tilespmem:$0x1FA00] =	vst v2;
	v2 =	vld [tilespmem:$0x1F950]  }
0xc8: {  	v43 =	vsel vm3, $0xA02, v43;
	v44 =	vsel vm3, $0xA03, v44;
	v45 =	vsel vm3, $0x1205, v45  }
0xc9: {  	v46 =	vsel vm3, $0x1206, v46;
	v47 =	vsel vm3, $0x1207, v47;
	v48 =	vsel vm3, $0x1208, v48  }
0xca: {  	v49 =	vsel vm3, $0x1209, v49;
	v50 =	vsel vm3, $0x120A, v50;
	v51 =	vsel vm3, $0x120B, v51  }
0xcb: {  	v52 =	vsel vm3, $0x120C, v52;
	v53 =	vsel vm3, $0x120D, v53;
	v54 =	vsel vm3, $0x120E, v54  }
0xcc: {  	v55 =	vsel vm3, $0x120F, v55;
	v56 =	vsel vm3, $0x1200, v56;
	v2 =	vsel vm6, $0x1B0E, v2  }
0xcd: {  	v57 =	vsel vm3, $0x1201, v57;
	v58 =	vsel vm3, $0x1202, v58;
	v59 =	vsel vm3, $0x1203, v59;
	[tilespmem:$0x1FA10] =	vst v2;
	v2 =	vld [tilespmem:$0x1F960]  }
0xce: {  	v60 =	vsel vm3, $0x1A05, v60;
	v61 =	vsel vm3, $0x1A06, v61;
	v62 =	vsel vm3, $0x1A07, v62  }
0xcf: {  	v63 =	vsel vm3, $0x1A08, v63;
	v11 =	vsel vm5, $0x480, v11;
	v12 =	vsel vm5, $0x400, v12  }
0xd0: {  	v13 =	vsel vm5, $0x380, v13;
	v14 =	vsel vm5, $0x300, v14;
	v15 =	vsel vm5, $0x286, v15  }
0xd1: {  	v16 =	vsel vm5, $0x287, v16;
	v17 =	vsel vm5, $0x288, v17;
	v18 =	vsel vm5, $0x289, v18  }
0xd2: {  	v19 =	vsel vm5, $0x28A, v19;
	v20 =	vsel vm5, $0x28B, v20;
	v2 =	vsel vm6, $0x1B0F, v2  }
0xd3: {  	v21 =	vsel vm5, $0x28C, v21;
	v22 =	vsel vm5, $0x28D, v22;
	v23 =	vsel vm5, $0x28E, v23;
	[tilespmem:$0x1FA20] =	vst v2;
	v2 =	vld [tilespmem:$0x1F970]  }
0xd4: {  	v24 =	vsel vm5, $0x28F, v24;
	v25 =	vsel vm5, $0x280, v25;
	v26 =	vsel vm5, $0x281, v26  }
0xd5: {  	v27 =	vsel vm5, $0x282, v27;
	v28 =	vsel vm5, $0x283, v28;
	v29 =	vsel vm5, $0x284, v29  }
0xd6: {  	v30 =	vsel vm5, $0xA86, v30;
	v31 =	vsel vm5, $0xA87, v31;
	v32 =	vsel vm5, $0xA88, v32  }
0xd7: {  	v33 =	vsel vm5, $0xA89, v33;
	v34 =	vsel vm5, $0xA8A, v34;
	v35 =	vsel vm5, $0xA8B, v35  }
0xd8: {  	v36 =	vsel vm5, $0xA8C, v36;
	v37 =	vsel vm5, $0xA8D, v37;
	v2 =	vsel vm6, $0x1B00, v2  }
0xd9: {  	v38 =	vsel vm5, $0xA8E, v38;
	v39 =	vsel vm5, $0xA8F, v39;
	v40 =	vsel vm5, $0xA80, v40;
	[tilespmem:$0x1FA30] =	vst v2;
	v2 =	vld [tilespmem:$0x1F980]  }
0xda: {  	v41 =	vsel vm5, $0xA81, v41;
	v42 =	vsel vm5, $0xA82, v42;
	v43 =	vsel vm5, $0xA83, v43  }
0xdb: {  	v44 =	vsel vm5, $0xA84, v44;
	v45 =	vsel vm5, $0x1286, v45;
	v46 =	vsel vm5, $0x1287, v46  }
0xdc: {  	v47 =	vsel vm5, $0x1288, v47;
	v48 =	vsel vm5, $0x1289, v48;
	v49 =	vsel vm5, $0x128A, v49  }
0xdd: {  	v50 =	vsel vm5, $0x128B, v50;
	v51 =	vsel vm5, $0x128C, v51;
	v52 =	vsel vm5, $0x128D, v52  }
0xde: {  	v53 =	vsel vm5, $0x128E, v53;
	v54 =	vsel vm5, $0x128F, v54;
	v2 =	vsel vm6, $0x1B01, v2  }
0xdf: {  	v55 =	vsel vm5, $0x1280, v55;
	v56 =	vsel vm5, $0x1281, v56;
	v57 =	vsel vm5, $0x1282, v57;
	[tilespmem:$0x1FA40] =	vst v2;
	v2 =	vld [tilespmem:$0x1F990]  }
0xe0: {  	v58 =	vsel vm5, $0x1283, v58;
	v59 =	vsel vm5, $0x1284, v59;
	v60 =	vsel vm5, $0x1A86, v60  }
0xe1: {  	v11 =	vsel vm6, $0x500, v11;
	v12 =	vsel vm6, $0x480, v12;
	v13 =	vsel vm6, $0x400, v13  }
0xe2: {  	v14 =	vsel vm6, $0x380, v14;
	v15 =	vsel vm6, $0x307, v15;
	v16 =	vsel vm6, $0x308, v16  }
0xe3: {  	v17 =	vsel vm6, $0x309, v17;
	v18 =	vsel vm6, $0x30A, v18;
	v19 =	vsel vm6, $0x30B, v19  }
0xe4: {  	v20 =	vsel vm6, $0x30C, v20;
	v21 =	vsel vm6, $0x30D, v21;
	v2 =	vsel vm6, $0x1B02, v2  }
0xe5: {  	v22 =	vsel vm6, $0x30E, v22;
	v23 =	vsel vm6, $0x30F, v23;
	v24 =	vsel vm6, $0x300, v24;
	[tilespmem:$0x1FA50] =	vst v2;
	v2 =	vld [tilespmem:$0x1F9A0]  }
0xe6: {  	v25 =	vsel vm6, $0x301, v25;
	v26 =	vsel vm6, $0x302, v26;
	v27 =	vsel vm6, $0x303, v27  }
0xe7: {  	v28 =	vsel vm6, $0x304, v28;
	v29 =	vsel vm6, $0x305, v29;
	v30 =	vsel vm6, $0xB07, v30  }
0xe8: {  	v31 =	vsel vm6, $0xB08, v31;
	v32 =	vsel vm6, $0xB09, v32;
	v33 =	vsel vm6, $0xB0A, v33  }
0xe9: {  	v34 =	vsel vm6, $0xB0B, v34;
	v35 =	vsel vm6, $0xB0C, v35;
	v36 =	vsel vm6, $0xB0D, v36  }
0xea: {  	v37 =	vsel vm6, $0xB0E, v37;
	v38 =	vsel vm6, $0xB0F, v38;
	v2 =	vsel vm6, $0x1B03, v2  }
0xeb: {  	v39 =	vsel vm6, $0xB00, v39;
	v40 =	vsel vm6, $0xB01, v40;
	v41 =	vsel vm6, $0xB02, v41;
	[tilespmem:$0x1FA60] =	vst v2;
	v2 =	vld [tilespmem:$0x1F9B0]  }
0xec: {  	v42 =	vsel vm6, $0xB03, v42;
	v43 =	vsel vm6, $0xB04, v43;
	v44 =	vsel vm6, $0xB05, v44  }
0xed: {  	v45 =	vsel vm6, $0x1307, v45;
	v46 =	vsel vm6, $0x1308, v46;
	v47 =	vsel vm6, $0x1309, v47;
	v0 =	vld [tilespmem:$0x1F790]  }
0xee: {  	v48 =	vsel vm6, $0x130A, v48;
	v4 =	vsel vm2, $0x600, v4;
	v5 =	vsel vm2, $0x580, v5  }
0xef: {  	v49 =	vsel vm6, $0x130B, v49;
	v4 =	vsel vm7, $0x680, v4;
	v5 =	vsel vm7, $0x600, v5  }
0xf0: {  	v4 =	vsel vm3, $0x700, v4;
	v5 =	vsel vm3, $0x680, v5;
	v1 =	vld [tilespmem:$0x1F850];
	v2 =	vsel vm6, $0x1B04, v2  }
0xf1: {  	v4 =	vsel vm5, $0x780, v4;
	v5 =	vsel vm5, $0x700, v5;
	v7 =	vsel vm2, $0x480, v7;
	[tilespmem:$0x1FA70] =	vst v2;
	v2 =	vld [tilespmem:$0x1F9C0]  }
0xf2: {  	v8 =	vsel vm2, $0x400, v8;
	v4 =	vsel vm6, $0x0, v4;
	v0 =	vsel vm3, $0x100, v0  }
0xf3: {  	v5 =	vsel vm6, $0x780, v5;
	v7 =	vsel vm7, $0x500, v7;
	v0 =	vsel vm5, $0x180, v0  }
0xf4: {  	v8 =	vsel vm7, $0x480, v8;
	v4 =	vsel vm4, $0x80, v4;
	v0 =	vsel vm6, $0x200, v0  }
0xf5: {  	v5 =	vsel vm4, $0x0, v5;
	v0 =	vsel vm4, $0x280, v0;
	v1 =	vsel vm5, $0x100, v1  }
0xf6: {  	v0 =	vsel vm0, $0x300, v0;
	v1 =	vsel vm6, $0x180, v1;
	v2 =	vsel vm14, $0x600, v2  }
0xf7: {  	v7 =	vsel vm3, $0x580, v7;
	v0 =	vsel vm10, $0x380, v0;
	v1 =	vsel vm4, $0x200, v1;
	[tilespmem:$0x1FA80] =	vst v2;
	v2 =	vld [tilespmem:$0x1F9D0]  }
0xf8: {  	v8 =	vsel vm3, $0x500, v8;
	v0 =	vsel vm11, $0x400, v0;
	v1 =	vsel vm0, $0x280, v1  }
0xf9: {  	v3 =	vsel vm2, $0x680, v3;
	v0 =	vsel vm12, $0x480, v0;
	v1 =	vsel vm10, $0x300, v1  }
0xfa: {  	v3 =	vsel vm7, $0x700, v3;
	v0 =	vsel vm13, $0x500, v0;
	v1 =	vsel vm11, $0x380, v1  }
0xfb: {  	v3 =	vsel vm3, $0x780, v3;
	v0 =	vsel vm14, $0x580, v0;
	v1 =	vsel vm12, $0x400, v1  }
0xfc: {  	v0 =	vsel vm15, $0x600, v0;
	v1 =	vsel vm13, $0x480, v1;
	v2 =	vsel vm4, $0x180, v2  }
0xfd: {  	v3 =	vsel vm5, $0x0, v3;
	[tilespmem:$0x1FAA0] =	vst v0;
	v0 =	vsel vm14, $0x500, v1;
	v2 =	vsel vm0, $0x200, v2  }
0xfe: {  	v3 =	vsel vm6, $0x80, v3;
	v0 =	vsel vm15, $0x580, v0;
	v1 =	vsel vm10, $0x280, v2  }
0xff: {  	v7 =	vsel vm5, $0x600, v7;
	v3 =	vsel vm4, $0x100, v3;
	[tilespmem:$0x1FAB0] =	vst v0;
	v0 =	vsel vm11, $0x300, v1  }
0x100: {  	v8 =	vsel vm5, $0x580, v8;
	v1 =	vsel vm0, $0x180, v3;
	v0 =	vsel vm12, $0x380, v0  }
0x101: {  	v7 =	vsel vm6, $0x680, v7;
	v1 =	vsel vm10, $0x200, v1;
	v0 =	vsel vm13, $0x400, v0  }
0x102: {  	v2 =	vsel vm0, $0x100, v4;
	v1 =	vsel vm11, $0x280, v1;
	v0 =	vsel vm14, $0x480, v0  }
0x103: {  	v2 =	vsel vm10, $0x180, v2;
	v1 =	vsel vm12, $0x300, v1;
	v0 =	vsel vm15, $0x500, v0  }
0x104: {  	v6 =	vsel vm2, $0x500, v6;
	v2 =	vsel vm11, $0x200, v2;
	[tilespmem:$0x1FAC0] =	vst v0;
	v0 =	vsel vm13, $0x380, v1  }
0x105: {  	v6 =	vsel vm7, $0x580, v6;
	v1 =	vsel vm12, $0x280, v2;
	v0 =	vsel vm14, $0x400, v0  }
0x106: {  	v6 =	vsel vm3, $0x600, v6;
	v1 =	vsel vm13, $0x300, v1;
	v0 =	vsel vm15, $0x480, v0  }
0x107: {  	v6 =	vsel vm5, $0x680, v6;
	v2 =	vsel vm0, $0x80, v5;
	[tilespmem:$0x1FAD0] =	vst v0;
	v0 =	vsel vm14, $0x380, v1  }
0x108: {  	v6 =	vsel vm6, $0x700, v6;
	v1 =	vsel vm10, $0x100, v2;
	v0 =	vsel vm15, $0x400, v0  }
0x109: {  	v8 =	vsel vm6, $0x600, v8;
	v6 =	vsel vm4, $0x780, v6;
	[tilespmem:$0x1FAE0] =	vst v0;
	v0 =	vsel vm11, $0x180, v1  }
0x10a: {  	v7 =	vsel vm4, $0x700, v7;
	v1 =	vsel vm0, $0x0, v6;
	v0 =	vsel vm12, $0x200, v0  }
0x10b: {  	v8 =	vsel vm4, $0x680, v8;
	v1 =	vsel vm10, $0x80, v1;
	v0 =	vsel vm13, $0x280, v0  }
0x10c: {  	v2 =	vsel vm0, $0x780, v7;
	v1 =	vsel vm11, $0x100, v1;
	v0 =	vsel vm14, $0x300, v0  }
0x10d: {  	v2 =	vsel vm10, $0x0, v2;
	v1 =	vsel vm12, $0x180, v1;
	v0 =	vsel vm15, $0x380, v0  }
0x10e: {  	v9 =	vsel vm2, $0x380, v9;
	v2 =	vsel vm11, $0x80, v2;
	[tilespmem:$0x1FAF0] =	vst v0;
	v0 =	vsel vm13, $0x200, v1  }
0x10f: {  	v9 =	vsel vm7, $0x400, v9;
	v1 =	vsel vm12, $0x100, v2;
	v0 =	vsel vm14, $0x280, v0  }
0x110: {  	v9 =	vsel vm3, $0x480, v9;
	v1 =	vsel vm13, $0x180, v1;
	v0 =	vsel vm15, $0x300, v0  }
0x111: {  	v9 =	vsel vm5, $0x500, v9;
	v2 =	vsel vm0, $0x700, v8;
	[tilespmem:$0x1FB00] =	vst v0;
	v0 =	vsel vm14, $0x200, v1  }
0x112: {  	v9 =	vsel vm6, $0x580, v9;
	v1 =	vsel vm10, $0x780, v2;
	v0 =	vsel vm15, $0x280, v0  }
0x113: {  	v50 =	vsel vm6, $0x130C, v50;
	v9 =	vsel vm4, $0x600, v9;
	[tilespmem:$0x1FB10] =	vst v0;
	v0 =	vsel vm11, $0x0, v1  }
0x114: {  	v51 =	vsel vm6, $0x130D, v51;
	v1 =	vsel vm0, $0x680, v9;
	v0 =	vsel vm12, $0x80, v0  }
0x115: {  	v11 =	vsel vm4, $0x580, v11;
	v1 =	vsel vm10, $0x700, v1;
	v0 =	vsel vm13, $0x100, v0  }
0x116: {  	v2 =	vsel vm0, $0x600, v11;
	v1 =	vsel vm11, $0x780, v1;
	v0 =	vsel vm14, $0x180, v0  }
0x117: {  	v2 =	vsel vm10, $0x680, v2;
	v1 =	vsel vm12, $0x0, v1;
	v0 =	vsel vm15, $0x200, v0  }
0x118: {  	v52 =	vsel vm6, $0x130E, v52;
	v2 =	vsel vm11, $0x700, v2;
	[tilespmem:$0x1FB20] =	vst v0;
	v0 =	vsel vm13, $0x80, v1  }
0x119: {  	v53 =	vsel vm6, $0x130F, v53;
	v1 =	vsel vm12, $0x780, v2;
	v0 =	vsel vm14, $0x100, v0  }
0x11a: {  	v12 =	vsel vm4, $0x500, v12;
	v1 =	vsel vm13, $0x0, v1;
	v0 =	vsel vm15, $0x180, v0  }
0x11b: {  	v54 =	vsel vm6, $0x1300, v54;
	v2 =	vsel vm0, $0x580, v12;
	[tilespmem:$0x1FB30] =	vst v0;
	v0 =	vsel vm14, $0x80, v1  }
0x11c: {  	v55 =	vsel vm6, $0x1301, v55;
	v1 =	vsel vm10, $0x600, v2;
	v0 =	vsel vm15, $0x100, v0  }
0x11d: {  	v13 =	vsel vm4, $0x480, v13;
	v14 =	vsel vm4, $0x400, v14;
	[tilespmem:$0x1FB40] =	vst v0;
	v0 =	vsel vm11, $0x680, v1  }
0x11e: {  	v15 =	vsel vm4, $0x388, v15;
	v1 =	vsel vm0, $0x500, v13;
	v0 =	vsel vm12, $0x700, v0  }
0x11f: {  	v16 =	vsel vm4, $0x389, v16;
	v1 =	vsel vm10, $0x580, v1;
	v0 =	vsel vm13, $0x780, v0  }
0x120: {  	v2 =	vsel vm0, $0x480, v14;
	v1 =	vsel vm11, $0x600, v1;
	v0 =	vsel vm14, $0x0, v0  }
0x121: {  	v2 =	vsel vm10, $0x500, v2;
	v1 =	vsel vm12, $0x680, v1;
	v0 =	vsel vm15, $0x80, v0  }
0x122: {  	v17 =	vsel vm4, $0x38A, v17;
	v2 =	vsel vm11, $0x580, v2;
	[tilespmem:$0x1FB50] =	vst v0;
	v0 =	vsel vm13, $0x700, v1  }
0x123: {  	v18 =	vsel vm4, $0x38B, v18;
	v1 =	vsel vm12, $0x600, v2;
	v0 =	vsel vm14, $0x780, v0  }
0x124: {  	v19 =	vsel vm4, $0x38C, v19;
	v1 =	vsel vm13, $0x680, v1;
	v0 =	vsel vm15, $0x0, v0  }
0x125: {  	v20 =	vsel vm4, $0x38D, v20;
	v2 =	vsel vm0, $0x409, v15;
	[tilespmem:$0x1FB60] =	vst v0;
	v0 =	vsel vm14, $0x700, v1  }
0x126: {  	v21 =	vsel vm4, $0x38E, v21;
	v1 =	vsel vm10, $0x48A, v2;
	v0 =	vsel vm15, $0x780, v0  }
0x127: {  	v22 =	vsel vm4, $0x38F, v22;
	v23 =	vsel vm4, $0x380, v23;
	[tilespmem:$0x1FB70] =	vst v0;
	v0 =	vsel vm11, $0x50B, v1  }
0x128: {  	v24 =	vsel vm4, $0x381, v24;
	v1 =	vsel vm0, $0x40A, v16;
	v0 =	vsel vm12, $0x58C, v0  }
0x129: {  	v2 =	vsel vm0, $0x40B, v17;
	v1 =	vsel vm10, $0x48B, v1;
	v0 =	vsel vm13, $0x60D, v0  }
0x12a: {  	v2 =	vsel vm10, $0x48C, v2;
	v1 =	vsel vm11, $0x50C, v1;
	v0 =	vsel vm14, $0x68E, v0  }
0x12b: {  	v2 =	vsel vm11, $0x50D, v2;
	v1 =	vsel vm12, $0x58D, v1;
	v0 =	vsel vm15, $0x70F, v0  }
0x12c: {  	v25 =	vsel vm4, $0x382, v25;
	[tilespmem:$0x1FB80] =	vst v0;
	v0 =	vsel vm13, $0x60E, v1;
	v1 =	vsel vm12, $0x58E, v2  }
0x12d: {  	v26 =	vsel vm4, $0x383, v26;
	v0 =	vsel vm14, $0x68F, v0;
	v1 =	vsel vm13, $0x60F, v1  }
0x12e: {  	v2 =	vsel vm0, $0x40C, v18;
	v18 =	vsel vm15, $0x700, v0;
	v0 =	vsel vm14, $0x680, v1  }
0x12f: {  	v27 =	vsel vm4, $0x384, v27;
	v1 =	vsel vm10, $0x48D, v2;
	v0 =	vsel vm15, $0x701, v0  }
0x130: {  	v28 =	vsel vm4, $0x385, v28;
	[tilespmem:$0x1FB90] =	vst v0;
	v0 =	vsel vm11, $0x50E, v1;
	v1 =	vsel vm0, $0x40D, v19  }
0x131: {  	v2 =	vsel vm0, $0x40E, v20;
	v0 =	vsel vm12, $0x58F, v0;
	v1 =	vsel vm10, $0x48E, v1  }
0x132: {  	v2 =	vsel vm10, $0x48F, v2;
	v0 =	vsel vm13, $0x600, v0;
	v1 =	vsel vm11, $0x50F, v1  }
0x133: {  	v2 =	vsel vm11, $0x500, v2;
	v0 =	vsel vm14, $0x681, v0;
	v1 =	vsel vm12, $0x580, v1  }
0x134: {  	v6 =	vsel vm15, $0x702, v0;
	v0 =	vsel vm13, $0x601, v1;
	v1 =	vsel vm12, $0x581, v2  }
0x135: {  	v2 =	vsel vm0, $0x40F, v21;
	v0 =	vsel vm14, $0x682, v0;
	v1 =	vsel vm13, $0x602, v1  }
0x136: {  	v19 =	vsel vm15, $0x703, v0;
	v0 =	vsel vm14, $0x683, v1;
	v1 =	vsel vm10, $0x480, v2  }
0x137: {  	v21 =	vsel vm15, $0x704, v0;
	v0 =	vsel vm11, $0x501, v1;
	v1 =	vsel vm0, $0x400, v22  }
0x138: {  	v2 =	vsel vm0, $0x401, v23;
	v0 =	vsel vm12, $0x582, v0;
	v1 =	vsel vm10, $0x481, v1  }
0x139: {  	v2 =	vsel vm10, $0x482, v2;
	v0 =	vsel vm13, $0x603, v0;
	v1 =	vsel vm11, $0x502, v1  }
0x13a: {  	v2 =	vsel vm11, $0x503, v2;
	v0 =	vsel vm14, $0x684, v0;
	v1 =	vsel vm12, $0x583, v1  }
0x13b: {  	v22 =	vsel vm15, $0x705, v0;
	v0 =	vsel vm13, $0x604, v1;
	v1 =	vsel vm12, $0x584, v2  }
0x13c: {  	v2 =	vsel vm0, $0x402, v24;
	v0 =	vsel vm14, $0x685, v0;
	v1 =	vsel vm13, $0x605, v1  }
0x13d: {  	v23 =	vsel vm15, $0x706, v0;
	v0 =	vsel vm14, $0x686, v1;
	v1 =	vsel vm10, $0x483, v2  }
0x13e: {  	v24 =	vsel vm15, $0x707, v0;
	v0 =	vsel vm11, $0x504, v1;
	v1 =	vsel vm0, $0x403, v25  }
0x13f: {  	v2 =	vsel vm0, $0x404, v26;
	v0 =	vsel vm12, $0x585, v0;
	v1 =	vsel vm10, $0x484, v1  }
0x140: {  	v2 =	vsel vm10, $0x485, v2;
	v0 =	vsel vm13, $0x606, v0;
	v1 =	vsel vm11, $0x505, v1  }
0x141: {  	v2 =	vsel vm11, $0x506, v2;
	v0 =	vsel vm14, $0x687, v0;
	v1 =	vsel vm12, $0x586, v1  }
0x142: {  	v25 =	vsel vm15, $0x708, v0;
	v0 =	vsel vm13, $0x607, v1;
	v1 =	vsel vm12, $0x587, v2  }
0x143: {  	v2 =	vsel vm0, $0x405, v27;
	v0 =	vsel vm14, $0x688, v0;
	v1 =	vsel vm13, $0x608, v1  }
0x144: {  	v26 =	vsel vm15, $0x709, v0;
	v0 =	vsel vm14, $0x689, v1;
	v1 =	vsel vm10, $0x486, v2  }
0x145: {  	v3 =	vsel vm15, $0x70A, v0;
	v0 =	vsel vm11, $0x507, v1;
	v1 =	vsel vm0, $0x406, v28  }
0x146: {  	v29 =	vsel vm4, $0x386, v29;
	v0 =	vsel vm12, $0x588, v0;
	v1 =	vsel vm10, $0x487, v1  }
0x147: {  	v2 =	vsel vm0, $0x407, v29;
	v0 =	vsel vm13, $0x609, v0;
	v1 =	vsel vm11, $0x508, v1  }
0x148: {  	v2 =	vsel vm10, $0x488, v2;
	v0 =	vsel vm14, $0x68A, v0;
	v1 =	vsel vm12, $0x589, v1  }
0x149: {  	v2 =	vsel vm11, $0x509, v2;
	v9 =	vsel vm15, $0x70B, v0;
	v0 =	vsel vm13, $0x60A, v1  }
0x14a: {  	v56 =	vsel vm6, $0x1302, v56;
	v1 =	vsel vm12, $0x58A, v2;
	v0 =	vsel vm14, $0x68B, v0  }
0x14b: {  	v30 =	vsel vm4, $0xB88, v30;
	v1 =	vsel vm13, $0x60B, v1;
	v0 =	vsel vm15, $0x70C, v0  }
0x14c: {  	v58 =	vsel vm6, $0x1304, v58;
	v2 =	vsel vm0, $0xC09, v30;
	[tilespmem:$0x1FBA0] =	vst v0;
	v0 =	vsel vm14, $0x68C, v1  }
0x14d: {  	v60 =	vsel vm6, $0x1B07, v60;
	v1 =	vsel vm10, $0xC8A, v2;
	v0 =	vsel vm15, $0x70D, v0  }
0x14e: {  	v31 =	vsel vm4, $0xB89, v31;
	v58 =	vsel vm4, $0x1385, v58;
	[tilespmem:$0x1FBB0] =	vst v0;
	v0 =	vsel vm11, $0xD0B, v1  }
0x14f: {  	[tilespmem:$0x1FC80] =	vst v58;
	v58 =	vsel vm4, $0x1B88, v60;
	v60 =	vld [tilespmem:$0x1F9E0];
	v1 =	vsel vm0, $0xC0A, v31;
	v0 =	vsel vm12, $0xD8C, v0  }
0x150: {  	v32 =	vsel vm4, $0xB8A, v32;
	v1 =	vsel vm10, $0xC8B, v1;
	v0 =	vsel vm13, $0xE0D, v0  }
0x151: {  	v2 =	vsel vm0, $0xC0B, v32;
	v1 =	vsel vm11, $0xD0C, v1;
	v0 =	vsel vm14, $0xE8E, v0  }
0x152: {  	v2 =	vsel vm10, $0xC8C, v2;
	v1 =	vsel vm12, $0xD8D, v1;
	v0 =	vsel vm15, $0xF0F, v0  }
0x153: {  	v57 =	vsel vm6, $0x1303, v57;
	v2 =	vsel vm11, $0xD0D, v2;
	[tilespmem:$0x1FBC0] =	vst v0;
	v0 =	vsel vm13, $0xE0E, v1  }
0x154: {  	v60 =	vsel vm4, $0x1B8C, v60;
	v1 =	vsel vm12, $0xD8E, v2;
	v0 =	vsel vm14, $0xE8F, v0  }
0x155: {  	v33 =	vsel vm4, $0xB8B, v33;
	[tilespmem:$0x1FCA0] =	vst v60;
	v60 =	vld [tilespmem:$0x1F9F0];
	v1 =	vsel vm13, $0xE0F, v1;
	v0 =	vsel vm15, $0xF00, v0  }
0x156: {  	v34 =	vsel vm4, $0xB8C, v34;
	v2 =	vsel vm0, $0xC0C, v33;
	[tilespmem:$0x1FBD0] =	vst v0;
	v0 =	vsel vm14, $0xE80, v1  }
0x157: {  	v35 =	vsel vm4, $0xB8D, v35;
	v1 =	vsel vm10, $0xC8D, v2;
	v0 =	vsel vm15, $0xF01, v0  }
0x158: {  	v36 =	vsel vm4, $0xB8E, v36;
	v37 =	vsel vm4, $0xB8F, v37;
	[tilespmem:$0x1FBE0] =	vst v0;
	v0 =	vsel vm11, $0xD0E, v1  }
0x159: {  	v38 =	vsel vm4, $0xB80, v38;
	v1 =	vsel vm0, $0xC0D, v34;
	v0 =	vsel vm12, $0xD8F, v0  }
0x15a: {  	v60 =	vsel vm4, $0x1B8D, v60;
	v1 =	vsel vm10, $0xC8E, v1;
	v0 =	vsel vm13, $0xE00, v0  }
0x15b: {  	v2 =	vsel vm0, $0xC0E, v35;
	v1 =	vsel vm11, $0xD0F, v1;
	v0 =	vsel vm14, $0xE81, v0  }
0x15c: {  	[tilespmem:$0x1FCB0] =	vst v60;
	v2 =	vsel vm10, $0xC8F, v2;
	v1 =	vsel vm12, $0xD80, v1;
	v0 =	vsel vm15, $0xF02, v0  }
0x15d: {  	v39 =	vsel vm4, $0xB81, v39;
	v60 =	vld [tilespmem:$0x1FA00];
	v2 =	vsel vm11, $0xD00, v2;
	[tilespmem:$0x1FBF0] =	vst v0;
	v0 =	vsel vm13, $0xE01, v1  }
0x15e: {  	v40 =	vsel vm4, $0xB82, v40;
	v1 =	vsel vm12, $0xD81, v2;
	v0 =	vsel vm14, $0xE82, v0  }
0x15f: {  	v41 =	vsel vm4, $0xB83, v41;
	v1 =	vsel vm13, $0xE02, v1;
	v0 =	vsel vm15, $0xF03, v0  }
0x160: {  	v42 =	vsel vm4, $0xB84, v42;
	v2 =	vsel vm0, $0xC0F, v36;
	[tilespmem:$0x1FC00] =	vst v0;
	v0 =	vsel vm14, $0xE83, v1  }
0x161: {  	v43 =	vsel vm4, $0xB85, v43;
	v1 =	vsel vm10, $0xC80, v2;
	v0 =	vsel vm15, $0xF04, v0  }
0x162: {  	v44 =	vsel vm4, $0xB86, v44;
	v60 =	vsel vm4, $0x1B8E, v60;
	[tilespmem:$0x1FC10] =	vst v0;
	v0 =	vsel vm11, $0xD01, v1  }
0x163: {  	v45 =	vsel vm4, $0x1388, v45;
	[tilespmem:$0x1FCC0] =	vst v60;
	v60 =	vld [tilespmem:$0x1FA10];
	v1 =	vsel vm0, $0xC00, v37;
	v0 =	vsel vm12, $0xD82, v0  }
0x164: {  	v46 =	vsel vm4, $0x1389, v46;
	v1 =	vsel vm10, $0xC81, v1;
	v0 =	vsel vm13, $0xE03, v0  }
0x165: {  	v2 =	vsel vm0, $0xC01, v38;
	v1 =	vsel vm11, $0xD02, v1;
	v0 =	vsel vm14, $0xE84, v0  }
0x166: {  	v2 =	vsel vm10, $0xC82, v2;
	v1 =	vsel vm12, $0xD83, v1;
	v0 =	vsel vm15, $0xF05, v0  }
0x167: {  	v47 =	vsel vm4, $0x138A, v47;
	v2 =	vsel vm11, $0xD03, v2;
	[tilespmem:$0x1FC20] =	vst v0;
	v0 =	vsel vm13, $0xE04, v1  }
0x168: {  	v60 =	vsel vm4, $0x1B8F, v60;
	v1 =	vsel vm12, $0xD84, v2;
	v0 =	vsel vm14, $0xE85, v0  }
0x169: {  	v48 =	vsel vm4, $0x138B, v48;
	[tilespmem:$0x1FCD0] =	vst v60;
	v60 =	vld [tilespmem:$0x1FA20];
	v1 =	vsel vm13, $0xE05, v1;
	v0 =	vsel vm15, $0xF06, v0  }
0x16a: {  	v49 =	vsel vm4, $0x138C, v49;
	v2 =	vsel vm0, $0xC02, v39;
	[tilespmem:$0x1FC30] =	vst v0;
	v0 =	vsel vm14, $0xE86, v1  }
0x16b: {  	v50 =	vsel vm4, $0x138D, v50;
	v1 =	vsel vm10, $0xC83, v2;
	v0 =	vsel vm15, $0xF07, v0  }
0x16c: {  	v51 =	vsel vm4, $0x138E, v51;
	v52 =	vsel vm4, $0x138F, v52;
	[tilespmem:$0x1FC40] =	vst v0;
	v0 =	vsel vm11, $0xD04, v1  }
0x16d: {  	v53 =	vsel vm4, $0x1380, v53;
	v1 =	vsel vm0, $0xC03, v40;
	v0 =	vsel vm12, $0xD85, v0  }
0x16e: {  	v60 =	vsel vm4, $0x1B80, v60;
	v1 =	vsel vm10, $0xC84, v1;
	v0 =	vsel vm13, $0xE06, v0  }
0x16f: {  	[tilespmem:$0x1FCE0] =	vst v60;
	v60 =	vld [tilespmem:$0x1FA30];
	v2 =	vsel vm0, $0xC04, v41;
	v1 =	vsel vm11, $0xD05, v1;
	v0 =	vsel vm14, $0xE87, v0  }
0x170: {  	v2 =	vsel vm10, $0xC85, v2;
	v1 =	vsel vm12, $0xD86, v1;
	v0 =	vsel vm15, $0xF08, v0  }
0x171: {  	v54 =	vsel vm4, $0x1381, v54;
	v2 =	vsel vm11, $0xD06, v2;
	[tilespmem:$0x1FC50] =	vst v0;
	v0 =	vsel vm13, $0xE07, v1  }
0x172: {  	v55 =	vsel vm4, $0x1382, v55;
	v1 =	vsel vm12, $0xD87, v2;
	v0 =	vsel vm14, $0xE88, v0  }
0x173: {  	v2 =	vsel vm0, $0xC05, v42;
	v1 =	vsel vm13, $0xE08, v1;
	v0 =	vsel vm15, $0xF09, v0  }
0x174: {  	v60 =	vsel vm4, $0x1B81, v60;
	[tilespmem:$0x1FC60] =	vst v0;
	v0 =	vsel vm14, $0xE89, v1;
	v1 =	vsel vm10, $0xC86, v2  }
0x175: {  	v56 =	vsel vm4, $0x1383, v56;
	[tilespmem:$0x1FCF0] =	vst v60;
	v60 =	vld [tilespmem:$0x1FA40];
	v4 =	vsel vm15, $0xF0A, v0;
	v0 =	vsel vm11, $0xD07, v1  }
0x176: {  	v57 =	vsel vm4, $0x1384, v57;
	v1 =	vsel vm0, $0xC06, v43;
	v0 =	vsel vm12, $0xD88, v0  }
0x177: {  	v2 =	vsel vm0, $0xC07, v44;
	v1 =	vsel vm10, $0xC87, v1;
	v0 =	vsel vm13, $0xE09, v0  }
0x178: {  	v2 =	vsel vm10, $0xC88, v2;
	v1 =	vsel vm11, $0xD08, v1;
	v0 =	vsel vm14, $0xE8A, v0  }
0x179: {  	v2 =	vsel vm11, $0xD09, v2;
	v1 =	vsel vm12, $0xD89, v1;
	v0 =	vsel vm15, $0xF0B, v0  }
0x17a: {  	v60 =	vsel vm4, $0x1B82, v60;
	[tilespmem:$0x1FC70] =	vst v0;
	v0 =	vsel vm13, $0xE0A, v1;
	v1 =	vsel vm12, $0xD8A, v2  }
0x17b: {  	v2 =	vsel vm0, $0x1409, v45;
	v0 =	vsel vm14, $0xE8B, v0;
	v1 =	vsel vm13, $0xE0B, v1  }
0x17c: {  	v12 =	vsel vm15, $0xF0C, v0;
	v0 =	vsel vm14, $0xE8C, v1;
	v1 =	vsel vm10, $0x148A, v2  }
0x17d: {  	v43 =	vsel vm15, $0xF0D, v0;
	v0 =	vsel vm11, $0x150B, v1;
	v1 =	vsel vm0, $0x140A, v46  }
0x17e: {  	v2 =	vsel vm0, $0x140B, v47;
	v0 =	vsel vm12, $0x158C, v0;
	v1 =	vsel vm10, $0x148B, v1  }
0x17f: {  	v2 =	vsel vm10, $0x148C, v2;
	v0 =	vsel vm13, $0x160D, v0;
	v1 =	vsel vm11, $0x150C, v1  }
0x180: {  	v2 =	vsel vm11, $0x150D, v2;
	v0 =	vsel vm14, $0x168E, v0;
	v1 =	vsel vm12, $0x158D, v1  }
0x181: {  	v20 =	vsel vm15, $0x170F, v0;
	v0 =	vsel vm13, $0x160E, v1;
	v1 =	vsel vm12, $0x158E, v2  }
0x182: {  	v2 =	vsel vm0, $0x140C, v48;
	v0 =	vsel vm14, $0x168F, v0;
	v1 =	vsel vm13, $0x160F, v1  }
0x183: {  	v41 =	vsel vm15, $0x1700, v0;
	v0 =	vsel vm14, $0x1680, v1;
	v1 =	vsel vm10, $0x148D, v2  }
0x184: {  	v46 =	vsel vm15, $0x1701, v0;
	v0 =	vsel vm11, $0x150E, v1;
	v1 =	vsel vm0, $0x140D, v49  }
0x185: {  	v2 =	vsel vm0, $0x140E, v50;
	v0 =	vsel vm12, $0x158F, v0;
	v1 =	vsel vm10, $0x148E, v1  }
0x186: {  	v2 =	vsel vm10, $0x148F, v2;
	v0 =	vsel vm13, $0x1600, v0;
	v1 =	vsel vm11, $0x150F, v1  }
0x187: {  	v2 =	vsel vm11, $0x1500, v2;
	v0 =	vsel vm14, $0x1681, v0;
	v1 =	vsel vm12, $0x1580, v1  }
0x188: {  	v44 =	vsel vm15, $0x1702, v0;
	v0 =	vsel vm13, $0x1601, v1;
	v1 =	vsel vm12, $0x1581, v2  }
0x189: {  	v2 =	vsel vm0, $0x140F, v51;
	v0 =	vsel vm14, $0x1682, v0;
	v1 =	vsel vm13, $0x1602, v1  }
0x18a: {  	v48 =	vsel vm15, $0x1703, v0;
	v0 =	vsel vm14, $0x1683, v1;
	v1 =	vsel vm10, $0x1480, v2  }
0x18b: {  	v49 =	vsel vm15, $0x1704, v0;
	v0 =	vsel vm11, $0x1501, v1;
	v1 =	vsel vm0, $0x1400, v52  }
0x18c: {  	v2 =	vsel vm0, $0x1401, v53;
	v0 =	vsel vm12, $0x1582, v0;
	v1 =	vsel vm10, $0x1481, v1  }
0x18d: {  	v2 =	vsel vm10, $0x1482, v2;
	v0 =	vsel vm13, $0x1603, v0;
	v1 =	vsel vm11, $0x1502, v1  }
0x18e: {  	v2 =	vsel vm11, $0x1503, v2;
	v0 =	vsel vm14, $0x1684, v0;
	v1 =	vsel vm12, $0x1583, v1  }
0x18f: {  	v50 =	vsel vm15, $0x1705, v0;
	v0 =	vsel vm13, $0x1604, v1;
	v1 =	vsel vm12, $0x1584, v2  }
0x190: {  	v2 =	vsel vm0, $0x1402, v54;
	v0 =	vsel vm14, $0x1685, v0;
	v1 =	vsel vm13, $0x1605, v1  }
0x191: {  	v51 =	vsel vm15, $0x1706, v0;
	v0 =	vsel vm14, $0x1686, v1;
	v1 =	vsel vm10, $0x1483, v2  }
0x192: {  	v5 =	vsel vm15, $0x1707, v0;
	v0 =	vsel vm11, $0x1504, v1;
	v1 =	vsel vm0, $0x1403, v55  }
0x193: {  	v2 =	vsel vm0, $0x1404, v56;
	v0 =	vsel vm12, $0x1585, v0;
	v1 =	vsel vm10, $0x1484, v1  }
0x194: {  	v2 =	vsel vm10, $0x1485, v2;
	v0 =	vsel vm13, $0x1606, v0;
	v1 =	vsel vm11, $0x1505, v1  }
0x195: {  	v2 =	vsel vm11, $0x1506, v2;
	v0 =	vsel vm14, $0x1687, v0;
	v1 =	vsel vm12, $0x1586, v1  }
0x196: {  	v53 =	vsel vm15, $0x1708, v0;
	v0 =	vsel vm13, $0x1607, v1;
	v1 =	vsel vm12, $0x1587, v2  }
0x197: {  	v2 =	vsel vm0, $0x1405, v57;
	v0 =	vsel vm14, $0x1688, v0;
	v1 =	vsel vm13, $0x1608, v1  }
0x198: {  	[tilespmem:$0x1FD00] =	vst v60;
	v60 =	vld [tilespmem:$0x1FA50];
	v45 =	vsel vm15, $0x1709, v0;
	v0 =	vsel vm14, $0x1689, v1;
	v1 =	vsel vm10, $0x1486, v2  }
0x199: {  	v61 =	vsel vm5, $0x1A87, v61;
	v31 =	vsel vm15, $0x170A, v0;
	v0 =	vsel vm11, $0x1507, v1;
	v1 =	vld [tilespmem:$0x1FC80]  }
0x19a: {  	v62 =	vsel vm5, $0x1A88, v62;
	v63 =	vsel vm5, $0x1A89, v63;
	v59 =	vsel vm6, $0x1305, v59  }
0x19b: {  	v61 =	vsel vm6, $0x1B08, v61;
	v62 =	vsel vm6, $0x1B09, v62;
	v63 =	vsel vm6, $0x1B0A, v63  }
0x19c: {  	v59 =	vsel vm4, $0x1386, v59;
	v61 =	vsel vm4, $0x1B89, v61;
	v10 =	vimm.s32 $0x1F8E  }
0x19d: {  	v62 =	vsel vm4, $0x1B8A, v62;
	v63 =	vsel vm4, $0x1B8B, v63;
	v10 =	vsel vm1, $0x180F, v10  }
0x19e: {  	v10 =	vsel vm8, $0x1880, v10;
	v60 =	vsel vm4, $0x1B83, v60;
	v1 =	vsel vm0, $0x1406, v1  }
0x19f: {  	v2 =	vsel vm0, $0x1407, v59;
	v0 =	vsel vm12, $0x1588, v0;
	v1 =	vsel vm10, $0x1487, v1  }
0x1a0: {  	v2 =	vsel vm10, $0x1488, v2;
	v0 =	vsel vm13, $0x1609, v0;
	v1 =	vsel vm11, $0x1508, v1  }
0x1a1: {  	[tilespmem:$0x1FD10] =	vst v60;
	v60 =	vld [tilespmem:$0x1FA60];
	v2 =	vsel vm11, $0x1509, v2;
	v0 =	vsel vm14, $0x168A, v0;
	v1 =	vsel vm12, $0x1589, v1  }
0x1a2: {  	v14 =	vsel vm15, $0x170B, v0;
	v0 =	vsel vm13, $0x160A, v1;
	v1 =	vsel vm12, $0x158A, v2  }
0x1a3: {  	v2 =	vsel vm0, $0x1C09, v58;
	v0 =	vsel vm14, $0x168B, v0;
	v1 =	vsel vm13, $0x160B, v1  }
0x1a4: {  	v28 =	vsel vm15, $0x170C, v0;
	v0 =	vsel vm14, $0x168C, v1;
	v1 =	vsel vm10, $0x1C8A, v2  }
0x1a5: {  	v10 =	vsel vm2, $0x1901, v10;
	v59 =	vsel vm15, $0x170D, v0;
	v0 =	vsel vm11, $0x1D0B, v1  }
0x1a6: {  	v60 =	vsel vm4, $0x1B84, v60;
	v1 =	vsel vm0, $0x1C0A, v61;
	v0 =	vsel vm12, $0x1D8C, v0  }
0x1a7: {  	v2 =	vsel vm0, $0x1C0B, v62;
	v1 =	vsel vm10, $0x1C8B, v1;
	v0 =	vsel vm13, $0x1E0D, v0  }
0x1a8: {  	v2 =	vsel vm10, $0x1C8C, v2;
	v1 =	vsel vm11, $0x1D0C, v1;
	v0 =	vsel vm14, $0x1E8E, v0  }
0x1a9: {  	[tilespmem:$0x1FD20] =	vst v60;
	v2 =	vsel vm11, $0x1D0D, v2;
	v1 =	vsel vm12, $0x1D8D, v1;
	v0 =	vsel vm15, $0x1F0F, v0  }
0x1aa: {  	v10 =	vsel vm7, $0x1982, v10;
	v60 =	vld [tilespmem:$0x1FA70];
	[tilespmem:$0x1FC90] =	vst v0;
	v0 =	vsel vm13, $0x1E0E, v1;
	v1 =	vsel vm12, $0x1D8E, v2  }
0x1ab: {  	v2 =	vsel vm0, $0x1C0C, v63;
	v0 =	vsel vm14, $0x1E8F, v0;
	v1 =	vsel vm13, $0x1E0F, v1  }
0x1ac: {  	v29 =	vsel vm15, $0x1F00, v0;
	v0 =	vsel vm14, $0x1E80, v1;
	v1 =	vsel vm10, $0x1C8D, v2  }
0x1ad: {  	v10 =	vsel vm3, $0x1A03, v10;
	v13 =	vsel vm15, $0x1F01, v0;
	v0 =	vsel vm11, $0x1D0E, v1;
	v1 =	vld [tilespmem:$0x1FCA0]  }
0x1ae: {  	v10 =	vsel vm5, $0x1A84, v10  }
0x1af: {  	v10 =	vsel vm6, $0x1B05, v10;
	v60 =	vsel vm4, $0x1B85, v60  }
0x1b0: {  	[tilespmem:$0x1FD30] =	vst v60;
	v60 =	vsel vm4, $0x1B86, v10;
	v10 =	vld [tilespmem:$0x1FA80];
	_ =	sdelay $0x1  }
0x1b1: {  	v1 =	vsel vm0, $0x1C0D, v1  }
0x1b2: {  	v0 =	vsel vm12, $0x1D8F, v0;
	v1 =	vsel vm10, $0x1C8E, v1  }
0x1b3: {  	v0 =	vsel vm13, $0x1E00, v0;
	v1 =	vsel vm11, $0x1D0F, v1  }
0x1b4: {  	v10 =	vsel vm15, $0x680, v10;
	v0 =	vsel vm14, $0x1E81, v0;
	v1 =	vsel vm12, $0x1D80, v1  }
0x1b5: {  	[tilespmem:$0x1FA90] =	vst v10;
	v10 =	vsel vm15, $0x1F02, v0;
	v0 =	vsel vm13, $0x1E01, v1  }
0x1b6: {  	v0 =	vsel vm14, $0x1E82, v0  }
0x1b7: {  	v7 =	vsel vm15, $0x1F03, v0;
	v0 =	vld [tilespmem:$0x1FCD0];
	_ =	sdelay $0x2  }
0x1b8: {  	v2 =	vld [tilespmem:$0x1FCB0];
	_ =	sdelay $0x1  }
0x1b9: {  	v55 =	vmov v3;
	v3 =	vsel vm0, $0x1C00, v0;
	v0 =	vld [tilespmem:$0x1FCE0];
	_ =	sdelay $0x2  }
0x1ba: {  	v2 =	vsel vm0, $0x1C0E, v2  }
0x1bb: {  	v2 =	vsel vm10, $0x1C8F, v2  }
0x1bc: {  	v2 =	vsel vm11, $0x1D00, v2;
	v0 =	vsel vm0, $0x1C01, v0  }
0x1bd: {  	v1 =	vsel vm12, $0x1D81, v2;
	v0 =	vsel vm10, $0x1C82, v0  }
0x1be: {  	v1 =	vsel vm13, $0x1E02, v1;
	v0 =	vsel vm11, $0x1D03, v0  }
0x1bf: {  	v1 =	vsel vm14, $0x1E83, v1;
	v0 =	vsel vm12, $0x1D84, v0  }
0x1c0: {  	v57 =	vmov v4;
	v4 =	vsel vm15, $0x1F04, v1;
	v1 =	vsel vm13, $0x1E05, v0;
	v0 =	vld [tilespmem:$0x1FCF0];
	_ =	sdelay $0x2  }
0x1c1: {  	v3 =	vsel vm10, $0x1C81, v3  }
0x1c2: {  	v3 =	vsel vm11, $0x1D02, v3  }
0x1c3: {  	v3 =	vsel vm12, $0x1D83, v3;
	v0 =	vsel vm0, $0x1C02, v0  }
0x1c4: {  	v3 =	vsel vm13, $0x1E04, v3;
	v0 =	vsel vm10, $0x1C83, v0  }
0x1c5: {  	v3 =	vsel vm14, $0x1E85, v3;
	v0 =	vsel vm11, $0x1D04, v0  }
0x1c6: {  	v54 =	vsel vm15, $0x1F06, v3;
	v3 =	vsel vm12, $0x1D85, v0;
	v0 =	vld [tilespmem:$0x1FD10];
	_ =	sdelay $0x4  }
0x1c7: {  	v0 =	vsel vm0, $0x1C04, v0  }
0x1c8: {  	v0 =	vsel vm10, $0x1C85, v0  }
0x1c9: {  	v8 =	vsel vm11, $0x1D06, v0;
	v0 =	vld [tilespmem:$0x1FD20]  }
0x1ca: {  	s0 =	rddreg [dreg:$0x0]  }
0x1cb: {  	s1 =	rddreg [dreg:$0x1];
	v3 =	vsel vm13, $0x1E06, v3  }
0x1cc: {  	s7 =	rddreg [dreg:$0x2];
	s4 =	simm.s32 $0x0;
	v2 =	vld [tilespmem:$0x1FCC0];
	v1 =	vsel vm14, $0x1E86, v1;
	v3 =	vsel vm14, $0x1E87, v3  }
0x1cd: {  	[smem:$0x7FF] =	sst s4;
	v56 =	vsel vm15, $0x1F07, v1;
	v1 =	vld [tilespmem:$0x1FD00];
	v58 =	vsel vm15, $0x1F08, v3  }
0x1ce: {  	s2 =	rddreg [dreg:$0x3];
	v3 =	vsel vm12, $0x1D87, v8;
	v8 =	vsel vm0, $0x1C05, v0;
	v0 =	vld [tilespmem:$0x1FD30];
	_ =	strace $0x80000047;
	[tilespmem:$0x1FD50] =	vst v50  }
0x1cf: {  	[tilespmem:$0x1FD60] =	vst v41  }
0x1d0: {  	[tilespmem:$0x1FD70] =	vst v53  }
0x1d1: {  	[tilespmem:$0x1FD80] =	vst v43  }
0x1d2: {  	[tilespmem:$0x1FD90] =	vst v44  }
0x1d3: {  	[tilespmem:$0x1FDA0] =	vst v51  }
0x1d4: {  	[tilespmem:$0x1FDB0] =	vst v46  }
0x1d5: {  	[tilespmem:$0x1FDC0] =	vst v57  }
0x1d6: {  	[tilespmem:$0x1FDD0] =	vst v12  }
0x1d7: {  	[tilespmem:$0x1FDE0] =	vst v59  }
0x1d8: {  	[tilespmem:$0x1FDF0] =	vst v5  }
0x1d9: {  	[tilespmem:$0x1FE00] =	vst v20  }
0x1da: {  	[tilespmem:$0x1FE10] =	vst v49  }
0x1db: {  	[tilespmem:$0x1FE20] =	vst v14  }
0x1dc: {  	[tilespmem:$0x1FE30] =	vst v28  }
0x1dd: {  	[tilespmem:$0x1FE40] =	vst v48  }
0x1de: {  	[tilespmem:$0x1FE60] =	vst v19  }
0x1df: {  	[tilespmem:$0x1FE70] =	vst v31  }
0x1e0: {  	[tilespmem:$0x1FE80] =	vst v24  }
0x1e1: {  	[tilespmem:$0x1FE90] =	vst v23  }
0x1e2: {  	[tilespmem:$0x1FEA0] =	vst v45  }
0x1e3: {  	v1 =	vsel vm0, $0x1C03, v1;
	[tilespmem:$0x1FEB0] =	vst v21  }
0x1e4: {  	v1 =	vsel vm10, $0x1C84, v1;
	[tilespmem:$0x1FEC0] =	vst v22  }
0x1e5: {  	v1 =	vsel vm11, $0x1D05, v1;
	[tilespmem:$0x1FEE0] =	vst v6  }
0x1e6: {  	v1 =	vsel vm12, $0x1D86, v1;
	[tilespmem:$0x1FEF0] =	vst v25  }
0x1e7: {  	v1 =	vsel vm13, $0x1E07, v1;
	[tilespmem:$0x1FF00] =	vst v55  }
0x1e8: {  	v1 =	vsel vm14, $0x1E88, v1;
	[tilespmem:$0x1FF10] =	vst v9  }
0x1e9: {  	v2 =	vsel vm0, $0x1C0F, v2;
	v11 =	vsel vm15, $0x1F09, v1;
	[tilespmem:$0x1FF40] =	vst v10  }
0x1ea: {  	v2 =	vsel vm10, $0x1C80, v2;
	v3 =	vsel vm13, $0x1E08, v3;
	[tilespmem:$0x1FF60] =	vst v11  }
0x1eb: {  	v2 =	vsel vm11, $0x1D01, v2;
	v1 =	vsel vm14, $0x1E89, v3;
	[tilespmem:$0x1FF70] =	vst v7  }
0x1ec: {  	v2 =	vsel vm12, $0x1D82, v2;
	v61 =	vsel vm15, $0x1F0A, v1;
	[tilespmem:$0x1FF80] =	vst v54  }
0x1ed: {  	v2 =	vsel vm13, $0x1E03, v2;
	[tilespmem:$0x1FF90] =	vst v61;
	v8 =	vsel vm10, $0x1C86, v8  }
0x1ee: {  	v2 =	vsel vm14, $0x1E84, v2;
	[tilespmem:$0x1FFA0] =	vst v56;
	v8 =	vsel vm11, $0x1D07, v8;
	v3 =	vsel vm0, $0x1C06, v0  }
0x1ef: {  	v52 =	vsel vm15, $0x1F05, v2;
	[tilespmem:$0x1FFB0] =	vst v4;
	v8 =	vsel vm12, $0x1D88, v8;
	v1 =	vsel vm10, $0x1C87, v3  }
0x1f0: {  	[tilespmem:$0x1FFC0] =	vst v58;
	v8 =	vsel vm13, $0x1E09, v8;
	v3 =	vsel vm0, $0x1C07, v60;
	v1 =	vsel vm11, $0x1D08, v1  }
0x1f1: {  	[tilespmem:$0x1FFD0] =	vst v52;
	v16 =	vsel vm14, $0x1E8A, v8;
	v3 =	vsel vm10, $0x1C88, v3;
	v8 =	vsel vm12, $0x1D89, v1  }
0x1f2: {  	[tilespmem:$0x1FFE0] =	vst v13;
	v1 =	vsel vm11, $0x1D09, v3;
	v3 =	vsel vm13, $0x1E0A, v8;
	v8 =	vlaneseq.u32  }
0x1f3: {  	s5 =	srdreg.scid;
	s3 =	stileid.u32;
	[tilespmem:$0x1FFF0] =	vst v29;
	v62 =	vsel vm15, $0x1F0B, v16;
	v38 =	vmul.u32 $0x81, v8  }
0x1f4: {  	s10 =	simm.s32 $0x7A1400;
	s11 =	simm.s32 $0x2;
	s12 =	simm.s32 $0x2000;
	[tilespmem:$0x1FF30] =	vst v62;
	v15 =	vsel vm12, $0x1D8A, v1;
	v39 =	vmul.u32 $0x80, v8  }
.Ltmp0:
0x1f5: {  	s5 =	sand.u32 $0x1, s5;
	s8 =	sshll.u32 s3, $0x1;
	v1 =	vsel vm14, $0x1E8B, v3;
	v3 =	vsel vm13, $0x1E0B, v15;
	[tilespmem:$0x1FE50] =	vst v38;
	(pc) =	sbr.rel .LBB2_1-.Ltmp0, $4  }
0x1f6: {  	s13 =	simm.s32 $0x1;
	s6 =	ssub.s32 $0x2, s5;
	s14 =	sor.u32 s5, s8;
	v0 =	vsel vm15, $0x1F0C, v1;
	v3 =	vsel vm14, $0x1E8C, v3;
	[tilespmem:$0x1FED0] =	vst v39  }
0x1f7: {  	s5 =	sadd.s32 $0xA00, s7;
	s7 =	sadd.s32 $0xF42A00, s7;
	s9 =	sshrl.u32 s6, $0x1;
	v16 =	vor.u32 $0x1000, v38;
	[tilespmem:$0x1FF50] =	vst v0  }
0x1f8: {  	p0 =	sne.s32 s14, $0x1F;
	s31 =	ssub.s32 s6, s9;
	s6 =	smul.u32 $0xF5, s14;
	v63 =	vsel vm15, $0x1F0D, v3;
	[tilespmem:$0x1FD40] =	vst v16  }
0x1f9: {  	s9 =	simm.s32 $0x400;
	s14 =	simm.s32 $0x0;
	s8 =	smax.u32 s31, $0x1;
	v15 =	vor.u32 $0x10, v8;
	v17 =	vor.u32 $0x20, v8;
	v35 =	vor.u32 $0x800, v38;
	[tilespmem:$0x1FF20] =	vst v63;
	v3 =	vmovc v6  }
.LBB2_7:
0x1fa: {  	s15 =	simm.s32 @!p0 $0x0;
	s16 =	simm.s32 @!p0 $0x2000;
	s17 =	simm.s32 @!p0 $0x1  }
0x1fb: {  	[tilespmem:s16], [sflag:$0x1] =	stream.linear.gather @!p0 [hbm4b:s1+s15], $0x2000, $0x38;
	[tilespmem:$0x6000] =	vst v63  }
0x1fc: {  	s14 =	sadd.s32 $0x1, s14;
	_ =	swait.ge @!p0 [sflag:s17], $0x2000  }
0x1fd: {  	p1 =	sne.s32 s14, s8;
	[sflag:s17] =	ssyncset.done @!p0 $0x0  }
.Ltmp1:
0x1fe: {  	[sflag:s17] =	ssyncadd.s32 @!p0 $0xFFFFE000;
	(pc) =	sbr.rel @!p1 .LBB2_8-.Ltmp1, $4  }
0x1ff: {  	[hbm4b:s7+s15] =	stream.linear.scatter @!p0 [tilespmem:s16], [sflag:$0x1], $0x2000, $0x38;
	[tilespmem:$0x6000] =	vst v63  }
0x200: {  	_ =	swait.ge @!p0 [sflag:s17], $0x2000  }
0x201: {  	[sflag:s17] =	ssyncset.done @!p0 $0x0  }
0x202: {  	[sflag:s17] =	ssyncadd.s32 @!p0 $0xFFFFE000  }
.LBB2_1:
.Ltmp2:
0x203: {  	(pc) =	sbr.rel .LBB2_2-.Ltmp2, $2  }
0x204: {  	_ =	sdelay $0x2  }
0x205: {  	s15 =	simm.s32 $0x0  }
.LBB2_6:
0x206: {  	s15 =	sadd.s32 $0x1, s15  }
0x207: {  	p1 =	sne.s32 s15, $0xF5  }
.Ltmp3:
0x208: {  	_ = 	snop;
	(pc) =	sbr.rel @!p1 .LBB2_7-.Ltmp3, $1  }
0x209: {  	_ =	sdelay $0x3  }
.LBB2_2:
0x20a: {  	s16 =	sadd.s32 s6, s15  }
0x20b: {  	p1 =	sgt.u32 s16, $0x1E83  }
.Ltmp4:
0x20c: {  	_ = 	snop;
	(pc) =	sbr.rel @p1 .LBB2_6-.Ltmp4, $1  }
0x20d: {  	_ =	sdelay $0x3  }
0x20e: {  	s18 =	sshll.u32 s16, $0x7  }
0x20f: {  	s17 =	simm.s32 $0x0;
	s18 =	sadd.s32 s0, s18  }
0x210: {  	[tilespmem:s17], [sflag:$0x2] =	stream.strided.gather [hbm4b:s18+s9], $0x2000, s10, s9, $0x38;
	[tilespmem:$0x6000] =	vst v63  }
0x211: {  	v16 =	vor.u32 s17, v38;
	_ =	swait.ge [sflag:s11], $0x2000  }
0x212: {  	v51 =	vld [tilespmem:$0x1FB80]  }
0x213: {  	v27 =	vmov v19;
	v19 =	vmov s17  }
0x214: {  	v19 =	vshll.u32 v19, $0x7;
	[sflag:s11] =	ssyncset.done $0x0  }
0x215: {  	v1 =	vor.u32 v39, v19;
	v50 =	vld [tilespmem:$0x1FB70];
	[sflag:s11] =	ssyncadd.s32 $0xFFFFE000  }
0x216: {  	v58 =	vmov v21;
	v21 =	vor.u32 v8, v1;
	v16 =	vld.idx.msk [tilespmem:v16+s4+$0x0], $0xffff  }
0x217: {  	v30 =	vmov v22;
	v22 =	vor.u32 s17, v51;
	_ =	sdelay $0x2  }
0x218: {  	[tilespmem:$0x1F4F0] =	vst v1  }
0x219: {  	v49 =	vld [tilespmem:$0x1FB60];
	v1 =	vor.u32 v50, v19;
	[tilespmem:v21+s12+$0x0] =	vst.idx.msk $0xffff, v16  }
0x21a: {  	v21 =	vld.idx.msk [tilespmem:v22+s4+$0x0], $0xffff;
	v22 =	vor.u32 v8, v1  }
0x21b: {  	v29 =	vmov v23;
	v23 =	vor.u32 s17, v18  }
0x21c: {  	v53 =	vld [tilespmem:$0x1FB90];
	_ =	sdelay $0x1  }
0x21d: {  	[tilespmem:$0x1F500] =	vst v1  }
0x21e: {  	v48 =	vld [tilespmem:$0x1FB50];
	v1 =	vor.u32 v49, v19;
	[tilespmem:v22+s12+$0x0] =	vst.idx.msk $0xffff, v21  }
0x21f: {  	v63 =	vmov v18;
	v18 =	vld.idx.msk [tilespmem:v23+s4+$0x0], $0xffff;
	v23 =	vor.u32 v8, v1  }
0x220: {  	v31 =	vor.u32 s17, v53;
	_ =	sdelay $0x3  }
0x221: {  	v47 =	vld [tilespmem:$0x1FB40];
	v2 =	vor.u32 v48, v19;
	[tilespmem:v23+s12+$0x0] =	vst.idx.msk $0xffff, v18  }
0x222: {  	v32 =	vor.u32 v8, v2;
	v18 =	vld.idx.msk [tilespmem:v31+s4+$0x0], $0xffff  }
0x223: {  	v33 =	vor.u32 s17, v3;
	_ =	sdelay $0x3  }
0x224: {  	v46 =	vld [tilespmem:$0x1FB30];
	v56 =	vor.u32 v47, v19;
	[tilespmem:v32+s12+$0x0] =	vst.idx.msk $0xffff, v18  }
0x225: {  	v34 =	vor.u32 v8, v56;
	v18 =	vld.idx.msk [tilespmem:v33+s4+$0x0], $0xffff  }
0x226: {  	v36 =	vor.u32 s17, v27;
	_ =	sdelay $0x3  }
0x227: {  	v38 =	vor.u32 s17, v58;
	v58 =	vmov v45;
	v45 =	vld [tilespmem:$0x1FB20];
	v62 =	vor.u32 v46, v19;
	[tilespmem:v34+s12+$0x0] =	vst.idx.msk $0xffff, v18  }
0x228: {  	v37 =	vor.u32 v8, v62;
	v18 =	vld.idx.msk [tilespmem:v36+s4+$0x0], $0xffff;
	_ =	sdelay $0x4  }
0x229: {  	v10 =	vmov v55;
	v44 =	vld [tilespmem:$0x1FB10];
	v55 =	vor.u32 v45, v19;
	[tilespmem:v37+s12+$0x0] =	vst.idx.msk $0xffff, v18  }
0x22a: {  	v40 =	vor.u32 v8, v55;
	v18 =	vld.idx.msk [tilespmem:v38+s4+$0x0], $0xffff  }
0x22b: {  	v28 =	vor.u32 s17, v30;
	_ =	sdelay $0x3  }
0x22c: {  	v61 =	vmov v25;
	v25 =	vmov v43;
	v43 =	vld [tilespmem:$0x1FB00];
	v52 =	vor.u32 v44, v19;
	[tilespmem:v40+s12+$0x0] =	vst.idx.msk $0xffff, v18  }
0x22d: {  	v41 =	vor.u32 v8, v52;
	v18 =	vld.idx.msk [tilespmem:v28+s4+$0x0], $0xffff  }
0x22e: {  	v29 =	vor.u32 s17, v29;
	_ =	sdelay $0x3  }
0x22f: {  	v7 =	vld [tilespmem:$0x1FAF0];
	v28 =	vor.u32 v43, v19;
	[tilespmem:v41+s12+$0x0] =	vst.idx.msk $0xffff, v18  }
0x230: {  	[tilespmem:$0x1F510] =	vst v1;
	v1 =	vmov v24;
	v42 =	vor.u32 v8, v28;
	v18 =	vld.idx.msk [tilespmem:v29+s4+$0x0], $0xffff  }
0x231: {  	v59 =	vor.u32 s17, v1;
	_ =	sdelay $0x3  }
0x232: {  	v41 =	vld [tilespmem:$0x1FAE0];
	v29 =	vor.u32 v7, v19;
	[tilespmem:v42+s12+$0x0] =	vst.idx.msk $0xffff, v18  }
0x233: {  	v60 =	vor.u32 v8, v29;
	v18 =	vld.idx.msk [tilespmem:v59+s4+$0x0], $0xffff  }
0x234: {  	v31 =	vor.u32 s17, v61;
	_ =	sdelay $0x3  }
0x235: {  	v30 =	vor.u32 v41, v19;
	v59 =	vld [tilespmem:$0x1FAD0];
	[tilespmem:v60+s12+$0x0] =	vst.idx.msk $0xffff, v18  }
0x236: {  	v6 =	vmov v26;
	v27 =	vor.u32 v8, v30;
	v18 =	vld.idx.msk [tilespmem:v31+s4+$0x0], $0xffff  }
0x237: {  	v32 =	vor.u32 s17, v6;
	_ =	sdelay $0x3  }
0x238: {  	v31 =	vor.u32 v59, v19;
	[tilespmem:v27+s12+$0x0] =	vst.idx.msk $0xffff, v18  }
0x239: {  	v36 =	vor.u32 v8, v31;
	v18 =	vld.idx.msk [tilespmem:v32+s4+$0x0], $0xffff;
	_ =	sdelay $0x4  }
0x23a: {  	[tilespmem:v36+s12+$0x0] =	vst.idx.msk $0xffff, v18;
	v36 =	vld [tilespmem:$0x1FAC0]  }
0x23b: {  	v33 =	vor.u32 s17, v10;
	_ =	sdelay $0x3  }
0x23c: {  	v32 =	vor.u32 v36, v19  }
0x23d: {  	v18 =	vld.idx.msk [tilespmem:v33+s4+$0x0], $0xffff;
	v37 =	vor.u32 v8, v32;
	_ =	sdelay $0x4  }
0x23e: {  	v54 =	vmov v9;
	[tilespmem:v37+s12+$0x0] =	vst.idx.msk $0xffff, v18;
	v37 =	vld [tilespmem:$0x1FAB0]  }
0x23f: {  	v34 =	vor.u32 s17, v54;
	_ =	sdelay $0x3  }
0x240: {  	v33 =	vor.u32 v37, v19  }
0x241: {  	v18 =	vld.idx.msk [tilespmem:v34+s4+$0x0], $0xffff;
	v38 =	vor.u32 v8, v33  }
0x242: {  	v9 =	vld [tilespmem:$0x1FBA0];
	_ =	sdelay $0x3  }
0x243: {  	[tilespmem:v38+s12+$0x0] =	vst.idx.msk $0xffff, v18;
	v38 =	vld [tilespmem:$0x1FAA0]  }
0x244: {  	v0 =	vmov v54;
	v54 =	vor.u32 s17, v9;
	_ =	sdelay $0x3  }
0x245: {  	v34 =	vor.u32 v38, v19  }
0x246: {  	v18 =	vld.idx.msk [tilespmem:v54+s4+$0x0], $0xffff;
	v60 =	vor.u32 v8, v34  }
0x247: {  	v26 =	vmov v20;
	v20 =	vld [tilespmem:$0x1FBB0];
	_ =	sdelay $0x3  }
0x248: {  	[tilespmem:v60+s12+$0x0] =	vst.idx.msk $0xffff, v18;
	v60 =	vld [tilespmem:$0x1FA90]  }
0x249: {  	v54 =	vmov v20;
	v20 =	vor.u32 s17, v20;
	_ =	sdelay $0x3  }
0x24a: {  	v27 =	vor.u32 v60, v19  }
0x24b: {  	v40 =	vmov v6;
	v6 =	vmov v35;
	v18 =	vld.idx.msk [tilespmem:v20+s4+$0x0], $0xffff;
	v19 =	vor.u32 v8, v27  }
0x24c: {  	v13 =	vmov v6;
	v20 =	vor.u32 s17, v6;
	v6 =	vld [tilespmem:$0x1F4F0]  }
0x24d: {  	v24 =	vmov v12;
	v12 =	vld [tilespmem:$0x1FBC0];
	_ =	sdelay $0x2  }
0x24e: {  	[tilespmem:v19+s12+$0x0] =	vst.idx.msk $0xffff, v18  }
0x24f: {  	v19 =	vor.u32 v15, v6;
	v18 =	vld.idx.msk [tilespmem:v20+s4+$0x0], $0xffff  }
0x250: {  	v20 =	vor.u32 s17, v12;
	v12 =	vld [tilespmem:$0x1F500]  }
0x251: {  	v22 =	vmov v57;
	v57 =	vmov v3;
	v3 =	vld [tilespmem:$0x1FBD0];
	_ =	sdelay $0x2  }
0x252: {  	[tilespmem:v19+s12+$0x0] =	vst.idx.msk $0xffff, v18  }
0x253: {  	v19 =	vor.u32 v15, v12;
	v18 =	vld.idx.msk [tilespmem:v20+s4+$0x0], $0xffff  }
0x254: {  	v20 =	vor.u32 s17, v3;
	v3 =	vld [tilespmem:$0x1F510]  }
0x255: {  	[tilespmem:$0x1F520] =	vst v2;
	v2 =	vld [tilespmem:$0x1FBE0];
	_ =	sdelay $0x2  }
0x256: {  	[tilespmem:v19+s12+$0x0] =	vst.idx.msk $0xffff, v18  }
0x257: {  	v19 =	vor.u32 v15, v3;
	v18 =	vld.idx.msk [tilespmem:v20+s4+$0x0], $0xffff  }
0x258: {  	v20 =	vor.u32 s17, v2;
	v2 =	vld [tilespmem:$0x1F520]  }
0x259: {  	v4 =	vld [tilespmem:$0x1FBF0];
	_ =	sdelay $0x2  }
0x25a: {  	[tilespmem:v19+s12+$0x0] =	vst.idx.msk $0xffff, v18  }
0x25b: {  	v19 =	vor.u32 v15, v2;
	v18 =	vld.idx.msk [tilespmem:v20+s4+$0x0], $0xffff  }
0x25c: {  	v20 =	vor.u32 s17, v4  }
0x25d: {  	v1 =	vld [tilespmem:$0x1FC00];
	_ =	sdelay $0x2  }
0x25e: {  	[tilespmem:v19+s12+$0x0] =	vst.idx.msk $0xffff, v18  }
0x25f: {  	v19 =	vor.u32 v15, v56;
	v18 =	vld.idx.msk [tilespmem:v20+s4+$0x0], $0xffff  }
0x260: {  	v20 =	vor.u32 s17, v1  }
0x261: {  	v14 =	vld [tilespmem:$0x1FC10];
	_ =	sdelay $0x2  }
0x262: {  	[tilespmem:v19+s12+$0x0] =	vst.idx.msk $0xffff, v18  }
0x263: {  	v19 =	vor.u32 v15, v62;
	v18 =	vld.idx.msk [tilespmem:v20+s4+$0x0], $0xffff  }
0x264: {  	v20 =	vor.u32 s17, v14  }
0x265: {  	v11 =	vmov v10;
	v10 =	vld [tilespmem:$0x1FC20];
	_ =	sdelay $0x2  }
0x266: {  	[tilespmem:v19+s12+$0x0] =	vst.idx.msk $0xffff, v18  }
0x267: {  	v19 =	vor.u32 v15, v55;
	v18 =	vld.idx.msk [tilespmem:v20+s4+$0x0], $0xffff  }
0x268: {  	v20 =	vor.u32 s17, v10  }
0x269: {  	v42 =	vmov v9;
	v9 =	vld [tilespmem:$0x1FC30];
	_ =	sdelay $0x2  }
0x26a: {  	[tilespmem:v19+s12+$0x0] =	vst.idx.msk $0xffff, v18  }
0x26b: {  	v19 =	vor.u32 v15, v52;
	v18 =	vld.idx.msk [tilespmem:v20+s4+$0x0], $0xffff  }
0x26c: {  	v20 =	vor.u32 s17, v9  }
0x26d: {  	v16 =	vld [tilespmem:$0x1FC40];
	_ =	sdelay $0x2  }
0x26e: {  	[tilespmem:v19+s12+$0x0] =	vst.idx.msk $0xffff, v18  }
0x26f: {  	v19 =	vor.u32 v15, v28;
	v18 =	vld.idx.msk [tilespmem:v20+s4+$0x0], $0xffff  }
0x270: {  	v20 =	vor.u32 s17, v16  }
0x271: {  	v21 =	vld [tilespmem:$0x1FC50];
	_ =	sdelay $0x2  }
0x272: {  	[tilespmem:v19+s12+$0x0] =	vst.idx.msk $0xffff, v18  }
0x273: {  	v19 =	vor.u32 v15, v29;
	v18 =	vld.idx.msk [tilespmem:v20+s4+$0x0], $0xffff  }
0x274: {  	v20 =	vor.u32 s17, v21  }
0x275: {  	v5 =	vmov v61;
	v61 =	vld [tilespmem:$0x1FC60];
	_ =	sdelay $0x2  }
0x276: {  	[tilespmem:v19+s12+$0x0] =	vst.idx.msk $0xffff, v18  }
0x277: {  	v19 =	vor.u32 v15, v30;
	v18 =	vld.idx.msk [tilespmem:v20+s4+$0x0], $0xffff  }
0x278: {  	v20 =	vor.u32 s17, v61;
	_ =	sdelay $0x3  }
0x279: {  	[tilespmem:v19+s12+$0x0] =	vst.idx.msk $0xffff, v18  }
0x27a: {  	v19 =	vor.u32 v15, v31;
	v18 =	vld.idx.msk [tilespmem:v20+s4+$0x0], $0xffff  }
0x27b: {  	v20 =	vor.u32 s17, v22  }
0x27c: {  	v23 =	vld [tilespmem:$0x1FC70];
	_ =	sdelay $0x2  }
0x27d: {  	[tilespmem:v19+s12+$0x0] =	vst.idx.msk $0xffff, v18  }
0x27e: {  	v19 =	vor.u32 v15, v32;
	v18 =	vld.idx.msk [tilespmem:v20+s4+$0x0], $0xffff  }
0x27f: {  	v20 =	vor.u32 s17, v23;
	_ =	sdelay $0x3  }
0x280: {  	[tilespmem:v19+s12+$0x0] =	vst.idx.msk $0xffff, v18  }
0x281: {  	v19 =	vor.u32 v15, v33;
	v18 =	vld.idx.msk [tilespmem:v20+s4+$0x0], $0xffff  }
0x282: {  	v20 =	vor.u32 s17, v24;
	_ =	sdelay $0x3  }
0x283: {  	[tilespmem:v19+s12+$0x0] =	vst.idx.msk $0xffff, v18  }
0x284: {  	v19 =	vor.u32 v15, v34;
	v18 =	vld.idx.msk [tilespmem:v20+s4+$0x0], $0xffff  }
0x285: {  	v20 =	vor.u32 s17, v25  }
0x286: {  	v14 =	vld [tilespmem:$0x1FD40];
	_ =	sdelay $0x2  }
0x287: {  	[tilespmem:v19+s12+$0x0] =	vst.idx.msk $0xffff, v18  }
0x288: {  	v19 =	vor.u32 v15, v27;
	v18 =	vld.idx.msk [tilespmem:v20+s4+$0x0], $0xffff  }
0x289: {  	v20 =	vor.u32 s17, v14;
	_ =	sdelay $0x3  }
0x28a: {  	[tilespmem:v19+s12+$0x0] =	vst.idx.msk $0xffff, v18  }
0x28b: {  	v19 =	vor.u32 v17, v6;
	v18 =	vld.idx.msk [tilespmem:v20+s4+$0x0], $0xffff  }
0x28c: {  	v20 =	vor.u32 s17, v26  }
0x28d: {  	v1 =	vld [tilespmem:$0x1FD60];
	_ =	sdelay $0x2  }
0x28e: {  	[tilespmem:v19+s12+$0x0] =	vst.idx.msk $0xffff, v18  }
0x28f: {  	v19 =	vor.u32 v17, v12;
	v18 =	vld.idx.msk [tilespmem:v20+s4+$0x0], $0xffff  }
0x290: {  	v20 =	vor.u32 s17, v1  }
0x291: {  	v1 =	vld [tilespmem:$0x1FDB0];
	_ =	sdelay $0x2  }
0x292: {  	[tilespmem:v19+s12+$0x0] =	vst.idx.msk $0xffff, v18  }
0x293: {  	v19 =	vor.u32 v17, v3;
	v18 =	vld.idx.msk [tilespmem:v20+s4+$0x0], $0xffff  }
0x294: {  	v20 =	vor.u32 s17, v1  }
0x295: {  	v1 =	vld [tilespmem:$0x1FD90];
	_ =	sdelay $0x2  }
0x296: {  	[tilespmem:v19+s12+$0x0] =	vst.idx.msk $0xffff, v18  }
0x297: {  	v19 =	vor.u32 v17, v2;
	v18 =	vld.idx.msk [tilespmem:v20+s4+$0x0], $0xffff  }
0x298: {  	v20 =	vor.u32 s17, v1  }
0x299: {  	v1 =	vld [tilespmem:$0x1FE40];
	_ =	sdelay $0x2  }
0x29a: {  	[tilespmem:v19+s12+$0x0] =	vst.idx.msk $0xffff, v18  }
0x29b: {  	v19 =	vor.u32 v17, v56;
	v18 =	vld.idx.msk [tilespmem:v20+s4+$0x0], $0xffff  }
0x29c: {  	v20 =	vor.u32 s17, v1  }
0x29d: {  	v1 =	vld [tilespmem:$0x1FE10];
	_ =	sdelay $0x2  }
0x29e: {  	[tilespmem:v19+s12+$0x0] =	vst.idx.msk $0xffff, v18  }
0x29f: {  	v19 =	vor.u32 v17, v62;
	v18 =	vld.idx.msk [tilespmem:v20+s4+$0x0], $0xffff  }
0x2a0: {  	v20 =	vor.u32 s17, v1  }
0x2a1: {  	v1 =	vld [tilespmem:$0x1FD50];
	_ =	sdelay $0x2  }
0x2a2: {  	[tilespmem:v19+s12+$0x0] =	vst.idx.msk $0xffff, v18  }
0x2a3: {  	v19 =	vor.u32 v17, v55;
	v18 =	vld.idx.msk [tilespmem:v20+s4+$0x0], $0xffff  }
0x2a4: {  	v20 =	vor.u32 s17, v1  }
0x2a5: {  	v1 =	vld [tilespmem:$0x1FDA0];
	_ =	sdelay $0x2  }
0x2a6: {  	[tilespmem:v19+s12+$0x0] =	vst.idx.msk $0xffff, v18  }
0x2a7: {  	v19 =	vor.u32 v17, v52;
	v18 =	vld.idx.msk [tilespmem:v20+s4+$0x0], $0xffff  }
0x2a8: {  	v20 =	vor.u32 s17, v1  }
0x2a9: {  	v1 =	vld [tilespmem:$0x1FDF0];
	_ =	sdelay $0x2  }
0x2aa: {  	[tilespmem:v19+s12+$0x0] =	vst.idx.msk $0xffff, v18  }
0x2ab: {  	v19 =	vor.u32 v17, v28;
	v18 =	vld.idx.msk [tilespmem:v20+s4+$0x0], $0xffff  }
0x2ac: {  	v20 =	vor.u32 s17, v1  }
0x2ad: {  	v1 =	vld [tilespmem:$0x1FD70];
	_ =	sdelay $0x2  }
0x2ae: {  	[tilespmem:v19+s12+$0x0] =	vst.idx.msk $0xffff, v18  }
0x2af: {  	v19 =	vor.u32 v17, v29;
	v18 =	vld.idx.msk [tilespmem:v20+s4+$0x0], $0xffff  }
0x2b0: {  	v20 =	vor.u32 s17, v1;
	_ =	sdelay $0x3  }
0x2b1: {  	[tilespmem:v19+s12+$0x0] =	vst.idx.msk $0xffff, v18  }
0x2b2: {  	v19 =	vor.u32 v17, v30;
	v18 =	vld.idx.msk [tilespmem:v20+s4+$0x0], $0xffff  }
0x2b3: {  	v20 =	vor.u32 s17, v58  }
0x2b4: {  	v4 =	vld [tilespmem:$0x1FE70];
	_ =	sdelay $0x2  }
0x2b5: {  	[tilespmem:v19+s12+$0x0] =	vst.idx.msk $0xffff, v18  }
0x2b6: {  	v1 =	vor.u32 v17, v31;
	v18 =	vld.idx.msk [tilespmem:v20+s4+$0x0], $0xffff  }
0x2b7: {  	v20 =	vor.u32 s17, v4  }
0x2b8: {  	v4 =	vld [tilespmem:$0x1FE20];
	_ =	sdelay $0x2  }
0x2b9: {  	[tilespmem:v1+s12+$0x0] =	vst.idx.msk $0xffff, v18  }
0x2ba: {  	v1 =	vor.u32 v17, v32;
	v18 =	vld.idx.msk [tilespmem:v20+s4+$0x0], $0xffff  }
0x2bb: {  	v20 =	vor.u32 s17, v4  }
0x2bc: {  	v4 =	vld [tilespmem:$0x1FE30];
	_ =	sdelay $0x2  }
0x2bd: {  	[tilespmem:v1+s12+$0x0] =	vst.idx.msk $0xffff, v18  }
0x2be: {  	v1 =	vor.u32 v17, v33;
	v18 =	vld.idx.msk [tilespmem:v20+s4+$0x0], $0xffff  }
0x2bf: {  	v20 =	vor.u32 s17, v4  }
0x2c0: {  	v4 =	vld [tilespmem:$0x1FDE0];
	_ =	sdelay $0x2  }
0x2c1: {  	[tilespmem:v1+s12+$0x0] =	vst.idx.msk $0xffff, v18  }
0x2c2: {  	v1 =	vor.u32 v17, v34;
	v18 =	vld.idx.msk [tilespmem:v20+s4+$0x0], $0xffff  }
0x2c3: {  	v23 =	vld [tilespmem:$0x1FE50];
	v20 =	vor.u32 s17, v4;
	_ =	sdelay $0x3  }
0x2c4: {  	[tilespmem:v1+s12+$0x0] =	vst.idx.msk $0xffff, v18  }
0x2c5: {  	v1 =	vor.u32 $0x1800, v23;
	v18 =	vld.idx.msk [tilespmem:v20+s4+$0x0], $0xffff;
	v20 =	vor.u32 v17, v27  }
0x2c6: {  	v21 =	vor.u32 s17, v1  }
0x2c7: {  	v58 =	vmov v1;
	v1 =	vld [tilespmem:$0x1FC90];
	_ =	sdelay $0x2  }
0x2c8: {  	[tilespmem:v20+s12+$0x0] =	vst.idx.msk $0xffff, v18;
	v18 =	vor.u32 $0x30, v8  }
0x2c9: {  	v22 =	vld.idx.msk [tilespmem:v21+s4+$0x0], $0xffff;
	v21 =	vor.u32 v18, v6  }
0x2ca: {  	v20 =	vor.u32 s17, v1  }
0x2cb: {  	v4 =	vmov v1;
	v1 =	vld [tilespmem:$0x1FFF0];
	_ =	sdelay $0x2  }
0x2cc: {  	[tilespmem:v21+s12+$0x0] =	vst.idx.msk $0xffff, v22  }
0x2cd: {  	v21 =	vor.u32 v18, v12;
	v20 =	vld.idx.msk [tilespmem:v20+s4+$0x0], $0xffff  }
0x2ce: {  	v22 =	vor.u32 s17, v1;
	_ =	sdelay $0x3  }
0x2cf: {  	v19 =	vmov v1;
	v1 =	vld [tilespmem:$0x1FFE0];
	[tilespmem:v21+s12+$0x0] =	vst.idx.msk $0xffff, v20  }
0x2d0: {  	v21 =	vor.u32 v18, v3;
	v20 =	vld.idx.msk [tilespmem:v22+s4+$0x0], $0xffff;
	_ =	sdelay $0x3  }
0x2d1: {  	v22 =	vor.u32 s17, v1  }
0x2d2: {  	[tilespmem:v21+s12+$0x0] =	vst.idx.msk $0xffff, v20;
	v21 =	vor.u32 v18, v2;
	v2 =	vld [tilespmem:$0x1FF40];
	_ =	sdelay $0x3  }
0x2d3: {  	v20 =	vld.idx.msk [tilespmem:v22+s4+$0x0], $0xffff  }
0x2d4: {  	v22 =	vor.u32 s17, v2  }
0x2d5: {  	v12 =	vmov v1;
	v1 =	vmov v2;
	v2 =	vld [tilespmem:$0x1FF70];
	_ =	sdelay $0x2  }
0x2d6: {  	[tilespmem:v21+s12+$0x0] =	vst.idx.msk $0xffff, v20  }
0x2d7: {  	v21 =	vor.u32 v18, v56;
	v20 =	vld.idx.msk [tilespmem:v22+s4+$0x0], $0xffff  }
0x2d8: {  	v22 =	vor.u32 s17, v2  }
0x2d9: {  	v56 =	vmov v2;
	v2 =	vld [tilespmem:$0x1FFB0];
	_ =	sdelay $0x2  }
0x2da: {  	[tilespmem:v21+s12+$0x0] =	vst.idx.msk $0xffff, v20  }
0x2db: {  	v21 =	vor.u32 v18, v62;
	v20 =	vld.idx.msk [tilespmem:v22+s4+$0x0], $0xffff  }
0x2dc: {  	v22 =	vor.u32 s17, v2  }
0x2dd: {  	v6 =	vmov v2;
	v2 =	vld [tilespmem:$0x1FFD0];
	_ =	sdelay $0x2  }
0x2de: {  	[tilespmem:v21+s12+$0x0] =	vst.idx.msk $0xffff, v20  }
0x2df: {  	v21 =	vor.u32 v18, v55;
	v20 =	vld.idx.msk [tilespmem:v22+s4+$0x0], $0xffff  }
0x2e0: {  	v22 =	vor.u32 s17, v2  }
0x2e1: {  	v3 =	vld [tilespmem:$0x1FF80];
	_ =	sdelay $0x2  }
0x2e2: {  	[tilespmem:v21+s12+$0x0] =	vst.idx.msk $0xffff, v20  }
0x2e3: {  	v21 =	vor.u32 v18, v52;
	v20 =	vld.idx.msk [tilespmem:v22+s4+$0x0], $0xffff  }
0x2e4: {  	v22 =	vor.u32 s17, v3  }
0x2e5: {  	v9 =	vmov v2;
	v2 =	vmov v3;
	v3 =	vld [tilespmem:$0x1FFA0];
	_ =	sdelay $0x2  }
0x2e6: {  	[tilespmem:v21+s12+$0x0] =	vst.idx.msk $0xffff, v20  }
0x2e7: {  	v21 =	vor.u32 v18, v28;
	v20 =	vld.idx.msk [tilespmem:v22+s4+$0x0], $0xffff  }
0x2e8: {  	v22 =	vor.u32 s17, v3  }
0x2e9: {  	v16 =	vmov v3;
	v3 =	vld [tilespmem:$0x1FFC0];
	_ =	sdelay $0x2  }
0x2ea: {  	[tilespmem:v21+s12+$0x0] =	vst.idx.msk $0xffff, v20  }
0x2eb: {  	v21 =	vor.u32 v18, v29;
	v20 =	vld.idx.msk [tilespmem:v22+s4+$0x0], $0xffff  }
0x2ec: {  	v22 =	vor.u32 s17, v3  }
0x2ed: {  	v52 =	vmov v3;
	v3 =	vld [tilespmem:$0x1FF60];
	_ =	sdelay $0x2  }
0x2ee: {  	[tilespmem:v21+s12+$0x0] =	vst.idx.msk $0xffff, v20  }
0x2ef: {  	v21 =	vor.u32 v18, v30;
	v20 =	vld.idx.msk [tilespmem:v22+s4+$0x0], $0xffff  }
0x2f0: {  	v22 =	vor.u32 s17, v3  }
0x2f1: {  	v55 =	vmov v3;
	v3 =	vld [tilespmem:$0x1FF90];
	_ =	sdelay $0x2  }
0x2f2: {  	[tilespmem:v21+s12+$0x0] =	vst.idx.msk $0xffff, v20  }
0x2f3: {  	v21 =	vor.u32 v18, v31;
	v20 =	vld.idx.msk [tilespmem:v22+s4+$0x0], $0xffff  }
0x2f4: {  	v22 =	vor.u32 s17, v3  }
0x2f5: {  	v62 =	vmov v3;
	v3 =	vld [tilespmem:$0x1FF30];
	_ =	sdelay $0x2  }
0x2f6: {  	[tilespmem:v21+s12+$0x0] =	vst.idx.msk $0xffff, v20  }
0x2f7: {  	v21 =	vor.u32 v18, v32;
	v20 =	vld.idx.msk [tilespmem:v22+s4+$0x0], $0xffff  }
0x2f8: {  	v22 =	vor.u32 s17, v3  }
0x2f9: {  	v10 =	vmov v3;
	v3 =	vld [tilespmem:$0x1FF50];
	_ =	sdelay $0x2  }
0x2fa: {  	[tilespmem:v21+s12+$0x0] =	vst.idx.msk $0xffff, v20  }
0x2fb: {  	v21 =	vor.u32 v18, v33;
	v20 =	vld.idx.msk [tilespmem:v22+s4+$0x0], $0xffff  }
0x2fc: {  	v22 =	vor.u32 s17, v3;
	_ =	sdelay $0x3  }
0x2fd: {  	[tilespmem:v21+s12+$0x0] =	vst.idx.msk $0xffff, v20  }
0x2fe: {  	v20 =	vld.idx.msk [tilespmem:v22+s4+$0x0], $0xffff  }
0x2ff: {  	v22 =	vld [tilespmem:$0x1FF20];
	_ =	sdelay $0x3  }
0x300: {  	v21 =	vor.u32 v18, v34  }
0x301: {  	v61 =	vmov v3;
	v3 =	vmov v22;
	v22 =	vor.u32 s17, v22;
	_ =	sdelay $0x3  }
0x302: {  	[tilespmem:v21+s12+$0x0] =	vst.idx.msk $0xffff, v20;
	s17 =	simm.s32 $0x10  }
0x303: {  	s18 =	simm.s32 $0x20;
	v21 =	vor.u32 s17, v23;
	v20 =	vld.idx.msk [tilespmem:v22+s4+$0x0], $0xffff;
	v22 =	vor.u32 v18, v27  }
.LBB2_4:
0x304: {  	_ =	sdelay $0x1  }
0x305: {  	v23 =	vmov s17  }
0x306: {  	v35 =	vshll.u32 v23, $0x7  }
0x307: {  	[tilespmem:v22+s12+$0x0] =	vst.idx.msk $0xffff, v20;
	v20 =	vor.u32 v39, v35  }
0x308: {  	v21 =	vld.idx.msk [tilespmem:v21+s4+$0x0], $0xffff;
	v22 =	vor.u32 v8, v20  }
0x309: {  	v23 =	vor.u32 s17, v51;
	_ =	sdelay $0x3  }
0x30a: {  	[tilespmem:v22+s12+$0x0] =	vst.idx.msk $0xffff, v21;
	v21 =	vor.u32 v50, v35  }
0x30b: {  	v22 =	vld.idx.msk [tilespmem:v23+s4+$0x0], $0xffff;
	v23 =	vor.u32 v8, v21  }
0x30c: {  	v24 =	vor.u32 s17, v63;
	_ =	sdelay $0x3  }
0x30d: {  	[tilespmem:v23+s12+$0x0] =	vst.idx.msk $0xffff, v22;
	v22 =	vor.u32 v49, v35  }
0x30e: {  	v23 =	vld.idx.msk [tilespmem:v24+s4+$0x0], $0xffff;
	v31 =	vor.u32 v8, v22  }
0x30f: {  	v25 =	vor.u32 s17, v53;
	_ =	sdelay $0x3  }
0x310: {  	[tilespmem:v31+s12+$0x0] =	vst.idx.msk $0xffff, v23;
	v23 =	vor.u32 v48, v35  }
0x311: {  	v24 =	vld.idx.msk [tilespmem:v25+s4+$0x0], $0xffff;
	v32 =	vor.u32 v8, v23  }
0x312: {  	v26 =	vor.u32 s17, v57  }
0x313: {  	v27 =	vld [tilespmem:$0x1FE60];
	_ =	sdelay $0x2  }
0x314: {  	[tilespmem:v32+s12+$0x0] =	vst.idx.msk $0xffff, v24;
	v24 =	vor.u32 v47, v35  }
0x315: {  	v25 =	vld.idx.msk [tilespmem:v26+s4+$0x0], $0xffff;
	v33 =	vor.u32 v8, v24  }
0x316: {  	v27 =	vor.u32 s17, v27  }
0x317: {  	v28 =	vld [tilespmem:$0x1FEB0];
	_ =	sdelay $0x2  }
0x318: {  	[tilespmem:v33+s12+$0x0] =	vst.idx.msk $0xffff, v25;
	v25 =	vor.u32 v46, v35  }
0x319: {  	v26 =	vld.idx.msk [tilespmem:v27+s4+$0x0], $0xffff;
	v34 =	vor.u32 v8, v25  }
0x31a: {  	v28 =	vor.u32 s17, v28  }
0x31b: {  	v29 =	vld [tilespmem:$0x1FEC0];
	_ =	sdelay $0x2  }
0x31c: {  	[tilespmem:v34+s12+$0x0] =	vst.idx.msk $0xffff, v26;
	v26 =	vor.u32 v45, v35  }
0x31d: {  	v27 =	vld.idx.msk [tilespmem:v28+s4+$0x0], $0xffff;
	v32 =	vor.u32 v8, v26  }
0x31e: {  	v29 =	vor.u32 s17, v29  }
0x31f: {  	v30 =	vld [tilespmem:$0x1FE90];
	_ =	sdelay $0x2  }
0x320: {  	[tilespmem:v32+s12+$0x0] =	vst.idx.msk $0xffff, v27;
	v27 =	vor.u32 v44, v35  }
0x321: {  	v28 =	vld.idx.msk [tilespmem:v29+s4+$0x0], $0xffff;
	v33 =	vor.u32 v8, v27  }
0x322: {  	v30 =	vor.u32 s17, v30  }
0x323: {  	v31 =	vld [tilespmem:$0x1FE80];
	_ =	sdelay $0x2  }
0x324: {  	[tilespmem:v33+s12+$0x0] =	vst.idx.msk $0xffff, v28;
	v28 =	vor.u32 v43, v35  }
0x325: {  	v29 =	vld.idx.msk [tilespmem:v30+s4+$0x0], $0xffff;
	v34 =	vor.u32 v8, v28  }
0x326: {  	v31 =	vor.u32 s17, v31;
	_ =	sdelay $0x3  }
0x327: {  	[tilespmem:v34+s12+$0x0] =	vst.idx.msk $0xffff, v29;
	v29 =	vor.u32 v7, v35  }
0x328: {  	v30 =	vld.idx.msk [tilespmem:v31+s4+$0x0], $0xffff;
	v31 =	vor.u32 v8, v29  }
0x329: {  	v32 =	vor.u32 s17, v5;
	_ =	sdelay $0x3  }
0x32a: {  	[tilespmem:v31+s12+$0x0] =	vst.idx.msk $0xffff, v30;
	v30 =	vor.u32 v41, v35  }
0x32b: {  	v31 =	vld.idx.msk [tilespmem:v32+s4+$0x0], $0xffff;
	v32 =	vor.u32 v8, v30  }
0x32c: {  	v33 =	vor.u32 s17, v40;
	_ =	sdelay $0x3  }
0x32d: {  	[tilespmem:v32+s12+$0x0] =	vst.idx.msk $0xffff, v31;
	v31 =	vor.u32 v59, v35  }
0x32e: {  	v32 =	vld.idx.msk [tilespmem:v33+s4+$0x0], $0xffff;
	v33 =	vor.u32 v8, v31  }
0x32f: {  	v34 =	vor.u32 s17, v11;
	_ =	sdelay $0x3  }
0x330: {  	[tilespmem:v33+s12+$0x0] =	vst.idx.msk $0xffff, v32;
	v32 =	vor.u32 v36, v35  }
0x331: {  	v33 =	vld.idx.msk [tilespmem:v34+s4+$0x0], $0xffff;
	v34 =	vor.u32 v8, v32  }
0x332: {  	v36 =	vor.u32 s17, v0;
	_ =	sdelay $0x3  }
0x333: {  	[tilespmem:v34+s12+$0x0] =	vst.idx.msk $0xffff, v33;
	v33 =	vor.u32 v37, v35  }
0x334: {  	v34 =	vld.idx.msk [tilespmem:v36+s4+$0x0], $0xffff;
	v36 =	vor.u32 v8, v33  }
0x335: {  	v37 =	vor.u32 s17, v42;
	_ =	sdelay $0x3  }
0x336: {  	[tilespmem:v36+s12+$0x0] =	vst.idx.msk $0xffff, v34;
	v34 =	vor.u32 v38, v35  }
0x337: {  	v36 =	vld.idx.msk [tilespmem:v37+s4+$0x0], $0xffff;
	v37 =	vor.u32 v8, v34  }
0x338: {  	v38 =	vor.u32 s17, v54;
	_ =	sdelay $0x3  }
0x339: {  	v35 =	vor.u32 v60, v35;
	[tilespmem:v37+s12+$0x0] =	vst.idx.msk $0xffff, v36  }
0x33a: {  	v37 =	vor.u32 v8, v35;
	v36 =	vld.idx.msk [tilespmem:v38+s4+$0x0], $0xffff  }
0x33b: {  	v38 =	vor.u32 s17, v13;
	_ =	sdelay $0x3  }
0x33c: {  	[tilespmem:v37+s12+$0x0] =	vst.idx.msk $0xffff, v36  }
0x33d: {  	v36 =	vld.idx.msk [tilespmem:v38+s4+$0x0], $0xffff  }
0x33e: {  	v38 =	vld [tilespmem:$0x1FBC0];
	_ =	sdelay $0x3  }
0x33f: {  	v37 =	vor.u32 v15, v20  }
0x340: {  	v38 =	vor.u32 s17, v38;
	_ =	sdelay $0x3  }
0x341: {  	[tilespmem:v37+s12+$0x0] =	vst.idx.msk $0xffff, v36  }
0x342: {  	v36 =	vld.idx.msk [tilespmem:v38+s4+$0x0], $0xffff  }
0x343: {  	v38 =	vld [tilespmem:$0x1FBD0];
	_ =	sdelay $0x3  }
0x344: {  	v37 =	vor.u32 v15, v21  }
0x345: {  	v38 =	vor.u32 s17, v38;
	_ =	sdelay $0x3  }
0x346: {  	[tilespmem:v37+s12+$0x0] =	vst.idx.msk $0xffff, v36  }
0x347: {  	v36 =	vld.idx.msk [tilespmem:v38+s4+$0x0], $0xffff  }
0x348: {  	v38 =	vld [tilespmem:$0x1FBE0];
	_ =	sdelay $0x3  }
0x349: {  	v37 =	vor.u32 v15, v22  }
0x34a: {  	v38 =	vor.u32 s17, v38;
	_ =	sdelay $0x3  }
0x34b: {  	[tilespmem:v37+s12+$0x0] =	vst.idx.msk $0xffff, v36  }
0x34c: {  	v36 =	vld.idx.msk [tilespmem:v38+s4+$0x0], $0xffff  }
0x34d: {  	v38 =	vld [tilespmem:$0x1FBF0];
	_ =	sdelay $0x3  }
0x34e: {  	v37 =	vor.u32 v15, v23  }
0x34f: {  	v38 =	vor.u32 s17, v38;
	_ =	sdelay $0x3  }
0x350: {  	[tilespmem:v37+s12+$0x0] =	vst.idx.msk $0xffff, v36  }
0x351: {  	v36 =	vld.idx.msk [tilespmem:v38+s4+$0x0], $0xffff  }
0x352: {  	v38 =	vld [tilespmem:$0x1FC00];
	_ =	sdelay $0x3  }
0x353: {  	v37 =	vor.u32 v15, v24  }
0x354: {  	v38 =	vor.u32 s17, v38;
	_ =	sdelay $0x3  }
0x355: {  	[tilespmem:v37+s12+$0x0] =	vst.idx.msk $0xffff, v36  }
0x356: {  	v36 =	vld.idx.msk [tilespmem:v38+s4+$0x0], $0xffff  }
0x357: {  	v38 =	vld [tilespmem:$0x1FC10];
	_ =	sdelay $0x3  }
0x358: {  	v37 =	vor.u32 v15, v25  }
0x359: {  	v38 =	vor.u32 s17, v38;
	_ =	sdelay $0x3  }
0x35a: {  	[tilespmem:v37+s12+$0x0] =	vst.idx.msk $0xffff, v36  }
0x35b: {  	v36 =	vld.idx.msk [tilespmem:v38+s4+$0x0], $0xffff  }
0x35c: {  	v38 =	vld [tilespmem:$0x1FC20];
	_ =	sdelay $0x3  }
0x35d: {  	v37 =	vor.u32 v15, v26  }
0x35e: {  	v38 =	vor.u32 s17, v38;
	_ =	sdelay $0x3  }
0x35f: {  	[tilespmem:v37+s12+$0x0] =	vst.idx.msk $0xffff, v36  }
0x360: {  	v36 =	vld.idx.msk [tilespmem:v38+s4+$0x0], $0xffff  }
0x361: {  	v38 =	vld [tilespmem:$0x1FC30];
	_ =	sdelay $0x3  }
0x362: {  	v37 =	vor.u32 v15, v27  }
0x363: {  	v38 =	vor.u32 s17, v38;
	_ =	sdelay $0x3  }
0x364: {  	[tilespmem:v37+s12+$0x0] =	vst.idx.msk $0xffff, v36  }
0x365: {  	v36 =	vld.idx.msk [tilespmem:v38+s4+$0x0], $0xffff  }
0x366: {  	v38 =	vld [tilespmem:$0x1FC40];
	_ =	sdelay $0x3  }
0x367: {  	v37 =	vor.u32 v15, v28  }
0x368: {  	v38 =	vor.u32 s17, v38;
	_ =	sdelay $0x3  }
0x369: {  	[tilespmem:v37+s12+$0x0] =	vst.idx.msk $0xffff, v36  }
0x36a: {  	v36 =	vld.idx.msk [tilespmem:v38+s4+$0x0], $0xffff  }
0x36b: {  	v38 =	vld [tilespmem:$0x1FC50];
	_ =	sdelay $0x3  }
0x36c: {  	v37 =	vor.u32 v15, v29  }
0x36d: {  	v38 =	vor.u32 s17, v38;
	_ =	sdelay $0x3  }
0x36e: {  	[tilespmem:v37+s12+$0x0] =	vst.idx.msk $0xffff, v36  }
0x36f: {  	v36 =	vld.idx.msk [tilespmem:v38+s4+$0x0], $0xffff  }
0x370: {  	v38 =	vld [tilespmem:$0x1FC60];
	_ =	sdelay $0x3  }
0x371: {  	v37 =	vor.u32 v15, v30  }
0x372: {  	v38 =	vor.u32 s17, v38;
	_ =	sdelay $0x3  }
0x373: {  	[tilespmem:v37+s12+$0x0] =	vst.idx.msk $0xffff, v36  }
0x374: {  	v36 =	vld.idx.msk [tilespmem:v38+s4+$0x0], $0xffff  }
0x375: {  	v38 =	vld [tilespmem:$0x1FDC0];
	_ =	sdelay $0x3  }
0x376: {  	v37 =	vor.u32 v15, v31  }
0x377: {  	v38 =	vor.u32 s17, v38;
	_ =	sdelay $0x3  }
0x378: {  	[tilespmem:v37+s12+$0x0] =	vst.idx.msk $0xffff, v36  }
0x379: {  	v36 =	vld.idx.msk [tilespmem:v38+s4+$0x0], $0xffff  }
0x37a: {  	v38 =	vld [tilespmem:$0x1FC70];
	_ =	sdelay $0x3  }
0x37b: {  	v37 =	vor.u32 v15, v32  }
0x37c: {  	v38 =	vor.u32 s17, v38;
	_ =	sdelay $0x3  }
0x37d: {  	[tilespmem:v37+s12+$0x0] =	vst.idx.msk $0xffff, v36  }
0x37e: {  	v36 =	vld.idx.msk [tilespmem:v38+s4+$0x0], $0xffff  }
0x37f: {  	v38 =	vld [tilespmem:$0x1FDD0];
	_ =	sdelay $0x3  }
0x380: {  	v37 =	vor.u32 v15, v33  }
0x381: {  	v38 =	vor.u32 s17, v38;
	_ =	sdelay $0x3  }
0x382: {  	[tilespmem:v37+s12+$0x0] =	vst.idx.msk $0xffff, v36  }
0x383: {  	v36 =	vld.idx.msk [tilespmem:v38+s4+$0x0], $0xffff  }
0x384: {  	v38 =	vld [tilespmem:$0x1FD80];
	_ =	sdelay $0x3  }
0x385: {  	v37 =	vor.u32 v15, v34  }
0x386: {  	v38 =	vor.u32 s17, v38;
	_ =	sdelay $0x3  }
0x387: {  	[tilespmem:v37+s12+$0x0] =	vst.idx.msk $0xffff, v36  }
0x388: {  	v37 =	vor.u32 v15, v35;
	v36 =	vld.idx.msk [tilespmem:v38+s4+$0x0], $0xffff  }
0x389: {  	v38 =	vor.u32 s17, v14;
	_ =	sdelay $0x3  }
0x38a: {  	[tilespmem:v37+s12+$0x0] =	vst.idx.msk $0xffff, v36  }
0x38b: {  	v36 =	vld.idx.msk [tilespmem:v38+s4+$0x0], $0xffff  }
0x38c: {  	v38 =	vld [tilespmem:$0x1FE00];
	_ =	sdelay $0x3  }
0x38d: {  	v37 =	vor.u32 v17, v20  }
0x38e: {  	v38 =	vor.u32 s17, v38;
	_ =	sdelay $0x3  }
0x38f: {  	[tilespmem:v37+s12+$0x0] =	vst.idx.msk $0xffff, v36  }
0x390: {  	v36 =	vld.idx.msk [tilespmem:v38+s4+$0x0], $0xffff  }
0x391: {  	v38 =	vld [tilespmem:$0x1FD60];
	_ =	sdelay $0x3  }
0x392: {  	v37 =	vor.u32 v17, v21  }
0x393: {  	v38 =	vor.u32 s17, v38;
	_ =	sdelay $0x3  }
0x394: {  	[tilespmem:v37+s12+$0x0] =	vst.idx.msk $0xffff, v36  }
0x395: {  	v36 =	vld.idx.msk [tilespmem:v38+s4+$0x0], $0xffff  }
0x396: {  	v38 =	vld [tilespmem:$0x1FDB0];
	_ =	sdelay $0x3  }
0x397: {  	v37 =	vor.u32 v17, v22  }
0x398: {  	v38 =	vor.u32 s17, v38;
	_ =	sdelay $0x3  }
0x399: {  	[tilespmem:v37+s12+$0x0] =	vst.idx.msk $0xffff, v36  }
0x39a: {  	v36 =	vld.idx.msk [tilespmem:v38+s4+$0x0], $0xffff  }
0x39b: {  	v38 =	vld [tilespmem:$0x1FD90];
	_ =	sdelay $0x3  }
0x39c: {  	v37 =	vor.u32 v17, v23  }
0x39d: {  	v38 =	vor.u32 s17, v38;
	_ =	sdelay $0x3  }
0x39e: {  	[tilespmem:v37+s12+$0x0] =	vst.idx.msk $0xffff, v36  }
0x39f: {  	v36 =	vld.idx.msk [tilespmem:v38+s4+$0x0], $0xffff  }
0x3a0: {  	v38 =	vld [tilespmem:$0x1FE40];
	_ =	sdelay $0x3  }
0x3a1: {  	v37 =	vor.u32 v17, v24  }
0x3a2: {  	v38 =	vor.u32 s17, v38;
	_ =	sdelay $0x3  }
0x3a3: {  	[tilespmem:v37+s12+$0x0] =	vst.idx.msk $0xffff, v36  }
0x3a4: {  	v36 =	vld.idx.msk [tilespmem:v38+s4+$0x0], $0xffff  }
0x3a5: {  	v38 =	vld [tilespmem:$0x1FE10];
	_ =	sdelay $0x3  }
0x3a6: {  	v37 =	vor.u32 v17, v25  }
0x3a7: {  	v38 =	vor.u32 s17, v38;
	_ =	sdelay $0x3  }
0x3a8: {  	[tilespmem:v37+s12+$0x0] =	vst.idx.msk $0xffff, v36  }
0x3a9: {  	v36 =	vld.idx.msk [tilespmem:v38+s4+$0x0], $0xffff  }
0x3aa: {  	v38 =	vld [tilespmem:$0x1FD50];
	_ =	sdelay $0x3  }
0x3ab: {  	v37 =	vor.u32 v17, v26  }
0x3ac: {  	v38 =	vor.u32 s17, v38;
	_ =	sdelay $0x3  }
0x3ad: {  	[tilespmem:v37+s12+$0x0] =	vst.idx.msk $0xffff, v36  }
0x3ae: {  	v36 =	vld.idx.msk [tilespmem:v38+s4+$0x0], $0xffff  }
0x3af: {  	v38 =	vld [tilespmem:$0x1FDA0];
	_ =	sdelay $0x3  }
0x3b0: {  	v37 =	vor.u32 v17, v27  }
0x3b1: {  	v38 =	vor.u32 s17, v38;
	_ =	sdelay $0x3  }
0x3b2: {  	[tilespmem:v37+s12+$0x0] =	vst.idx.msk $0xffff, v36  }
0x3b3: {  	v36 =	vld.idx.msk [tilespmem:v38+s4+$0x0], $0xffff  }
0x3b4: {  	v38 =	vld [tilespmem:$0x1FDF0];
	_ =	sdelay $0x3  }
0x3b5: {  	v37 =	vor.u32 v17, v28  }
0x3b6: {  	v38 =	vor.u32 s17, v38;
	_ =	sdelay $0x3  }
0x3b7: {  	[tilespmem:v37+s12+$0x0] =	vst.idx.msk $0xffff, v36  }
0x3b8: {  	v36 =	vld.idx.msk [tilespmem:v38+s4+$0x0], $0xffff  }
0x3b9: {  	v38 =	vld [tilespmem:$0x1FD70];
	_ =	sdelay $0x3  }
0x3ba: {  	v37 =	vor.u32 v17, v29  }
0x3bb: {  	v38 =	vor.u32 s17, v38;
	_ =	sdelay $0x3  }
0x3bc: {  	[tilespmem:v37+s12+$0x0] =	vst.idx.msk $0xffff, v36  }
0x3bd: {  	v36 =	vld.idx.msk [tilespmem:v38+s4+$0x0], $0xffff  }
0x3be: {  	v38 =	vld [tilespmem:$0x1FEA0];
	_ =	sdelay $0x3  }
0x3bf: {  	v37 =	vor.u32 v17, v30  }
0x3c0: {  	v38 =	vor.u32 s17, v38;
	_ =	sdelay $0x3  }
0x3c1: {  	[tilespmem:v37+s12+$0x0] =	vst.idx.msk $0xffff, v36  }
0x3c2: {  	v36 =	vld.idx.msk [tilespmem:v38+s4+$0x0], $0xffff  }
0x3c3: {  	v38 =	vld [tilespmem:$0x1FE70];
	_ =	sdelay $0x3  }
0x3c4: {  	v37 =	vor.u32 v17, v31  }
0x3c5: {  	v38 =	vor.u32 s17, v38;
	_ =	sdelay $0x3  }
0x3c6: {  	[tilespmem:v37+s12+$0x0] =	vst.idx.msk $0xffff, v36  }
0x3c7: {  	v36 =	vld.idx.msk [tilespmem:v38+s4+$0x0], $0xffff  }
0x3c8: {  	v38 =	vld [tilespmem:$0x1FE20];
	_ =	sdelay $0x3  }
0x3c9: {  	v37 =	vor.u32 v17, v32  }
0x3ca: {  	v38 =	vor.u32 s17, v38;
	_ =	sdelay $0x3  }
0x3cb: {  	[tilespmem:v37+s12+$0x0] =	vst.idx.msk $0xffff, v36  }
0x3cc: {  	v36 =	vld.idx.msk [tilespmem:v38+s4+$0x0], $0xffff  }
0x3cd: {  	v38 =	vld [tilespmem:$0x1FE30];
	_ =	sdelay $0x3  }
0x3ce: {  	v37 =	vor.u32 v17, v33  }
0x3cf: {  	v38 =	vor.u32 s17, v38;
	_ =	sdelay $0x3  }
0x3d0: {  	[tilespmem:v37+s12+$0x0] =	vst.idx.msk $0xffff, v36  }
0x3d1: {  	v36 =	vld.idx.msk [tilespmem:v38+s4+$0x0], $0xffff  }
0x3d2: {  	v38 =	vld [tilespmem:$0x1FDE0];
	_ =	sdelay $0x3  }
0x3d3: {  	v37 =	vor.u32 v17, v34  }
0x3d4: {  	v38 =	vor.u32 s17, v38;
	_ =	sdelay $0x3  }
0x3d5: {  	[tilespmem:v37+s12+$0x0] =	vst.idx.msk $0xffff, v36  }
0x3d6: {  	v37 =	vor.u32 v17, v35;
	v36 =	vld.idx.msk [tilespmem:v38+s4+$0x0], $0xffff  }
0x3d7: {  	v38 =	vor.u32 s17, v58;
	_ =	sdelay $0x3  }
0x3d8: {  	[tilespmem:v37+s12+$0x0] =	vst.idx.msk $0xffff, v36  }
0x3d9: {  	v20 =	vor.u32 v18, v20;
	v36 =	vld.idx.msk [tilespmem:v38+s4+$0x0], $0xffff  }
0x3da: {  	v37 =	vor.u32 s17, v4;
	_ =	sdelay $0x3  }
0x3db: {  	[tilespmem:v20+s12+$0x0] =	vst.idx.msk $0xffff, v36  }
0x3dc: {  	v21 =	vor.u32 v18, v21;
	v20 =	vld.idx.msk [tilespmem:v37+s4+$0x0], $0xffff  }
0x3dd: {  	v36 =	vor.u32 s17, v19;
	_ =	sdelay $0x3  }
0x3de: {  	[tilespmem:v21+s12+$0x0] =	vst.idx.msk $0xffff, v20  }
0x3df: {  	v21 =	vor.u32 v18, v22;
	v20 =	vld.idx.msk [tilespmem:v36+s4+$0x0], $0xffff  }
0x3e0: {  	v22 =	vor.u32 s17, v12;
	_ =	sdelay $0x3  }
0x3e1: {  	[tilespmem:v21+s12+$0x0] =	vst.idx.msk $0xffff, v20  }
0x3e2: {  	v21 =	vor.u32 v18, v23;
	v20 =	vld.idx.msk [tilespmem:v22+s4+$0x0], $0xffff  }
0x3e3: {  	v22 =	vor.u32 s17, v1;
	_ =	sdelay $0x3  }
0x3e4: {  	[tilespmem:v21+s12+$0x0] =	vst.idx.msk $0xffff, v20  }
0x3e5: {  	v21 =	vor.u32 v18, v24;
	v20 =	vld.idx.msk [tilespmem:v22+s4+$0x0], $0xffff  }
0x3e6: {  	v22 =	vor.u32 s17, v56;
	_ =	sdelay $0x3  }
0x3e7: {  	[tilespmem:v21+s12+$0x0] =	vst.idx.msk $0xffff, v20  }
0x3e8: {  	v21 =	vor.u32 v18, v25;
	v20 =	vld.idx.msk [tilespmem:v22+s4+$0x0], $0xffff  }
0x3e9: {  	v22 =	vor.u32 s17, v6;
	_ =	sdelay $0x3  }
0x3ea: {  	[tilespmem:v21+s12+$0x0] =	vst.idx.msk $0xffff, v20  }
0x3eb: {  	v21 =	vor.u32 v18, v26;
	v20 =	vld.idx.msk [tilespmem:v22+s4+$0x0], $0xffff  }
0x3ec: {  	v22 =	vor.u32 s17, v9;
	_ =	sdelay $0x3  }
0x3ed: {  	[tilespmem:v21+s12+$0x0] =	vst.idx.msk $0xffff, v20  }
0x3ee: {  	v21 =	vor.u32 v18, v27;
	v20 =	vld.idx.msk [tilespmem:v22+s4+$0x0], $0xffff  }
0x3ef: {  	v22 =	vor.u32 s17, v2;
	_ =	sdelay $0x3  }
0x3f0: {  	[tilespmem:v21+s12+$0x0] =	vst.idx.msk $0xffff, v20  }
0x3f1: {  	v21 =	vor.u32 v18, v28;
	v20 =	vld.idx.msk [tilespmem:v22+s4+$0x0], $0xffff  }
0x3f2: {  	v22 =	vor.u32 s17, v16;
	_ =	sdelay $0x3  }
0x3f3: {  	[tilespmem:v21+s12+$0x0] =	vst.idx.msk $0xffff, v20  }
0x3f4: {  	v21 =	vor.u32 v18, v29;
	v20 =	vld.idx.msk [tilespmem:v22+s4+$0x0], $0xffff  }
0x3f5: {  	v22 =	vor.u32 s17, v52;
	_ =	sdelay $0x3  }
0x3f6: {  	[tilespmem:v21+s12+$0x0] =	vst.idx.msk $0xffff, v20  }
0x3f7: {  	v21 =	vor.u32 v18, v30;
	v20 =	vld.idx.msk [tilespmem:v22+s4+$0x0], $0xffff  }
0x3f8: {  	v22 =	vor.u32 s17, v55;
	_ =	sdelay $0x3  }
0x3f9: {  	[tilespmem:v21+s12+$0x0] =	vst.idx.msk $0xffff, v20  }
0x3fa: {  	v21 =	vor.u32 v18, v31;
	v20 =	vld.idx.msk [tilespmem:v22+s4+$0x0], $0xffff  }
0x3fb: {  	v22 =	vor.u32 s17, v62;
	_ =	sdelay $0x3  }
0x3fc: {  	[tilespmem:v21+s12+$0x0] =	vst.idx.msk $0xffff, v20  }
0x3fd: {  	v21 =	vor.u32 v18, v32;
	v20 =	vld.idx.msk [tilespmem:v22+s4+$0x0], $0xffff  }
0x3fe: {  	v22 =	vor.u32 s17, v10;
	_ =	sdelay $0x3  }
0x3ff: {  	[tilespmem:v21+s12+$0x0] =	vst.idx.msk $0xffff, v20  }
0x400: {  	v21 =	vor.u32 v18, v33;
	v20 =	vld.idx.msk [tilespmem:v22+s4+$0x0], $0xffff  }
0x401: {  	v22 =	vor.u32 s17, v61;
	_ =	sdelay $0x3  }
0x402: {  	[tilespmem:v21+s12+$0x0] =	vst.idx.msk $0xffff, v20  }
0x403: {  	v21 =	vor.u32 v18, v34;
	v20 =	vld.idx.msk [tilespmem:v22+s4+$0x0], $0xffff;
	_ =	sdelay $0x4  }
0x404: {  	p1 =	sne.s32 s18, $0x70;
	v22 =	vor.u32 s17, v3;
	[tilespmem:v21+s12+$0x0] =	vst.idx.msk $0xffff, v20;
	v21 =	vld [tilespmem:$0x1FE50]  }
.Ltmp5:
0x405: {  	_ = 	snop;
	(pc) =	sbr.rel @p1 .LBB2_4-.Ltmp5, $4  }
0x406: {  	v38 =	vld [tilespmem:$0x1FAA0]  }
0x407: {  	v37 =	vld [tilespmem:$0x1FAB0]  }
0x408: {  	v36 =	vld [tilespmem:$0x1FAC0];
	s17 =	smov.u32 s18  }
0x409: {  	s18 =	sadd.s32 $0x10, s18;
	v20 =	vld.idx.msk [tilespmem:v22+s4+$0x0], $0xffff;
	v22 =	vor.u32 v18, v35;
	v21 =	vor.u32 s17, v21  }
0x40a: {  	_ =	sdelay $0x1  }
0x40b: {  	v23 =	vmov s17  }
0x40c: {  	v35 =	vshll.u32 v23, $0x7  }
0x40d: {  	[tilespmem:v22+s12+$0x0] =	vst.idx.msk $0xffff, v20;
	v20 =	vor.u32 v39, v35  }
0x40e: {  	v21 =	vld.idx.msk [tilespmem:v21+s4+$0x0], $0xffff;
	v22 =	vor.u32 v8, v20  }
0x40f: {  	v23 =	vor.u32 s17, v51;
	_ =	sdelay $0x3  }
0x410: {  	[tilespmem:v22+s12+$0x0] =	vst.idx.msk $0xffff, v21;
	v21 =	vor.u32 v50, v35  }
0x411: {  	v22 =	vld.idx.msk [tilespmem:v23+s4+$0x0], $0xffff;
	v23 =	vor.u32 v8, v21  }
0x412: {  	v24 =	vor.u32 s17, v63;
	_ =	sdelay $0x3  }
0x413: {  	v39 =	vor.u32 v49, v35;
	[tilespmem:v23+s12+$0x0] =	vst.idx.msk $0xffff, v22  }
0x414: {  	v23 =	vld.idx.msk [tilespmem:v24+s4+$0x0], $0xffff;
	v24 =	vor.u32 v8, v39  }
0x415: {  	v25 =	vor.u32 s17, v53;
	_ =	sdelay $0x3  }
0x416: {  	[tilespmem:v24+s12+$0x0] =	vst.idx.msk $0xffff, v23;
	v23 =	vor.u32 v48, v35  }
0x417: {  	v24 =	vld.idx.msk [tilespmem:v25+s4+$0x0], $0xffff;
	v25 =	vor.u32 v8, v23;
	_ =	sdelay $0x3  }
0x418: {  	v26 =	vor.u32 s17, v57  }
0x419: {  	[tilespmem:v25+s12+$0x0] =	vst.idx.msk $0xffff, v24;
	v24 =	vor.u32 v47, v35;
	v47 =	vld [tilespmem:$0x1FE60];
	_ =	sdelay $0x3  }
0x41a: {  	v25 =	vld.idx.msk [tilespmem:v26+s4+$0x0], $0xffff;
	v26 =	vor.u32 v8, v24  }
0x41b: {  	v27 =	vor.u32 s17, v47  }
0x41c: {  	v22 =	vld [tilespmem:$0x1FEB0];
	_ =	sdelay $0x2  }
0x41d: {  	[tilespmem:v26+s12+$0x0] =	vst.idx.msk $0xffff, v25;
	v25 =	vor.u32 v46, v35  }
0x41e: {  	v26 =	vld.idx.msk [tilespmem:v27+s4+$0x0], $0xffff;
	v27 =	vor.u32 v8, v25  }
0x41f: {  	v28 =	vor.u32 s17, v22;
	_ =	sdelay $0x3  }
0x420: {  	[tilespmem:v27+s12+$0x0] =	vst.idx.msk $0xffff, v26;
	v26 =	vor.u32 v45, v35;
	v45 =	vld [tilespmem:$0x1FEC0]  }
0x421: {  	v27 =	vld.idx.msk [tilespmem:v28+s4+$0x0], $0xffff;
	v34 =	vor.u32 v8, v26;
	_ =	sdelay $0x3  }
0x422: {  	v29 =	vor.u32 s17, v45  }
0x423: {  	[tilespmem:v34+s12+$0x0] =	vst.idx.msk $0xffff, v27;
	v27 =	vor.u32 v44, v35;
	v44 =	vld [tilespmem:$0x1FE90];
	_ =	sdelay $0x3  }
0x424: {  	v48 =	vor.u32 v8, v27;
	v28 =	vld.idx.msk [tilespmem:v29+s4+$0x0], $0xffff  }
0x425: {  	v30 =	vor.u32 s17, v44  }
0x426: {  	v50 =	vld [tilespmem:$0x1FE80];
	_ =	sdelay $0x2  }
0x427: {  	v22 =	vor.u32 v43, v35;
	[tilespmem:v48+s12+$0x0] =	vst.idx.msk $0xffff, v28  }
0x428: {  	v49 =	vor.u32 v8, v22;
	v29 =	vld.idx.msk [tilespmem:v30+s4+$0x0], $0xffff  }
0x429: {  	v31 =	vor.u32 s17, v50;
	_ =	sdelay $0x3  }
0x42a: {  	[tilespmem:v49+s12+$0x0] =	vst.idx.msk $0xffff, v29;
	v29 =	vor.u32 v7, v35  }
0x42b: {  	v30 =	vld.idx.msk [tilespmem:v31+s4+$0x0], $0xffff;
	v51 =	vor.u32 v8, v29  }
0x42c: {  	v32 =	vor.u32 s17, v5;
	_ =	sdelay $0x3  }
0x42d: {  	[tilespmem:v51+s12+$0x0] =	vst.idx.msk $0xffff, v30;
	v30 =	vor.u32 v41, v35  }
0x42e: {  	v31 =	vld.idx.msk [tilespmem:v32+s4+$0x0], $0xffff;
	v53 =	vor.u32 v8, v30  }
0x42f: {  	v33 =	vor.u32 s17, v40;
	_ =	sdelay $0x3  }
0x430: {  	[tilespmem:v53+s12+$0x0] =	vst.idx.msk $0xffff, v31;
	v31 =	vor.u32 v59, v35  }
0x431: {  	v32 =	vld.idx.msk [tilespmem:v33+s4+$0x0], $0xffff;
	v57 =	vor.u32 v8, v31  }
0x432: {  	v34 =	vor.u32 s17, v11;
	_ =	sdelay $0x3  }
0x433: {  	[tilespmem:v57+s12+$0x0] =	vst.idx.msk $0xffff, v32;
	v32 =	vor.u32 v36, v35  }
0x434: {  	v33 =	vld.idx.msk [tilespmem:v34+s4+$0x0], $0xffff;
	v59 =	vor.u32 v8, v32  }
0x435: {  	v28 =	vor.u32 s17, v0;
	_ =	sdelay $0x3  }
0x436: {  	[tilespmem:v59+s12+$0x0] =	vst.idx.msk $0xffff, v33;
	v33 =	vor.u32 v37, v35  }
0x437: {  	v34 =	vld.idx.msk [tilespmem:v28+s4+$0x0], $0xffff;
	v41 =	vor.u32 v8, v33  }
0x438: {  	v42 =	vor.u32 s17, v42;
	_ =	sdelay $0x3  }
0x439: {  	[tilespmem:v41+s12+$0x0] =	vst.idx.msk $0xffff, v34;
	v34 =	vor.u32 v38, v35  }
0x43a: {  	v36 =	vld.idx.msk [tilespmem:v42+s4+$0x0], $0xffff;
	v43 =	vor.u32 v8, v34  }
0x43b: {  	v46 =	vor.u32 s17, v54;
	_ =	sdelay $0x3  }
0x43c: {  	v35 =	vor.u32 v60, v35;
	[tilespmem:v43+s12+$0x0] =	vst.idx.msk $0xffff, v36  }
0x43d: {  	v48 =	vor.u32 v8, v35;
	v36 =	vld.idx.msk [tilespmem:v46+s4+$0x0], $0xffff  }
0x43e: {  	v49 =	vor.u32 s17, v13  }
0x43f: {  	v0 =	vld [tilespmem:$0x1FBC0];
	_ =	sdelay $0x2  }
0x440: {  	[tilespmem:v48+s12+$0x0] =	vst.idx.msk $0xffff, v36  }
0x441: {  	v50 =	vor.u32 v15, v20;
	v36 =	vld.idx.msk [tilespmem:v49+s4+$0x0], $0xffff  }
0x442: {  	v51 =	vor.u32 s17, v0  }
0x443: {  	v0 =	vld [tilespmem:$0x1FBD0];
	_ =	sdelay $0x2  }
0x444: {  	[tilespmem:v50+s12+$0x0] =	vst.idx.msk $0xffff, v36  }
0x445: {  	v53 =	vor.u32 v15, v21;
	v36 =	vld.idx.msk [tilespmem:v51+s4+$0x0], $0xffff  }
0x446: {  	v57 =	vor.u32 s17, v0  }
0x447: {  	v0 =	vld [tilespmem:$0x1FBE0];
	_ =	sdelay $0x2  }
0x448: {  	[tilespmem:v53+s12+$0x0] =	vst.idx.msk $0xffff, v36  }
0x449: {  	v59 =	vor.u32 v15, v39;
	v36 =	vld.idx.msk [tilespmem:v57+s4+$0x0], $0xffff  }
0x44a: {  	v60 =	vor.u32 s17, v0  }
0x44b: {  	v0 =	vld [tilespmem:$0x1FBF0];
	_ =	sdelay $0x2  }
0x44c: {  	[tilespmem:v59+s12+$0x0] =	vst.idx.msk $0xffff, v36  }
0x44d: {  	v28 =	vor.u32 v15, v23;
	v36 =	vld.idx.msk [tilespmem:v60+s4+$0x0], $0xffff  }
0x44e: {  	v41 =	vor.u32 s17, v0  }
0x44f: {  	v0 =	vld [tilespmem:$0x1FC00];
	_ =	sdelay $0x2  }
0x450: {  	[tilespmem:v28+s12+$0x0] =	vst.idx.msk $0xffff, v36  }
0x451: {  	v42 =	vor.u32 v15, v24;
	v36 =	vld.idx.msk [tilespmem:v41+s4+$0x0], $0xffff  }
0x452: {  	v43 =	vor.u32 s17, v0  }
0x453: {  	v0 =	vld [tilespmem:$0x1FC10];
	_ =	sdelay $0x2  }
0x454: {  	[tilespmem:v42+s12+$0x0] =	vst.idx.msk $0xffff, v36  }
0x455: {  	v46 =	vor.u32 v15, v25;
	v36 =	vld.idx.msk [tilespmem:v43+s4+$0x0], $0xffff  }
0x456: {  	v48 =	vor.u32 s17, v0  }
0x457: {  	v0 =	vld [tilespmem:$0x1FC20];
	_ =	sdelay $0x2  }
0x458: {  	[tilespmem:v46+s12+$0x0] =	vst.idx.msk $0xffff, v36  }
0x459: {  	v49 =	vor.u32 v15, v26;
	v36 =	vld.idx.msk [tilespmem:v48+s4+$0x0], $0xffff  }
0x45a: {  	v50 =	vor.u32 s17, v0  }
0x45b: {  	v0 =	vld [tilespmem:$0x1FC30];
	_ =	sdelay $0x2  }
0x45c: {  	[tilespmem:v49+s12+$0x0] =	vst.idx.msk $0xffff, v36  }
0x45d: {  	v51 =	vor.u32 v15, v27;
	v36 =	vld.idx.msk [tilespmem:v50+s4+$0x0], $0xffff  }
0x45e: {  	v53 =	vor.u32 s17, v0  }
0x45f: {  	v0 =	vld [tilespmem:$0x1FC40];
	_ =	sdelay $0x2  }
0x460: {  	[tilespmem:v51+s12+$0x0] =	vst.idx.msk $0xffff, v36  }
0x461: {  	v57 =	vor.u32 v15, v22;
	v36 =	vld.idx.msk [tilespmem:v53+s4+$0x0], $0xffff  }
0x462: {  	v59 =	vor.u32 s17, v0  }
0x463: {  	v0 =	vld [tilespmem:$0x1FC50];
	_ =	sdelay $0x2  }
0x464: {  	[tilespmem:v57+s12+$0x0] =	vst.idx.msk $0xffff, v36  }
0x465: {  	v60 =	vor.u32 v15, v29;
	v36 =	vld.idx.msk [tilespmem:v59+s4+$0x0], $0xffff  }
0x466: {  	v28 =	vor.u32 s17, v0  }
0x467: {  	v0 =	vld [tilespmem:$0x1FC60];
	_ =	sdelay $0x2  }
0x468: {  	[tilespmem:v60+s12+$0x0] =	vst.idx.msk $0xffff, v36  }
0x469: {  	v41 =	vor.u32 v15, v30;
	v36 =	vld.idx.msk [tilespmem:v28+s4+$0x0], $0xffff  }
0x46a: {  	v42 =	vor.u32 s17, v0  }
0x46b: {  	v57 =	vld [tilespmem:$0x1FDC0];
	_ =	sdelay $0x2  }
0x46c: {  	[tilespmem:v41+s12+$0x0] =	vst.idx.msk $0xffff, v36  }
0x46d: {  	v43 =	vor.u32 v15, v31;
	v36 =	vld.idx.msk [tilespmem:v42+s4+$0x0], $0xffff  }
0x46e: {  	v46 =	vor.u32 s17, v57  }
0x46f: {  	v0 =	vld [tilespmem:$0x1FC70];
	_ =	sdelay $0x2  }
0x470: {  	[tilespmem:v43+s12+$0x0] =	vst.idx.msk $0xffff, v36  }
0x471: {  	v48 =	vor.u32 v15, v32;
	v36 =	vld.idx.msk [tilespmem:v46+s4+$0x0], $0xffff  }
0x472: {  	v49 =	vor.u32 s17, v0  }
0x473: {  	v54 =	vmov v13;
	v13 =	vld [tilespmem:$0x1FDD0];
	_ =	sdelay $0x2  }
0x474: {  	[tilespmem:v48+s12+$0x0] =	vst.idx.msk $0xffff, v36  }
0x475: {  	v50 =	vor.u32 v15, v33;
	v36 =	vld.idx.msk [tilespmem:v49+s4+$0x0], $0xffff  }
0x476: {  	v51 =	vor.u32 s17, v13  }
0x477: {  	v43 =	vld [tilespmem:$0x1FD80];
	_ =	sdelay $0x2  }
0x478: {  	[tilespmem:v50+s12+$0x0] =	vst.idx.msk $0xffff, v36  }
0x479: {  	v53 =	vor.u32 v15, v34;
	v36 =	vld.idx.msk [tilespmem:v51+s4+$0x0], $0xffff  }
0x47a: {  	v59 =	vor.u32 s17, v43;
	_ =	sdelay $0x3  }
0x47b: {  	[tilespmem:v53+s12+$0x0] =	vst.idx.msk $0xffff, v36  }
0x47c: {  	v60 =	vor.u32 v15, v35;
	v36 =	vld.idx.msk [tilespmem:v59+s4+$0x0], $0xffff  }
0x47d: {  	v28 =	vor.u32 s17, v14  }
0x47e: {  	v11 =	vld [tilespmem:$0x1FE00];
	_ =	sdelay $0x2  }
0x47f: {  	[tilespmem:v60+s12+$0x0] =	vst.idx.msk $0xffff, v36  }
0x480: {  	v41 =	vor.u32 v17, v20;
	v36 =	vld.idx.msk [tilespmem:v28+s4+$0x0], $0xffff  }
0x481: {  	v42 =	vor.u32 s17, v11  }
0x482: {  	v48 =	vld [tilespmem:$0x1FD60];
	_ =	sdelay $0x2  }
0x483: {  	[tilespmem:v41+s12+$0x0] =	vst.idx.msk $0xffff, v36  }
0x484: {  	v46 =	vor.u32 v17, v21;
	v36 =	vld.idx.msk [tilespmem:v42+s4+$0x0], $0xffff  }
0x485: {  	v49 =	vor.u32 s17, v48  }
0x486: {  	v51 =	vld [tilespmem:$0x1FDB0];
	_ =	sdelay $0x2  }
0x487: {  	[tilespmem:v46+s12+$0x0] =	vst.idx.msk $0xffff, v36  }
0x488: {  	v50 =	vor.u32 v17, v39;
	v36 =	vld.idx.msk [tilespmem:v49+s4+$0x0], $0xffff  }
0x489: {  	v53 =	vor.u32 s17, v51  }
0x48a: {  	v14 =	vld [tilespmem:$0x1FD90];
	_ =	sdelay $0x2  }
0x48b: {  	[tilespmem:v50+s12+$0x0] =	vst.idx.msk $0xffff, v36  }
0x48c: {  	v59 =	vor.u32 v17, v23;
	v36 =	vld.idx.msk [tilespmem:v53+s4+$0x0], $0xffff  }
0x48d: {  	v60 =	vor.u32 s17, v14  }
0x48e: {  	v38 =	vld [tilespmem:$0x1FE40];
	_ =	sdelay $0x2  }
0x48f: {  	[tilespmem:v59+s12+$0x0] =	vst.idx.msk $0xffff, v36  }
0x490: {  	v28 =	vor.u32 v17, v24;
	v36 =	vld.idx.msk [tilespmem:v60+s4+$0x0], $0xffff  }
0x491: {  	v41 =	vor.u32 s17, v38  }
0x492: {  	v46 =	vld [tilespmem:$0x1FE10];
	_ =	sdelay $0x2  }
0x493: {  	[tilespmem:v28+s12+$0x0] =	vst.idx.msk $0xffff, v36  }
0x494: {  	v42 =	vor.u32 v17, v25;
	v36 =	vld.idx.msk [tilespmem:v41+s4+$0x0], $0xffff  }
0x495: {  	v51 =	vor.u32 s17, v46  }
0x496: {  	v59 =	vld [tilespmem:$0x1FD50];
	_ =	sdelay $0x2  }
0x497: {  	[tilespmem:v42+s12+$0x0] =	vst.idx.msk $0xffff, v36  }
0x498: {  	v53 =	vor.u32 v17, v26;
	v36 =	vld.idx.msk [tilespmem:v51+s4+$0x0], $0xffff  }
0x499: {  	v60 =	vor.u32 s17, v59  }
0x49a: {  	v38 =	vld [tilespmem:$0x1FDA0];
	_ =	sdelay $0x2  }
0x49b: {  	[tilespmem:v53+s12+$0x0] =	vst.idx.msk $0xffff, v36  }
0x49c: {  	v28 =	vor.u32 v17, v27;
	v36 =	vld.idx.msk [tilespmem:v60+s4+$0x0], $0xffff  }
0x49d: {  	v41 =	vor.u32 s17, v38  }
0x49e: {  	v5 =	vld [tilespmem:$0x1FDF0];
	_ =	sdelay $0x2  }
0x49f: {  	[tilespmem:v28+s12+$0x0] =	vst.idx.msk $0xffff, v36  }
0x4a0: {  	v42 =	vor.u32 v17, v22;
	v36 =	vld.idx.msk [tilespmem:v41+s4+$0x0], $0xffff  }
0x4a1: {  	v46 =	vor.u32 s17, v5  }
0x4a2: {  	v49 =	vld [tilespmem:$0x1FD70];
	_ =	sdelay $0x2  }
0x4a3: {  	[tilespmem:v42+s12+$0x0] =	vst.idx.msk $0xffff, v36  }
0x4a4: {  	v48 =	vor.u32 v17, v29;
	v36 =	vld.idx.msk [tilespmem:v46+s4+$0x0], $0xffff  }
0x4a5: {  	v50 =	vor.u32 s17, v49  }
0x4a6: {  	v0 =	vld [tilespmem:$0x1FEA0];
	_ =	sdelay $0x2  }
0x4a7: {  	[tilespmem:v48+s12+$0x0] =	vst.idx.msk $0xffff, v36  }
0x4a8: {  	v51 =	vor.u32 v17, v30;
	v36 =	vld.idx.msk [tilespmem:v50+s4+$0x0], $0xffff  }
0x4a9: {  	v53 =	vor.u32 s17, v0  }
0x4aa: {  	v7 =	vld [tilespmem:$0x1FE70];
	_ =	sdelay $0x2  }
0x4ab: {  	[tilespmem:v51+s12+$0x0] =	vst.idx.msk $0xffff, v36  }
0x4ac: {  	v59 =	vor.u32 v17, v31;
	v36 =	vld.idx.msk [tilespmem:v53+s4+$0x0], $0xffff  }
0x4ad: {  	v60 =	vor.u32 s17, v7  }
0x4ae: {  	v38 =	vld [tilespmem:$0x1FE20];
	_ =	sdelay $0x2  }
0x4af: {  	[tilespmem:v59+s12+$0x0] =	vst.idx.msk $0xffff, v36  }
0x4b0: {  	v28 =	vor.u32 v17, v32;
	v36 =	vld.idx.msk [tilespmem:v60+s4+$0x0], $0xffff  }
0x4b1: {  	v41 =	vor.u32 s17, v38  }
0x4b2: {  	v46 =	vld [tilespmem:$0x1FE30];
	_ =	sdelay $0x2  }
0x4b3: {  	[tilespmem:v28+s12+$0x0] =	vst.idx.msk $0xffff, v36  }
0x4b4: {  	v42 =	vor.u32 v17, v33;
	v36 =	vld.idx.msk [tilespmem:v41+s4+$0x0], $0xffff  }
0x4b5: {  	v48 =	vor.u32 s17, v46  }
0x4b6: {  	v50 =	vld [tilespmem:$0x1FDE0];
	_ =	sdelay $0x2  }
0x4b7: {  	[tilespmem:v42+s12+$0x0] =	vst.idx.msk $0xffff, v36  }
0x4b8: {  	v49 =	vor.u32 v17, v34;
	v36 =	vld.idx.msk [tilespmem:v48+s4+$0x0], $0xffff  }
0x4b9: {  	v51 =	vor.u32 s17, v50;
	_ =	sdelay $0x3  }
0x4ba: {  	[tilespmem:v49+s12+$0x0] =	vst.idx.msk $0xffff, v36  }
0x4bb: {  	v53 =	vor.u32 v17, v35;
	v36 =	vld.idx.msk [tilespmem:v51+s4+$0x0], $0xffff  }
0x4bc: {  	v59 =	vor.u32 s17, v58;
	_ =	sdelay $0x3  }
0x4bd: {  	[tilespmem:v53+s12+$0x0] =	vst.idx.msk $0xffff, v36  }
0x4be: {  	v20 =	vor.u32 v18, v20;
	v37 =	vld.idx.msk [tilespmem:v59+s4+$0x0], $0xffff  }
0x4bf: {  	v60 =	vor.u32 s17, v4;
	_ =	sdelay $0x3  }
0x4c0: {  	[tilespmem:v20+s12+$0x0] =	vst.idx.msk $0xffff, v37  }
0x4c1: {  	v20 =	vor.u32 v18, v21;
	v36 =	vld.idx.msk [tilespmem:v60+s4+$0x0], $0xffff  }
0x4c2: {  	v21 =	vor.u32 s17, v19;
	_ =	sdelay $0x3  }
0x4c3: {  	[tilespmem:v20+s12+$0x0] =	vst.idx.msk $0xffff, v36  }
0x4c4: {  	v20 =	vor.u32 v18, v39;
	v19 =	vld.idx.msk [tilespmem:v21+s4+$0x0], $0xffff  }
0x4c5: {  	v21 =	vor.u32 s17, v12;
	_ =	sdelay $0x3  }
0x4c6: {  	[tilespmem:v20+s12+$0x0] =	vst.idx.msk $0xffff, v19  }
0x4c7: {  	v20 =	vor.u32 v18, v23;
	v19 =	vld.idx.msk [tilespmem:v21+s4+$0x0], $0xffff  }
0x4c8: {  	v21 =	vor.u32 s17, v1;
	_ =	sdelay $0x3  }
0x4c9: {  	[tilespmem:v20+s12+$0x0] =	vst.idx.msk $0xffff, v19  }
0x4ca: {  	v20 =	vor.u32 v18, v24;
	v19 =	vld.idx.msk [tilespmem:v21+s4+$0x0], $0xffff  }
0x4cb: {  	v21 =	vor.u32 s17, v56;
	_ =	sdelay $0x3  }
0x4cc: {  	[tilespmem:v20+s12+$0x0] =	vst.idx.msk $0xffff, v19  }
0x4cd: {  	v20 =	vor.u32 v18, v25;
	v19 =	vld.idx.msk [tilespmem:v21+s4+$0x0], $0xffff  }
0x4ce: {  	v21 =	vor.u32 s17, v6;
	_ =	sdelay $0x3  }
0x4cf: {  	[tilespmem:v20+s12+$0x0] =	vst.idx.msk $0xffff, v19  }
0x4d0: {  	v20 =	vor.u32 v18, v26;
	v19 =	vld.idx.msk [tilespmem:v21+s4+$0x0], $0xffff  }
0x4d1: {  	v21 =	vor.u32 s17, v9;
	_ =	sdelay $0x3  }
0x4d2: {  	[tilespmem:v20+s12+$0x0] =	vst.idx.msk $0xffff, v19  }
0x4d3: {  	v20 =	vor.u32 v18, v27;
	v19 =	vld.idx.msk [tilespmem:v21+s4+$0x0], $0xffff  }
0x4d4: {  	v21 =	vor.u32 s17, v2;
	_ =	sdelay $0x3  }
0x4d5: {  	[tilespmem:v20+s12+$0x0] =	vst.idx.msk $0xffff, v19  }
0x4d6: {  	v20 =	vor.u32 v18, v22;
	v19 =	vld.idx.msk [tilespmem:v21+s4+$0x0], $0xffff  }
0x4d7: {  	v21 =	vor.u32 s17, v16;
	_ =	sdelay $0x3  }
0x4d8: {  	[tilespmem:v20+s12+$0x0] =	vst.idx.msk $0xffff, v19  }
0x4d9: {  	v20 =	vor.u32 v18, v29;
	v19 =	vld.idx.msk [tilespmem:v21+s4+$0x0], $0xffff  }
0x4da: {  	v21 =	vor.u32 s17, v52;
	_ =	sdelay $0x3  }
0x4db: {  	[tilespmem:v20+s12+$0x0] =	vst.idx.msk $0xffff, v19  }
0x4dc: {  	v20 =	vor.u32 v18, v30;
	v19 =	vld.idx.msk [tilespmem:v21+s4+$0x0], $0xffff  }
0x4dd: {  	v21 =	vor.u32 s17, v55;
	_ =	sdelay $0x3  }
0x4de: {  	[tilespmem:v20+s12+$0x0] =	vst.idx.msk $0xffff, v19  }
0x4df: {  	v20 =	vor.u32 v18, v31;
	v19 =	vld.idx.msk [tilespmem:v21+s4+$0x0], $0xffff  }
0x4e0: {  	v21 =	vor.u32 s17, v62;
	_ =	sdelay $0x3  }
0x4e1: {  	[tilespmem:v20+s12+$0x0] =	vst.idx.msk $0xffff, v19  }
0x4e2: {  	v20 =	vor.u32 v18, v32;
	v19 =	vld.idx.msk [tilespmem:v21+s4+$0x0], $0xffff  }
0x4e3: {  	v21 =	vor.u32 s17, v10;
	_ =	sdelay $0x3  }
0x4e4: {  	[tilespmem:v20+s12+$0x0] =	vst.idx.msk $0xffff, v19  }
0x4e5: {  	v20 =	vor.u32 v18, v33;
	v19 =	vld.idx.msk [tilespmem:v21+s4+$0x0], $0xffff  }
0x4e6: {  	v21 =	vor.u32 s17, v61;
	_ =	sdelay $0x3  }
0x4e7: {  	[tilespmem:v20+s12+$0x0] =	vst.idx.msk $0xffff, v19  }
0x4e8: {  	v20 =	vor.u32 v18, v34;
	v19 =	vld.idx.msk [tilespmem:v21+s4+$0x0], $0xffff  }
0x4e9: {  	v21 =	vor.u32 s17, v3;
	_ =	sdelay $0x3  }
0x4ea: {  	[tilespmem:v20+s12+$0x0] =	vst.idx.msk $0xffff, v19  }
0x4eb: {  	v18 =	vor.u32 v18, v35;
	v19 =	vld.idx.msk [tilespmem:v21+s4+$0x0], $0xffff;
	_ =	sdelay $0x3  }
0x4ec: {  	s16 =	sshll.u32 s16, $0xB  }
0x4ed: {  	s16 =	sadd.s32 s5, s16;
	[tilespmem:v18+s12+$0x0] =	vst.idx.msk $0xffff, v19  }
0x4ee: {  	[hbm4b:s16+s4] =	stream.linear.scatter [tilespmem:s12], [sflag:$0x1], $0x4000, $0x38;
	[tilespmem:$0x6000] =	vst v63  }
0x4ef: {  	_ =	swait.ge [sflag:s13], $0x4000  }
0x4f0: {  	v3 =	vld [tilespmem:$0x1FEE0]  }
0x4f1: {  	v21 =	vld [tilespmem:$0x1FEB0]  }
0x4f2: {  	v24 =	vld [tilespmem:$0x1FE80]  }
.Ltmp6:
0x4f3: {  	v25 =	vld [tilespmem:$0x1FEF0];
	(pc) =	sbr.rel .LBB2_6-.Ltmp6, $4  }
0x4f4: {  	v55 =	vld [tilespmem:$0x1FF00]  }
0x4f5: {  	v9 =	vld [tilespmem:$0x1FF10]  }
0x4f6: {  	v12 =	vmovc v13;
	v23 =	vmov v44;
	v26 =	vmov v40;
	v22 =	vmov v45;
	[sflag:s13] =	ssyncset.done $0x0;
	v38 =	vld [tilespmem:$0x1FE50]  }
0x4f7: {  	v45 =	vmovc v0;
	v35 =	vmovc v54;
	v20 =	vmov v11;
	v18 =	vmov v63;
	v19 =	vmov v47;
	v39 =	vld [tilespmem:$0x1FED0];
	[sflag:s13] =	ssyncadd.s32 $0xFFFFC000  }
.LBB2_8:
0x4f8: {  	_ =	sfence.sel $0x180000  }
0x4f9: {  	[bflag:$0x0] =	sbarrier.arrive $0xFFFF  }
0x4fa: {  	p0 =	sne.s32 s3, $0x0;
	_ =	strace $0x90000047  }
0x4fb: {  	s0 =	sadd.s32 @!p0 $0x100000, s2;
	[bflag:$0x2] =	sbarrier.arrive $0xFFFF  }
0x4fc: {  	[sflag:s0] =	ssyncadd.tile.s32 @!p0 $0x1;
	_ =	shalt  }
.Lfunc_end2:
_tile_overlayer_lowered:
.L_overlay_start_2:
0x4fd: {  	(tag) =	ssettag $0x2  }
0x4fe: {  	s0 =	rddreg [dreg:$0x0];
	s2 =	stileid.u32  }
0x4ff: {  	s1 =	rddreg [dreg:$0x1];
	p0 =	sne.s32 s2, $0x0  }
0x500: {  	s3 =	rddreg [dreg:$0x2];
	[bflag:$0x3] =	sbarrier.arrive $0xFFFF;
	s2 =	simm.s32 @!p0 $0x1C01  }
0x501: {  	[timem:s3], [sflag:s2] =	dma.local @!p0 [hbm:s0], s1  }
0x502: {  	s0 =	simm.s32 @!p0 $0x1  }
0x503: {  	_ =	swait.ge @!p0 [sflag:s0], s1  }
0x504: {  	s1 =	ssub.s32 @!p0 $0x0, s1;
	[sflag:s0] =	ssyncset.done @!p0 $0x0  }
0x505: {  	[sflag:s0] =	ssyncadd.s32 @!p0 s1  }
0x506: {  	[bflag:$0x3] =	sbarrier.arrive $0xFFFF  }
0x507: {  	_ =	shalt  }

// kernel: kernel.7.cloned.1.call-start
scs
__scs_entry_jumppad:
0x0: {  	(pc) =	sbr.rel $0x88, $3  }
0x1: {  	(tag) =	ssettag $0x0;
	lr =	simm.s32 $0x1  }
0x2: {  	[smem:$0x3F9C] =	sst lr;
	_ =	strace $0xD0000000  }
0x3: {  	_ = 	snop  }
0x4: {  	_ = 	snop  }
0x5: {  	_ = 	snop  }
0x6: {  	_ = 	snop  }
0x7: {  	_ = 	snop  }
__scs_overlays_trampoline_lowered:
0x8: {  	[smem:$0x3FAB] =	sst s0  }
0x9: {  	[smem:$0x3FAC] =	sst s1  }
0xa: {  	[smem:$0x3FAD] =	sst s2  }
0xb: {  	[smem:$0x3FAE] =	sst s3  }
0xc: {  	[smem:$0x3FAF] =	sst s4  }
0xd: {  	[smem:$0x3FB0] =	sst s5  }
0xe: {  	[smem:$0x3FB1] =	sst s6  }
0xf: {  	[smem:$0x3FB2] =	sst s7  }
0x10: {  	[smem:$0x3FB3] =	sst s8  }
0x11: {  	[smem:$0x3FB4] =	sst s9;
	s0 =	simm.s32 @!p0 $0x0  }
0x12: {  	s1 =	sld [smem:$0x3F9A];
	s0 =	simm.s32 @p0 $0x1  }
0x13: {  	[smem:$0x3FB5] =	sst s0;
	s0 =	simm.s32 @!p1 $0x0  }
0x14: {  	s2 =	sld [smem:$0x3F99];
	s0 =	simm.s32 @p1 $0x1  }
0x15: {  	[smem:$0x3FB6] =	sst s0;
	s0 =	simm.s32 @!p2 $0x0  }
0x16: {  	s3 =	sld [smem:$0x3FDB];
	s0 =	simm.s32 @p2 $0x1  }
0x17: {  	s4 =	simm.s32 $0x1BF5;
	[smem:$0x3FB8] =	sst s0  }
0x18: {  	s0 =	sld [smem:$0x3F9B];
	_ =	swait.ge [sflag:s4], $0x0  }
0x19: {  	s7 =	sld [smem:$0x3F9C]  }
0x1a: {  	s8 =	sadd.s32 $0xFFFFE003, lr  }
0x1b: {  	s9 =	sadd.s32 $0xFFFFFEF7, lr;
	s5 =	simm.s32 $0xFFFFFFFF;
	p2 =	slt.u32 s8, $0xFFFFF086  }
0x1c: {  	p1 =	slt.u32 s9, $0xF7A;
	s5 =	simm.s32 @!p2 $0x0  }
0x1d: {  	s5 =	simm.s32 @p1 $0x1;
	p0 =	seq.s32 s7, s2  }
0x1e: {  	s7 =	smul.u32 @!p0 $0xF7A, s2;
	p2 =	seq.s32 @!p0 s5, $0x0  }
0x1f: {  	s9 =	smul.u32 $0xF7A, s1;
	s8 =	simm.s32 @!p0 $0x1BF5;
	p2 =	por !p2, p0  }
0x20: {  	[sflag:s8] =	ssyncset.s32 @!p0 $0xFFFFF086;
	s6 =	sadd.s32 @!p0 s3, s7;
	s7 =	simm.s32 @!p0 $0x108  }
0x21: {  	s3 =	sadd.s32 s3, s9;
	s6 =	sadd.s32 @!p0 $0x88, s6;
	s7 =	simm.s32 @p2 $0x1082  }
0x22: {  	[simem:s7], [sflag:s8] =	dma.local @!p0 [hbm:s6], $0xF7A  }
0x23: {  	s9 =	sor.u32 $0xD0000000, s2;
	s6 =	simm.s32 $0x108;
	_ =	swait.ge @!p0 [sflag:s8], $0x0  }
0x24: {  	s3 =	sadd.s32 $0x88, s3;
	s6 =	simm.s32 @!p1 $0x1082;
	[sflag:s4] =	ssyncset.s32 $0xFFFFF086  }
0x25: {  	[simem:s6], [sflag:s4] =	dma.local [hbm:s3], $0xF7A  }
0x26: {  	[smem:$0x3F9C] =	sst s1;
	(tag) =	ssettag s2;
	_ =	strace s9  }
0x27: {  	s1 =	sld [smem:$0x3FAC]  }
0x28: {  	s2 =	sld [smem:$0x3FAD]  }
0x29: {  	s4 =	sld [smem:$0x3FAF]  }
0x2a: {  	p0 =	seq.s32 s5, $0x0;
	s5 =	sld [smem:$0x3FB0]  }
0x2b: {  	s6 =	sld [smem:$0x3FB1]  }
0x2c: {  	s7 =	sld [smem:$0x3FB2]  }
0x2d: {  	s3 =	simm.s32 $0x108;
	s8 =	sld [smem:$0x3FB3]  }
0x2e: {  	s3 =	simm.s32 @!p0 $0x1082;
	s9 =	sld [smem:$0x3FB4]  }
0x2f: {  	lr =	sadd.s32 s0, s3;
	s0 =	sld [smem:$0x3FAB]  }
0x30: {  	s3 =	sld [smem:$0x3FAE]  }
0x31: {  	[smem:$0x3FB7] =	sst s10  }
0x32: {  	s10 =	sld [smem:$0x3FB5];
	_ =	sdelay $0x3  }
0x33: {  	p0 =	seq.s32 s10, $0x1;
	s10 =	sld [smem:$0x3FB7];
	_ =	sdelay $0x3  }
0x34: {  	[smem:$0x3FB7] =	sst s10  }
0x35: {  	s10 =	sld [smem:$0x3FB6];
	_ =	sdelay $0x3  }
0x36: {  	p1 =	seq.s32 s10, $0x1;
	s10 =	sld [smem:$0x3FB7];
	_ =	sdelay $0x3  }
0x37: {  	[smem:$0x3FB7] =	sst s10  }
0x38: {  	s10 =	sld [smem:$0x3FB8]  }
0x39: {  	_ = 	snop;
	(pc) =	sbr.ind lr, $3  }
0x3a: {  	_ = 	snop  }
0x3b: {  	_ = 	snop  }
0x3c: {  	p2 =	seq.s32 s10, $0x1;
	s10 =	sld [smem:$0x3FB7]  }
0x3d: {  	_ =	shalt  }
0x3e: {  	_ =	shalt  }
0x3f: {  	_ =	shalt  }
0x40: {  	_ =	shalt  }
0x41: {  	_ =	shalt  }
0x42: {  	_ =	shalt  }
0x43: {  	_ =	shalt  }
0x44: {  	_ =	shalt  }
0x45: {  	_ =	shalt  }
0x46: {  	_ =	shalt  }
0x47: {  	_ =	shalt  }
0x48: {  	_ =	shalt  }
0x49: {  	_ =	shalt  }
0x4a: {  	_ =	shalt  }
0x4b: {  	_ =	shalt  }
0x4c: {  	_ =	shalt  }
0x4d: {  	_ =	shalt  }
0x4e: {  	_ =	shalt  }
0x4f: {  	_ =	shalt  }
0x50: {  	_ =	shalt  }
0x51: {  	_ =	shalt  }
0x52: {  	_ =	shalt  }
0x53: {  	_ =	shalt  }
0x54: {  	_ =	shalt  }
0x55: {  	_ =	shalt  }
0x56: {  	_ =	shalt  }
0x57: {  	_ =	shalt  }
0x58: {  	_ =	shalt  }
0x59: {  	_ =	shalt  }
0x5a: {  	_ =	shalt  }
0x5b: {  	_ =	shalt  }
0x5c: {  	_ =	shalt  }
0x5d: {  	_ =	shalt  }
0x5e: {  	_ =	shalt  }
0x5f: {  	_ =	shalt  }
0x60: {  	_ =	shalt  }
0x61: {  	_ =	shalt  }
0x62: {  	_ =	shalt  }
0x63: {  	_ =	shalt  }
0x64: {  	_ =	shalt  }
0x65: {  	_ =	shalt  }
0x66: {  	_ =	shalt  }
0x67: {  	_ =	shalt  }
0x68: {  	_ =	shalt  }
0x69: {  	_ =	shalt  }
0x6a: {  	_ =	shalt  }
0x6b: {  	_ =	shalt  }
0x6c: {  	_ =	shalt  }
0x6d: {  	_ =	shalt  }
0x6e: {  	_ =	shalt  }
0x6f: {  	_ =	shalt  }
0x70: {  	_ =	shalt  }
0x71: {  	_ =	shalt  }
0x72: {  	_ =	shalt  }
0x73: {  	_ =	shalt  }
0x74: {  	_ =	shalt  }
0x75: {  	_ =	shalt  }
0x76: {  	_ =	shalt  }
0x77: {  	_ =	shalt  }
0x78: {  	_ =	shalt  }
0x79: {  	_ =	shalt  }
0x7a: {  	_ =	shalt  }
0x7b: {  	_ =	shalt  }
0x7c: {  	_ =	shalt  }
0x7d: {  	_ =	shalt  }
0x7e: {  	_ =	shalt  }
0x7f: {  	_ =	shalt  }
0x80: {  	_ =	shalt  }
0x81: {  	_ =	shalt  }
0x82: {  	_ =	shalt  }
0x83: {  	_ =	shalt  }
0x84: {  	_ =	shalt  }
0x85: {  	_ =	shalt  }
0x86: {  	_ =	shalt  }
0x87: {  	_ =	shalt  }
.Lfunc_end0:
.L_simem_size_0:
called_computation.1_lowered:
.L_overlay_start_0:
0x88: {  	s2 =	sld [smem:$0x3FD9]  }
0x89: {  	s3 =	sld [smem:$0x3FFE];
	_ =	sdelay $0x1  }
0x8a: {  	s1 =	srdreg.scid  }
0x8b: {  	s0 =	sand.u32 $0x1, s1  }
0x8c: {  	s17 =	sshll.u32 s0, $0xA;
	s2 =	sadd.s32 s3, s2  }
0x8d: {  	s2 =	sadd.s32 s2, s17  }
0x8e: {  	[smem:$0x3FC3] =	sst s2  }
0x8f: {  	_ = 	snop  }
0x90: {  	s2 =	sld [smem:$0x3FC9]  }
0x91: {  	s18 =	sld [smem:$0x3FC8]  }
0x92: {  	s4 =	sld [smem:$0x3FC7]  }
0x93: {  	s5 =	sld [smem:$0x3FD0];
	(tm) =	ssettm $0x1  }
0x94: {  	s6 =	sld [smem:$0x3FFB];
	_ =	sdelay $0x3  }
0x95: {  	_ =	strace s6  }
0x96: {  	s6 =	sld [smem:$0x3FFC];
	_ =	sdelay $0x3  }
0x97: {  	_ =	strace s6  }
0x98: {  	s6 =	sld [smem:$0x3FFD];
	_ =	sdelay $0x3  }
0x99: {  	_ =	strace s6  }
0x9a: {  	_ =	strace $0x8FFFFFFF  }
0x9b: {  	s19 =	sld [smem:$0x3FDB];
	_ =	sdelay $0x1  }
0x9c: {  	s7 =	simm.s32 $_scs_section_size  }
0x9d: {  	s8 =	simm.s32 $_size__tile_overlayer_lowered;
	s9 =	simm.s32 $_tile_overlayer_lowered  }
0x9e: {  	s22 =	simm.s32 $0x1BFF;
	s21 =	sshll.u32 s9, $0x1;
	s6 =	sadd.s32 s7, s19  }
0x9f: {  	s10 =	simm.s32 $0x0;
	s20 =	sshll.u32 s8, $0x1;
	s8 =	sadd.s32 s21, s6  }
0xa0: {  	[timem:s10], [sflag:s22] =	dma.local [hbm:s8], s20  }
0xa1: {  	_ =	swait.ge [sflag:s22], s20  }
0xa2: {  	s7 =	ssub.s32 $0x0, s20;
	[sflag:s22] =	ssyncset.done $0x0  }
0xa3: {  	[sflag:s22] =	ssyncadd.s32 s7;
	_ =	sdelay $0x1  }
0xa4: {  	s23 =	simm.s32 $0x1B8B  }
0xa5: {  	_ =	swait.ge [sflag:s23], $0x1  }
0xa6: {  	[sflag:s23] =	ssyncset.done $0x0  }
0xa7: {  	s25 =	simm.s32 $0x1B8E;
	s24 =	sld [smem:$0x3FFE];
	[sflag:s23] =	ssyncadd.s32 $0xFFFFFFFF  }
0xa8: {  	s26 =	simm.s32 $execute0_lowered;
	[smem:$0x3FD2] =	sst s25  }
0xa9: {  	s8 =	sshll.u32 s26, $0x1;
	_ =	strace $0x80000049;
	[dreg:$0x1] =	wrdreg $0xFFFFFFFF  }
0xaa: {  	s28 =	simm.s32 $_size_execute0_lowered;
	s6 =	sadd.s32 s6, s8;
	[dreg:$0x0] =	wrdreg $0x0  }
0xab: {  	s8 =	sshll.u32 s28, $0x1;
	[dreg:$0x2] =	wrdreg s6  }
0xac: {  	[dreg:$0x3] =	wrdreg s8  }
0xad: {  	[dreg:$0x4] =	wrdreg $0xC0  }
0xae: {  	_ =	task [dreg:s10], $0x5FFFF  }
0xaf: {  	[dreg:$0x1] =	wrdreg $0xFFFFFFFF  }
0xb0: {  	[dreg:$0x0] =	wrdreg $0x60  }
0xb1: {  	[dreg:$0x2] =	wrdreg s2  }
0xb2: {  	[dreg:$0x3] =	wrdreg s18  }
0xb3: {  	[dreg:$0x4] =	wrdreg s4  }
0xb4: {  	[dreg:$0x5] =	wrdreg s24  }
0xb5: {  	[dreg:$0x6] =	wrdreg s5  }
0xb6: {  	[dreg:$0x7] =	wrdreg $0x9  }
0xb7: {  	_ =	task.clear_ibuf [dreg:s10], $0x8FFFF;
	_ =	strace $0x90000049  }
0xb8: {  	s29 =	simm.s32 $0x9;
	_ =	strace $0x8000004B  }
0xb9: {  	_ =	swait.ge [sflag:s29], $0x1  }
0xba: {  	[sflag:s29] =	ssyncadd.s32 $0xFFFFFFFF  }
0xbb: {  	_ =	strace $0x9000004B  }
0xbc: {  	_ =	sfence  }
0xbd: {  	s30 =	sld [smem:$0x0];
	_ =	sdelay $0x2  }
0xbe: {  	s31 =	sshll.u32 s1, $0xD;
	s1 =	sshrl.u32 s1, $0x2  }
0xbf: {  	s3 =	sand.u32 $0x4000, s31;
	s1 =	sadd.s32 s1, s30  }
0xc0: {  	s0 =	sor.u32 s3, s0;
	s1 =	sshll.u32 s1, $0x11  }
0xc1: {  	s0 =	sor.u32 s1, s0  }
0xc2: {  	s0 =	sadd.s32 $0x8F2B, s0  }
0xc3: {  	[sflag:s0] =	ssyncadd.remote.s32 $0x1  }
0xc4: {  	_ =	sfence.sel $0xFFFF  }
0xc5: {  	[dreg:$0x0] =	wrdreg $0xFFFFFFFF;
	(pc) =	sbr.abs _section_cstart, $3  }
0xc6: {  	[dreg:$0x1] =	wrdreg $0xFFFFFFFF  }
0xc7: {  	_ =	task.clear_ibuf [dreg:s10], $0x2FFFF;
	_ =	strace $0x9FFFFFFF  }
0xc8: {  	(tm) =	ssettm $0x7FFFFFFF  }
0xc9: {  	_ =	shalt  }
tec
execute0_lowered:
.L_overlay_start_1:
0x0: {  	(tag) =	ssettag $0x1  }
0x1: {  	s5 =	rddreg [dreg:$0x0]  }
0x2: {  	s6 =	rddreg [dreg:$0x1]  }
0x3: {  	s7 =	rddreg [dreg:$0x2]  }
0x4: {  	s4 =	rddreg [dreg:$0x3]  }
0x5: {  	s8 =	rddreg [dreg:$0x4]  }
0x6: {  	s0 =	rddreg [dreg:$0x5];
	s1 =	simm.s32 $0x0  }
0x7: {  	s9 =	srdreg.scid;
	s2 =	stileid.u32;
	s13 =	simm.s32 $0x100  }
0x8: {  	s14 =	simm.s32 $0x600;
	s15 =	simm.s32 $0x8600;
	s16 =	simm.s32 $0x10600  }
0x9: {  	s17 =	simm.s32 $0x1;
	s18 =	simm.s32 $0x18600;
	s19 =	simm.s32 $0x300  }
0xa: {  	s20 =	simm.s32 $0x500;
	s21 =	simm.s32 $0x0;
	[smem:$0x7FF] =	sst s1  }
0xb: {  	s3 =	sadd.s32 $0xA00, s4;
	s9 =	sand.u32 $0x1, s9;
	s11 =	sshll.u32 s2, $0x7  }
0xc: {  	s4 =	sadd.s32 $0xF42E00, s4;
	s10 =	ssub.s32 $0x2, s9;
	s9 =	sshll.u32 s9, $0x6  }
0xd: {  	_ =	strace $0x8000004A;
	s12 =	sshrl.u32 s10, $0x1;
	s9 =	sor.u32 s9, s11  }
0xe: {  	s11 =	simm.s32 $0x200;
	s10 =	ssub.s32 s10, s12;
	s5 =	sadd.s32 s5, s9  }
0xf: {  	s6 =	sadd.s32 s6, s9;
	s7 =	sadd.s32 s7, s9;
	s8 =	sadd.s32 s8, s9  }
0x10: {  	vm0 =	vcmask $0x3F3C;
	s12 =	simm.s32 $0x400;
	s9 =	smax.u32 s10, $0x1;
	s10 =	simm.s32 $0x2  }
.LBB2_1:
0x11: {  	[tilespmem:s1], [sflag:$0x2] =	stream.linear.gather [hbm4b:s5+s1], $0x200, $0x38;
	[tilespmem:$0x18800] =	vst v63  }
0x12: {  	_ =	swait.ge [sflag:s10], $0x200  }
0x13: {  	[sflag:s10] =	ssyncset.done $0x0  }
0x14: {  	[sflag:s10] =	ssyncadd.s32 $0xFFFFFE00  }
0x15: {  	[tilespmem:s11], [sflag:$0x2] =	stream.linear.gather [hbm4b:s6+s1], $0x200, $0x38;
	[tilespmem:$0x18800] =	vst v63  }
0x16: {  	_ =	swait.ge [sflag:s10], $0x200  }
0x17: {  	[sflag:s10] =	ssyncset.done $0x0  }
0x18: {  	[sflag:s10] =	ssyncadd.s32 $0xFFFFFE00  }
0x19: {  	[tilespmem:s12], [sflag:$0x2] =	stream.linear.gather [hbm4b:s7+s1], $0x200, $0x38;
	[tilespmem:$0x18800] =	vst v63  }
0x1a: {  	_ =	swait.ge [sflag:s10], $0x200  }
0x1b: {  	[sflag:s10] =	ssyncset.done $0x0  }
0x1c: {  	[sflag:s10] =	ssyncadd.s32 $0xFFFFFE00  }
0x1d: {  	[tilespmem:s14], [sflag:$0x1] =	stream.indirect.gather [hbm4b:s3+s13], $0x80, s1, s13, $0xb8;
	[tilespmem:$0x18800] =	vst v63  }
0x1e: {  	_ = 	snop  }
0x1f: {  	[tilespmem:s15], [sflag:$0x1] =	stream.indirect.gather [hbm4b:s4+s13], $0x80, s11, s13, $0xb8;
	[tilespmem:$0x18800] =	vst v63  }
0x20: {  	_ = 	snop  }
0x21: {  	[tilespmem:s16], [sflag:$0x1] =	stream.indirect.gather [hbm4b:s3+s13], $0x80, s12, s13, $0xb8;
	[tilespmem:$0x18800] =	vst v63  }
0x22: {  	_ =	swait.ge [sflag:s17], $0x8000  }
0x23: {  	[sflag:s17] =	ssyncset.done $0x0  }
0x24: {  	[sflag:s17] =	ssyncadd.s32 $0xFFFF8000  }
0x25: {  	_ =	swait.ge [sflag:s17], $0x8000  }
0x26: {  	[sflag:s17] =	ssyncset.done $0x0  }
0x27: {  	[sflag:s17] =	ssyncadd.s32 $0xFFFF8000  }
0x28: {  	_ =	swait.ge [sflag:s17], $0x8000  }
0x29: {  	[sflag:s17] =	ssyncset.done $0x0  }
0x2a: {  	s24 =	simm.s32 $0x620;
	[sflag:s17] =	ssyncadd.s32 $0xFFFF8000  }
0x2b: {  	s23 =	simm.s32 $0x10620;
	v0 =	vld [tilespmem:s24+$0x10]  }
0x2c: {  	v1 =	vld [tilespmem:s23+$0xFFFFFFE0]  }
0x2d: {  	s25 =	simm.s32 $0x8620;
	v2 =	vld [tilespmem:s24+$0x0]  }
0x2e: {  	v3 =	vld [tilespmem:s25+$0xFFFFFFE0]  }
0x2f: {  	v4 =	vld [tilespmem:s24+$0xFFFFFFE0]  }
0x30: {  	v5 =	vld [tilespmem:s24+$0xFFFFFFF0]  }
0x31: {  	s26 =	simm.s32 $0x1;
	s22 =	simm.s32 $0x0;
	v6 =	vld [tilespmem:s25+$0xFFFFFFF0]  }
.LBB2_2:
0x32: {  	p0 =	sne.s32 s26, $0xFF;
	v7 =	vld [tilespmem:s25+$0x0]  }
0x33: {  	v8 =	vld [tilespmem:s23+$0xFFFFFFF0]  }
0x34: {  	v9 =	vld [tilespmem:s25+$0x10]  }
0x35: {  	v10 =	vld [tilespmem:s23+$0x0]  }
0x36: {  	v3 =	vadd.f32 v3, v4;
	v4 =	vadd.f32 v6, v5  }
0x37: {  	v2 =	vadd.f32 v7, v2;
	v5 =	vld [tilespmem:s23+$0x10]  }
0x38: {  	v1 =	vsub.f32 v3, v1;
	v3 =	vsub.f32 v4, v8  }
0x39: {  	v0 =	vadd.f32 v9, v0  }
0x3a: {  	v1 =	vmul.f32 v1, v1;
	v3 =	vmul.f32 v3, v3;
	v2 =	vsub.f32 v2, v10;
	_ =	sdelay $0x1  }
0x3b: {  	v1 =	vadd.f32 v3, v1;
	v2 =	vmul.f32 v2, v2;
	v0 =	vsub.f32 v0, v5;
	_ =	sdelay $0x1  }
0x3c: {  	v1 =	vadd.f32 v2, v1;
	v0 =	vmul.f32 v0, v0;
	_ =	sdelay $0x1  }
0x3d: {  	v0 =	vadd.f32 v0, v1;
	_ =	sdelay $0x1  }
0x3e: {  	(xrf2) =	vadd.scan.msk.f32 $0xffff, v0;
	_ =	sdelay $0x5  }
0x3f: {  	v0 =	vmov s22;
	s22 =	smov.u32 s26;
	_ =	sdelay $0x3  }
0x40: {  	v1, _, _ =	vpop (xrf2)  }
0x41: {  	s24 =	sadd.s32 $0x80, s24;
	[tilespmem:v0+s18+$0x0] =	vst.idx.msk vm0, v1  }
0x42: {  	s23 =	sadd.s32 $0x80, s23;
	v0 =	vld [tilespmem:s24+$0x10]  }
0x43: {  	v1 =	vld [tilespmem:s23+$0xFFFFFFE0]  }
.Ltmp0:
0x44: {  	s25 =	sadd.s32 $0x80, s25;
	v2 =	vld [tilespmem:s24+$0x0];
	(pc) =	sbr.rel @p0 .LBB2_2-.Ltmp0, $4  }
0x45: {  	v3 =	vld [tilespmem:s25+$0xFFFFFFE0]  }
0x46: {  	v4 =	vld [tilespmem:s24+$0xFFFFFFE0]  }
0x47: {  	v5 =	vld [tilespmem:s24+$0xFFFFFFF0]  }
0x48: {  	s26 =	sadd.s32 $0x1, s26;
	v6 =	vld [tilespmem:s25+$0xFFFFFFF0]  }
0x49: {  	v7 =	vld [tilespmem:s25+$0x0]  }
0x4a: {  	v8 =	vld [tilespmem:s23+$0xFFFFFFF0]  }
0x4b: {  	v9 =	vld [tilespmem:s25+$0x10]  }
0x4c: {  	v10 =	vld [tilespmem:s23+$0x0];
	v3 =	vadd.f32 v3, v4  }
0x4d: {  	v4 =	vadd.f32 v6, v5  }
0x4e: {  	v5 =	vld [tilespmem:s23+$0x10];
	v1 =	vsub.f32 v3, v1  }
0x4f: {  	v2 =	vadd.f32 v7, v2;
	v3 =	vsub.f32 v4, v8  }
0x50: {  	v0 =	vadd.f32 v9, v0  }
0x51: {  	v1 =	vmul.f32 v1, v1;
	v2 =	vsub.f32 v2, v10;
	v3 =	vmul.f32 v3, v3;
	_ =	sdelay $0x1  }
0x52: {  	v2 =	vmul.f32 v2, v2;
	v0 =	vsub.f32 v0, v5;
	v1 =	vadd.f32 v3, v1;
	_ =	sdelay $0x1  }
0x53: {  	v0 =	vmul.f32 v0, v0;
	v1 =	vadd.f32 v2, v1;
	_ =	sdelay $0x1  }
0x54: {  	v0 =	vadd.f32 v0, v1;
	_ =	sdelay $0x1  }
0x55: {  	(xrf2) =	vadd.scan.msk.f32 $0xffff, v0;
	_ =	sdelay $0x5  }
0x56: {  	v0 =	vmov s22;
	_ =	sdelay $0x3  }
0x57: {  	v1, _, _ =	vpop (xrf2)  }
0x58: {  	s22 =	simm.s32 $0x100;
	[tilespmem:v0+s18+$0x0] =	vst.idx.msk vm0, v1  }
0x59: {  	[tilespmem:s14], [sflag:$0x1] =	stream.indirect.gather [hbm4b:s3+s22], $0x80, s22, s22, $0xb8;
	[tilespmem:$0x18800] =	vst v63  }
0x5a: {  	_ = 	snop  }
0x5b: {  	[tilespmem:s15], [sflag:$0x1] =	stream.indirect.gather [hbm4b:s4+s22], $0x80, s19, s22, $0xb8;
	[tilespmem:$0x18800] =	vst v63  }
0x5c: {  	_ = 	snop  }
0x5d: {  	[tilespmem:s16], [sflag:$0x1] =	stream.indirect.gather [hbm4b:s3+s22], $0x80, s20, s22, $0xb8;
	[tilespmem:$0x18800] =	vst v63  }
0x5e: {  	_ =	swait.ge [sflag:s17], $0x8000  }
0x5f: {  	[sflag:s17] =	ssyncset.done $0x0  }
0x60: {  	[sflag:s17] =	ssyncadd.s32 $0xFFFF8000  }
0x61: {  	_ =	swait.ge [sflag:s17], $0x8000  }
0x62: {  	[sflag:s17] =	ssyncset.done $0x0  }
0x63: {  	[sflag:s17] =	ssyncadd.s32 $0xFFFF8000  }
0x64: {  	_ =	swait.ge [sflag:s17], $0x8000  }
0x65: {  	[sflag:s17] =	ssyncset.done $0x0  }
0x66: {  	s24 =	simm.s32 $0x620;
	[sflag:s17] =	ssyncadd.s32 $0xFFFF8000  }
0x67: {  	s23 =	simm.s32 $0x10620;
	v0 =	vld [tilespmem:s24+$0x10]  }
0x68: {  	v1 =	vld [tilespmem:s23+$0xFFFFFFE0]  }
0x69: {  	s25 =	simm.s32 $0x8620;
	v2 =	vld [tilespmem:s24+$0x0]  }
0x6a: {  	v3 =	vld [tilespmem:s25+$0xFFFFFFE0]  }
0x6b: {  	v4 =	vld [tilespmem:s24+$0xFFFFFFE0]  }
0x6c: {  	v5 =	vld [tilespmem:s24+$0xFFFFFFF0]  }
0x6d: {  	s26 =	simm.s32 $0x101;
	v6 =	vld [tilespmem:s25+$0xFFFFFFF0]  }
.LBB2_4:
0x6e: {  	p0 =	sne.s32 s26, $0x1FF;
	v7 =	vld [tilespmem:s25+$0x0]  }
0x6f: {  	v8 =	vld [tilespmem:s23+$0xFFFFFFF0]  }
0x70: {  	v9 =	vld [tilespmem:s25+$0x10]  }
0x71: {  	v10 =	vld [tilespmem:s23+$0x0]  }
0x72: {  	v3 =	vadd.f32 v3, v4;
	v4 =	vadd.f32 v6, v5  }
0x73: {  	v2 =	vadd.f32 v7, v2;
	v5 =	vld [tilespmem:s23+$0x10]  }
0x74: {  	v1 =	vsub.f32 v3, v1;
	v3 =	vsub.f32 v4, v8  }
0x75: {  	v0 =	vadd.f32 v9, v0  }
0x76: {  	v1 =	vmul.f32 v1, v1;
	v3 =	vmul.f32 v3, v3;
	v2 =	vsub.f32 v2, v10;
	_ =	sdelay $0x1  }
0x77: {  	v1 =	vadd.f32 v3, v1;
	v2 =	vmul.f32 v2, v2;
	v0 =	vsub.f32 v0, v5;
	_ =	sdelay $0x1  }
0x78: {  	v1 =	vadd.f32 v2, v1;
	v0 =	vmul.f32 v0, v0;
	_ =	sdelay $0x1  }
0x79: {  	v0 =	vadd.f32 v0, v1;
	_ =	sdelay $0x1  }
0x7a: {  	(xrf2) =	vadd.scan.msk.f32 $0xffff, v0;
	_ =	sdelay $0x5  }
0x7b: {  	v0 =	vmov s22;
	s22 =	smov.u32 s26;
	_ =	sdelay $0x3  }
0x7c: {  	v1, _, _ =	vpop (xrf2)  }
0x7d: {  	s24 =	sadd.s32 $0x80, s24;
	[tilespmem:v0+s18+$0x0] =	vst.idx.msk vm0, v1  }
0x7e: {  	s23 =	sadd.s32 $0x80, s23;
	v0 =	vld [tilespmem:s24+$0x10]  }
0x7f: {  	v1 =	vld [tilespmem:s23+$0xFFFFFFE0]  }
.Ltmp1:
0x80: {  	s25 =	sadd.s32 $0x80, s25;
	v2 =	vld [tilespmem:s24+$0x0];
	(pc) =	sbr.rel @p0 .LBB2_4-.Ltmp1, $4  }
0x81: {  	v3 =	vld [tilespmem:s25+$0xFFFFFFE0]  }
0x82: {  	v4 =	vld [tilespmem:s24+$0xFFFFFFE0]  }
0x83: {  	v5 =	vld [tilespmem:s24+$0xFFFFFFF0]  }
0x84: {  	s26 =	sadd.s32 $0x1, s26;
	v6 =	vld [tilespmem:s25+$0xFFFFFFF0]  }
0x85: {  	v7 =	vld [tilespmem:s25+$0x0]  }
0x86: {  	v8 =	vld [tilespmem:s23+$0xFFFFFFF0]  }
0x87: {  	v9 =	vld [tilespmem:s25+$0x10]  }
0x88: {  	v10 =	vld [tilespmem:s23+$0x0];
	v3 =	vadd.f32 v3, v4  }
0x89: {  	v59 =	vadd.f32 v6, v5  }
0x8a: {  	v60 =	vld [tilespmem:s23+$0x10];
	v1 =	vsub.f32 v3, v1  }
0x8b: {  	v2 =	vadd.f32 v7, v2;
	v61 =	vsub.f32 v59, v8  }
0x8c: {  	v0 =	vadd.f32 v9, v0  }
0x8d: {  	v1 =	vmul.f32 v1, v1;
	v2 =	vsub.f32 v2, v10;
	v3 =	vmul.f32 v61, v61;
	_ =	sdelay $0x1  }
0x8e: {  	v0 =	vsub.f32 v0, v60;
	v2 =	vmul.f32 v2, v2;
	v1 =	vadd.f32 v3, v1;
	_ =	sdelay $0x1  }
0x8f: {  	v0 =	vmul.f32 v0, v0;
	v1 =	vadd.f32 v2, v1;
	_ =	sdelay $0x1  }
0x90: {  	v0 =	vadd.f32 v0, v1;
	_ =	sdelay $0x1  }
0x91: {  	(xrf2) =	vadd.scan.msk.f32 $0xffff, v0;
	_ =	sdelay $0x5  }
0x92: {  	v62 =	vmov s22;
	_ =	sdelay $0x3  }
0x93: {  	v63, _, _ =	vpop (xrf2)  }
0x94: {  	s22 =	simm.s32 $0x0;
	s23 =	simm.s32 $0x40;
	[tilespmem:v62+s18+$0x0] =	vst.idx.msk vm0, v63  }
.LBB2_6:
0x95: {  	p0 =	sne.s32 s23, $0x7C0;
	v0 =	vld [tilespmem:s22+$0x18600];
	_ =	sdelay $0x4  }
0x96: {  	v1 =	vshra.s32 v0, $0x1  }
0x97: {  	v1 =	vadd.s32 $0x1FBD1DF5, v1  }
0x98: {  	(erf) = vrcp.f32 v1;
	_ =	sdelay $0x8  }
0x99: {  	v2 =	vpop (erf)  }
0x9a: {  	v2 =	vmul.f32 v2, v0;
	_ =	sdelay $0x1  }
0x9b: {  	v1 =	vadd.f32 v1, v2;
	_ =	sdelay $0x1  }
0x9c: {  	v1 =	vmul.f32 $5.000000000e-01, v1;
	_ =	sdelay $0x1  }
0x9d: {  	(erf) = vrcp.f32 v1;
	_ =	sdelay $0x8  }
0x9e: {  	v2 =	vpop (erf)  }
0x9f: {  	v2 =	vmul.f32 v2, v0;
	_ =	sdelay $0x1  }
0xa0: {  	v1 =	vadd.f32 v2, v1;
	_ =	sdelay $0x1  }
0xa1: {  	v1 =	vmul.f32 $5.000000000e-01, v1;
	_ =	sdelay $0x1  }
0xa2: {  	(erf) = vrcp.f32 v1;
	_ =	sdelay $0x8  }
0xa3: {  	v2 =	vpop (erf)  }
0xa4: {  	v0 =	vmul.f32 v2, v0;
	_ =	sdelay $0x1  }
.Ltmp2:
0xa5: {  	v0 =	vadd.f32 v0, v1;
	(pc) =	sbr.rel @p0 .LBB2_6-.Ltmp2, $3  }
0xa6: {  	_ = 	snop  }
0xa7: {  	v0 =	vmul.f32 $5.000000000e-01, v0;
	_ =	sdelay $0x1  }
0xa8: {  	[tilespmem:s22+$0x18600] =	vst v0;
	s22 =	sshra.s32 s23, $0x2;
	s23 =	sadd.s32 $0x40, s23  }
0xa9: {  	v0 =	vld [tilespmem:s22+$0x18600];
	_ =	sdelay $0x4  }
0xaa: {  	v1 =	vshra.s32 v0, $0x1  }
0xab: {  	v1 =	vadd.s32 $0x1FBD1DF5, v1  }
0xac: {  	(erf) = vrcp.f32 v1;
	_ =	sdelay $0x8  }
0xad: {  	v2 =	vpop (erf)  }
0xae: {  	v2 =	vmul.f32 v2, v0;
	_ =	sdelay $0x1  }
0xaf: {  	v1 =	vadd.f32 v1, v2;
	_ =	sdelay $0x1  }
0xb0: {  	v1 =	vmul.f32 $5.000000000e-01, v1;
	_ =	sdelay $0x1  }
0xb1: {  	(erf) = vrcp.f32 v1;
	_ =	sdelay $0x8  }
0xb2: {  	v62 =	vpop (erf)  }
0xb3: {  	v2 =	vmul.f32 v62, v0;
	_ =	sdelay $0x1  }
0xb4: {  	v1 =	vadd.f32 v2, v1;
	_ =	sdelay $0x1  }
0xb5: {  	v1 =	vmul.f32 $5.000000000e-01, v1;
	_ =	sdelay $0x1  }
0xb6: {  	(erf) = vrcp.f32 v1;
	_ =	sdelay $0x8  }
0xb7: {  	v63 =	vpop (erf)  }
0xb8: {  	v0 =	vmul.f32 v63, v0;
	_ =	sdelay $0x1  }
0xb9: {  	v0 =	vadd.f32 v0, v1;
	_ =	sdelay $0x1  }
0xba: {  	s21 =	sadd.s32 $0x1, s21;
	v0 =	vmul.f32 $5.000000000e-01, v0  }
0xbb: {  	p0 =	sne.s32 s21, s9  }
.Ltmp3:
0xbc: {  	[tilespmem:s22+$0x18600] =	vst v0;
	(pc) =	sbr.rel @p0 .LBB2_1-.Ltmp3, $4  }
0xbd: {  	[hbm4b:s8+s1] =	stream.linear.scatter [tilespmem:s18], [sflag:$0x2], $0x200, $0x38;
	[tilespmem:$0x18800] =	vst v63  }
0xbe: {  	_ =	swait.ge [sflag:s10], $0x200  }
0xbf: {  	[sflag:s10] =	ssyncset.done $0x0  }
0xc0: {  	[sflag:s10] =	ssyncadd.s32 $0xFFFFFE00  }
0xc1: {  	_ =	sfence.sel $0x180000  }
0xc2: {  	[bflag:$0x0] =	sbarrier.arrive $0xFFFF  }
0xc3: {  	p0 =	sne.s32 s2, $0x0;
	_ =	strace $0x9000004A  }
0xc4: {  	s0 =	sadd.s32 @!p0 $0x100000, s0;
	[bflag:$0x2] =	sbarrier.arrive $0xFFFF  }
0xc5: {  	[sflag:s0] =	ssyncadd.tile.s32 @!p0 $0x1;
	_ =	shalt  }
.Lfunc_end2:
_tile_overlayer_lowered:
.L_overlay_start_2:
0xc6: {  	(tag) =	ssettag $0x2  }
0xc7: {  	s0 =	rddreg [dreg:$0x0];
	s2 =	stileid.u32  }
0xc8: {  	s1 =	rddreg [dreg:$0x1];
	p0 =	sne.s32 s2, $0x0  }
0xc9: {  	s3 =	rddreg [dreg:$0x2];
	[bflag:$0x3] =	sbarrier.arrive $0xFFFF;
	s2 =	simm.s32 @!p0 $0x1C02  }
0xca: {  	[timem:s3], [sflag:s2] =	dma.local @!p0 [hbm:s0], s1  }
0xcb: {  	s0 =	simm.s32 @!p0 $0x2  }
0xcc: {  	_ =	swait.ge @!p0 [sflag:s0], s1  }
0xcd: {  	s1 =	ssub.s32 @!p0 $0x0, s1;
	[sflag:s0] =	ssyncset.done @!p0 $0x0  }
0xce: {  	[sflag:s0] =	ssyncadd.s32 @!p0 s1  }
0xcf: {  	[bflag:$0x3] =	sbarrier.arrive $0xFFFF  }
0xd0: {  	_ =	shalt  }

</sc_bundles>
